<compile_context>
chip_gen: v7x
topology: tpu7x:2x2x1
jax: 0.10.2.dev20260603
libtpu: 0.0.44.dev20260713+nightly
codegen_flags: <defaults>
</compile_context>

<pallas_src>
import functools

import jax
import jax.numpy as jnp
from jax import lax
from jax.experimental import pallas as pl
from jax.experimental.pallas import tpu as pltpu
from jax.experimental.pallas import tpu_sc as plsc

N_NODES = 10000
N_EDGES = 320000
IN_DIM = 128
HID = 256
LN_EPS = 1e-5

NC = 2
NS = 16
CHUNK = 128
N_ACC = 10112
DUMMY_ROW = N_NODES
ZROWS = N_ACC // NS


def _pad_per_tile(n_per_tile: int) -> int:
    return ((n_per_tile + CHUNK - 1) // CHUNK) * CHUNK


def _make_sc_aggregate(e_pt: int):
    nchunks = e_pt // CHUNK
    mesh = plsc.VectorSubcoreMesh(
        core_axis_name="c", subcore_axis_name="s", num_cores=NC, num_subcores=NS)

    @functools.partial(
        pl.kernel,
        mesh=mesh,
        out_type=jax.ShapeDtypeStruct((NC * N_ACC, 128), jnp.float32),
        scratch_types=[
            pltpu.VMEM((CHUNK,), jnp.int32),
            pltpu.VMEM((CHUNK,), jnp.int32),
            pltpu.VMEM((CHUNK, 128), jnp.float32),
            pltpu.VMEM_SHARED((N_ACC, 128), jnp.float32),
            pltpu.SemaphoreType.DMA,
        ],
    )
    def k(xv_hbm, gidx_hbm, ddst_hbm, out_hbm, ibuf, dbuf, rows, acc, sem):
        c = lax.axis_index("c")
        s = lax.axis_index("s")
        zero16 = jnp.zeros((16,), jnp.float32)

        def zrow(r, carry):
            for j in range(8):
                rows[r, pl.ds(j * 16, 16)] = zero16
            return carry

        lax.fori_loop(0, CHUNK, zrow, 0)
        for kk in range(5):
            sz = 128 if kk < 4 else ZROWS - 4 * 128
            pltpu.sync_copy(rows.at[pl.ds(0, sz)], acc.at[pl.ds(s * ZROWS + kk * 128, sz)])
        plsc.subcore_barrier()

        tile_base = (c * NS + s) * e_pt

        def chunk_body(g, carry):
            base = tile_base + g * CHUNK
            pltpu.sync_copy(gidx_hbm.at[pl.ds(base, CHUNK)], ibuf)
            pltpu.sync_copy(ddst_hbm.at[pl.ds(base, CHUNK)], dbuf)
            pltpu.async_copy(xv_hbm.at[ibuf], rows, sem).wait()
            pltpu.sync_copy(rows, acc.at[dbuf], add=True)
            return carry

        lax.fori_loop(0, nchunks, chunk_body, 0)
        plsc.subcore_barrier()

        n_out_chunks = N_ACC // 128

        def copy_chunk(j):
            @pl.when(j < n_out_chunks)
            def _():
                pltpu.sync_copy(acc.at[pl.ds(j * 128, 128)], rows)
                pltpu.sync_copy(rows, out_hbm.at[pl.ds(c * N_ACC + j * 128, 128)])

        for t in range(5):
            copy_chunk(s + NS * t)

    return k


_sc_agg_cache = {}


def _sc_aggregate(xv, gidx, ddst, e_pt):
    if e_pt not in _sc_agg_cache:
        _sc_agg_cache[e_pt] = _make_sc_aggregate(e_pt)
    out = _sc_agg_cache[e_pt](xv, gidx, ddst)
    return out.reshape(NC, N_ACC, 128)


def _make_tc_layer(d_in: int, split_features: bool):
    R = 1000
    grid = N_NODES // R

    def body(x_ref, p_ref, w_ref, b_ref, g_ref, beta_ref, o_ref):
        x = x_ref[...]
        if split_features:
            h = x + jnp.concatenate([p_ref[0], p_ref[1]], axis=1)
        else:
            h = x + p_ref[0] + p_ref[1]
        z = jnp.dot(h, w_ref[...], preferred_element_type=jnp.float32)
        z = z + b_ref[...]
        mu = jnp.mean(z, axis=1, keepdims=True)
        zc = z - mu
        var = jnp.mean(zc * zc, axis=1, keepdims=True)
        zn = zc * lax.rsqrt(var + LN_EPS)
        h = zn * g_ref[...] + beta_ref[...]
        o_ref[...] = jnp.maximum(h, 0.0)

    return pl.pallas_call(
        body,
        grid=(grid,),
        in_specs=[
            pl.BlockSpec((R, d_in), lambda i: (i, 0)),
            pl.BlockSpec((NC, R, 128), lambda i: (0, i, 0)),

            pl.BlockSpec((d_in, HID), lambda i: (0, 0)),
            pl.BlockSpec((1, HID), lambda i: (0, 0)),
            pl.BlockSpec((1, HID), lambda i: (0, 0)),
            pl.BlockSpec((1, HID), lambda i: (0, 0)),
        ],
        out_specs=pl.BlockSpec((R, HID), lambda i: (i, 0)),
        out_shape=jax.ShapeDtypeStruct((N_NODES, HID), jnp.float32),
    )


_tc_layer_cache = {}


def _tc_layer(x, parts, W, b, g, beta, split_features):
    key = (x.shape[1], split_features)
    if key not in _tc_layer_cache:
        _tc_layer_cache[key] = _make_tc_layer(x.shape[1], split_features)
    return _tc_layer_cache[key](
        x, parts, W, b.reshape(1, HID), g.reshape(1, HID), beta.reshape(1, HID))


def _edge_layout_split(src, dst):
    per_tile = N_EDGES // (NC * NS)
    ppt = _pad_per_tile(per_tile)
    s2 = src.reshape(NC * NS, per_tile)
    d2 = dst.reshape(NC * NS, per_tile)
    pad = ((0, 0), (0, ppt - per_tile))
    gidx = jnp.pad(s2, pad, constant_values=0).reshape(-1)
    ddst = jnp.pad(d2, pad, constant_values=DUMMY_ROW).reshape(-1)
    return gidx, ddst, ppt


def _edge_layout_full(src, dst):
    per_tile = N_EDGES // NS
    ppt = _pad_per_tile(per_tile)
    s2 = src.reshape(NS, per_tile)
    d2 = dst.reshape(NS, per_tile)
    pad = ((0, 0), (0, ppt - per_tile))
    s2 = jnp.pad(s2, pad, constant_values=0)
    d2 = jnp.pad(d2, pad, constant_values=DUMMY_ROW)
    gidx = jnp.stack([2 * s2, 2 * s2 + 1]).reshape(-1)
    ddst = jnp.stack([d2, d2]).reshape(-1)
    return gidx, ddst, ppt


def kernel(x, edge_index, W0, b0, g0, beta0, W1, b1, g1, beta1, W2, b2, g2, beta2):
    src = edge_index[0].astype(jnp.int32)
    dst = edge_index[1].astype(jnp.int32)

    gidx0, ddst0, ppt0 = _edge_layout_split(src, dst)
    gidx1, ddst1, ppt1 = _edge_layout_full(src, dst)

    p0 = _sc_aggregate(x, gidx0, ddst0, ppt0)
    h1 = _tc_layer(x, p0, W0, b0, g0, beta0, split_features=False)

    p1 = _sc_aggregate(h1.reshape(2 * N_NODES, 128), gidx1, ddst1, ppt1)
    h2 = _tc_layer(h1, p1, W1, b1, g1, beta1, split_features=True)

    p2 = _sc_aggregate(h2.reshape(2 * N_NODES, 128), gidx1, ddst1, ppt1)
    h3 = _tc_layer(h2, p2, W2, b2, g2, beta2, split_features=True)

    return jnp.concatenate([x, h1, h2, h3], axis=1)

# --- scband reference (transcript-rebuilt; emitter-appended) ---
"""Pipeline reference for scband-graph-encoder-1623497638439 (READ-ONLY COPY).

The authoritative reference and input builder live on the scoring server;
editing this copy changes nothing except your own understanding.
"""

import jax, jax.numpy as jnp
import numpy as np

N_NODES = 10000
N_EDGES = 320000
IN_DIM = 128
HID = 256
N_LAYERS = 3
LN_EPS = 1e-5


def setup_inputs(seed: int = 0) -> dict:
    key = jax.random.key(seed)
    ks = jax.random.split(key, 2 + 4 * N_LAYERS)
    x = jax.random.normal(ks[0], (N_NODES, IN_DIM), dtype=jnp.float32)
    edge_index = jax.random.randint(ks[1], (2, N_EDGES), 0, N_NODES, dtype=jnp.int64)
    inp = {"x": x, "edge_index": edge_index}
    curr = IN_DIM
    for i in range(N_LAYERS):
        kw, kb = ks[2 + 4 * i], ks[3 + 4 * i]
        inp[f"W{i}"] = jax.random.normal(kw, (curr, HID), dtype=jnp.float32) * (1.0 / np.sqrt(curr))
        inp[f"b{i}"] = jnp.zeros((HID,), dtype=jnp.float32)
        inp[f"g{i}"] = jnp.ones((HID,), dtype=jnp.float32)
        inp[f"beta{i}"] = jnp.zeros((HID,), dtype=jnp.float32)
        curr = HID
    return inp


def _gin_layer(x, edge_index, W, b, g, beta):
    src = edge_index[0]
    dst = edge_index[1]
    # sum aggregation of neighbor messages (GINConv default 'add')
    aggr = jax.ops.segment_sum(x[src], dst, num_segments=x.shape[0])
    h = (1.0 + 0.0) * x + aggr  # eps = 0.0
    # MLP: Linear -> LayerNorm -> ReLU -> Dropout(eval: identity)
    h = h @ W + b
    mu = jnp.mean(h, axis=-1, keepdims=True)
    var = jnp.mean((h - mu) ** 2, axis=-1, keepdims=True)
    h = (h - mu) / jnp.sqrt(var + LN_EPS) * g + beta
    h = jax.nn.relu(h)
    return h


def reference(x, edge_index, W0, b0, g0, beta0, W1, b1, g1, beta1, W2, b2, g2, beta2):
    params = [(W0, b0, g0, beta0), (W1, b1, g1, beta1), (W2, b2, g2, beta2)]
    outputs = [x]
    cur = x
    for (W, b, g, beta) in params:
        cur = _gin_layer(cur, edge_index, W, b, g, beta)
        cur = jax.nn.relu(cur)  # F.relu after conv in forward
        outputs.append(cur)
    return jnp.concatenate(outputs, axis=1)

if __name__ == "__main__":
    import jax
    _d = setup_inputs()
    print(jax.jit(kernel)(*tuple(_d.values())))

</pallas_src>

<mosaic_0001>
#map = affine_map<(d0, d1) -> (0, 0)>
#map1 = affine_map<(d0, d1) -> (0)>
module attributes {stable_mosaic.version = 14 : i64} {
  func.func @k(%arg0: i32, %arg1: i32, %arg2: memref<20000x128xf32, #tpu.memory_space<hbm>>, %arg3: memref<643072xi32, #tpu.memory_space<hbm>>, %arg4: memref<643072xi32, #tpu.memory_space<hbm>>, %arg5: memref<20224x128xf32, #tpu.memory_space<hbm>>, %arg6: memref<128xi32, #tpu.memory_space<vmem>>, %arg7: memref<128xi32, #tpu.memory_space<vmem>>, %arg8: memref<128x128xf32, #tpu.memory_space<vmem>>, %arg9: memref<10112x128xf32, #tpu.memory_space<vmem_shared>>, %arg10: memref<!tpu.dma_semaphore, #tpu.memory_space<semaphore_mem>>) attributes {dimension_semantics = [#tpu.dimension_semantics<core_parallel>, #tpu.dimension_semantics<subcore_parallel>], iteration_bounds = array<i64: 2, 16>, scalar_prefetch = 0 : i64, scratch_operands = 5 : i64, tpu.core_type = #tpu.core_type<sc_vector_subcore>, window_params = [{transform_indices = #map}, {transform_indices = #map1}, {transform_indices = #map1}, {transform_indices = #map}]} {
    %broadcast_in_dim3A = arith.constant 0.000000e+00 : f32
    %broadcast_in_dim3A_0 = vector.broadcast %broadcast_in_dim3A : f32 to vector<16xf32>
    %scan3A = arith.constant 0 : i32
    %scan3A_1 = arith.constant 0 : i32
    %scan3A_2 = arith.constant 128 : i32
    %scan3A_3 = arith.addi %scan3A_1, %scan3A_2 : i32
    %scan3A_4 = arith.constant 1 : i32
    scf.for %scan3A_68 = %scan3A_1 to %scan3A_3 step %scan3A_4  : i32 {
      %swap3A = arith.index_cast %scan3A_68 : i32 to index
      %swap3A_69 = arith.constant 0 : index
      %swap3A_70 = tpu.vector_load %arg8[%swap3A, %swap3A_69] {strides = array<i32>} : memref<128x128xf32, #tpu.memory_space<vmem>>, vector<1x16xf32>,
      %swap3A_71 = vector.shape_cast %swap3A_70 : vector<1x16xf32> to vector<16xf32>
      %swap3A_72 = vector.shape_cast %broadcast_in_dim3A_0 : vector<16xf32> to vector<1x16xf32>
      tpu.vector_store %arg8[%swap3A, %swap3A_69], %swap3A_72 {strides = array<i32>} : memref<128x128xf32, #tpu.memory_space<vmem>>, vector<1x16xf32>,
      %swap3A_73 = arith.index_cast %scan3A_68 : i32 to index
      %swap3A_74 = arith.constant 16 : index
      %swap3A_75 = tpu.vector_load %arg8[%swap3A_73, %swap3A_74] {strides = array<i32>} : memref<128x128xf32, #tpu.memory_space<vmem>>, vector<1x16xf32>,
      %swap3A_76 = vector.shape_cast %swap3A_75 : vector<1x16xf32> to vector<16xf32>
      %swap3A_77 = vector.shape_cast %broadcast_in_dim3A_0 : vector<16xf32> to vector<1x16xf32>
      tpu.vector_store %arg8[%swap3A_73, %swap3A_74], %swap3A_77 {strides = array<i32>} : memref<128x128xf32, #tpu.memory_space<vmem>>, vector<1x16xf32>,
      %swap3A_78 = arith.index_cast %scan3A_68 : i32 to index
      %swap3A_79 = arith.constant 32 : index
      %swap3A_80 = tpu.vector_load %arg8[%swap3A_78, %swap3A_79] {strides = array<i32>} : memref<128x128xf32, #tpu.memory_space<vmem>>, vector<1x16xf32>,
      %swap3A_81 = vector.shape_cast %swap3A_80 : vector<1x16xf32> to vector<16xf32>
      %swap3A_82 = vector.shape_cast %broadcast_in_dim3A_0 : vector<16xf32> to vector<1x16xf32>
      tpu.vector_store %arg8[%swap3A_78, %swap3A_79], %swap3A_82 {strides = array<i32>} : memref<128x128xf32, #tpu.memory_space<vmem>>, vector<1x16xf32>,
      %swap3A_83 = arith.index_cast %scan3A_68 : i32 to index
      %swap3A_84 = arith.constant 48 : index
      %swap3A_85 = tpu.vector_load %arg8[%swap3A_83, %swap3A_84] {strides = array<i32>} : memref<128x128xf32, #tpu.memory_space<vmem>>, vector<1x16xf32>,
      %swap3A_86 = vector.shape_cast %swap3A_85 : vector<1x16xf32> to vector<16xf32>
      %swap3A_87 = vector.shape_cast %broadcast_in_dim3A_0 : vector<16xf32> to vector<1x16xf32>
      tpu.vector_store %arg8[%swap3A_83, %swap3A_84], %swap3A_87 {strides = array<i32>} : memref<128x128xf32, #tpu.memory_space<vmem>>, vector<1x16xf32>,
      %swap3A_88 = arith.index_cast %scan3A_68 : i32 to index
      %swap3A_89 = arith.constant 64 : index
      %swap3A_90 = tpu.vector_load %arg8[%swap3A_88, %swap3A_89] {strides = array<i32>} : memref<128x128xf32, #tpu.memory_space<vmem>>, vector<1x16xf32>,
      %swap3A_91 = vector.shape_cast %swap3A_90 : vector<1x16xf32> to vector<16xf32>
      %swap3A_92 = vector.shape_cast %broadcast_in_dim3A_0 : vector<16xf32> to vector<1x16xf32>
      tpu.vector_store %arg8[%swap3A_88, %swap3A_89], %swap3A_92 {strides = array<i32>} : memref<128x128xf32, #tpu.memory_space<vmem>>, vector<1x16xf32>,
      %swap3A_93 = arith.index_cast %scan3A_68 : i32 to index
      %swap3A_94 = arith.constant 80 : index
      %swap3A_95 = tpu.vector_load %arg8[%swap3A_93, %swap3A_94] {strides = array<i32>} : memref<128x128xf32, #tpu.memory_space<vmem>>, vector<1x16xf32>,
      %swap3A_96 = vector.shape_cast %swap3A_95 : vector<1x16xf32> to vector<16xf32>
      %swap3A_97 = vector.shape_cast %broadcast_in_dim3A_0 : vector<16xf32> to vector<1x16xf32>
      tpu.vector_store %arg8[%swap3A_93, %swap3A_94], %swap3A_97 {strides = array<i32>} : memref<128x128xf32, #tpu.memory_space<vmem>>, vector<1x16xf32>,
      %swap3A_98 = arith.index_cast %scan3A_68 : i32 to index
      %swap3A_99 = arith.constant 96 : index
      %swap3A_100 = tpu.vector_load %arg8[%swap3A_98, %swap3A_99] {strides = array<i32>} : memref<128x128xf32, #tpu.memory_space<vmem>>, vector<1x16xf32>,
      %swap3A_101 = vector.shape_cast %swap3A_100 : vector<1x16xf32> to vector<16xf32>
      %swap3A_102 = vector.shape_cast %broadcast_in_dim3A_0 : vector<16xf32> to vector<1x16xf32>
      tpu.vector_store %arg8[%swap3A_98, %swap3A_99], %swap3A_102 {strides = array<i32>} : memref<128x128xf32, #tpu.memory_space<vmem>>, vector<1x16xf32>,
      %swap3A_103 = arith.index_cast %scan3A_68 : i32 to index
      %swap3A_104 = arith.constant 112 : index
      %swap3A_105 = tpu.vector_load %arg8[%swap3A_103, %swap3A_104] {strides = array<i32>} : memref<128x128xf32, #tpu.memory_space<vmem>>, vector<1x16xf32>,
      %swap3A_106 = vector.shape_cast %swap3A_105 : vector<1x16xf32> to vector<16xf32>
      %swap3A_107 = vector.shape_cast %broadcast_in_dim3A_0 : vector<16xf32> to vector<1x16xf32>
      tpu.vector_store %arg8[%swap3A_103, %swap3A_104], %swap3A_107 {strides = array<i32>} : memref<128x128xf32, #tpu.memory_space<vmem>>, vector<1x16xf32>,
    }
    %scan3A_5 = arith.constant 128 : i32
    %mul3A = arith.constant 632 : i32
    %mul3A_6 = arith.muli %arg1, %mul3A : i32
    %add3A = arith.constant 0 : i32
    %add3A_7 = arith.addi %mul3A_6, %add3A : i32
    "tpu.region"() ({
      %run_scoped3A = tpu.sem_alloc : memref<!tpu.dma_semaphore, #tpu.memory_space<semaphore_mem>>
      %dma_start3A = arith.constant 0 : i32
      %dma_start3A_68 = arith.constant 0 : i32
      %dma_start3A_69 = tpu.memref_slice %arg8[%dma_start3A, %dma_start3A_68] : memref<128x128xf32, #tpu.memory_space<vmem>> -> memref<128x128xf32, #tpu.memory_space<vmem>>
      %dma_start3A_70 = arith.constant 0 : i32
      %dma_start3A_71 = tpu.memref_slice %arg9[%add3A_7, %dma_start3A_70] : memref<10112x128xf32, #tpu.memory_space<vmem_shared>> -> memref<128x128xf32, #tpu.memory_space<vmem_shared>>
      %dma_start3A_72 = arith.constant 0 : i32
      %dma_start3A_73 = tpu.memref_slice %arg9[%add3A_7, %dma_start3A_72] : memref<10112x128xf32, #tpu.memory_space<vmem_shared>> -> memref<128x128xf32, #tpu.memory_space<vmem_shared>>
      %dma_start3A_74 = arith.constant 0 : i32
      %dma_start3A_75 = arith.constant 0 : i32
      %dma_start3A_76 = tpu.memref_slice %arg8[%dma_start3A_74, %dma_start3A_75] : memref<128x128xf32, #tpu.memory_space<vmem>> -> memref<128x128xf32, #tpu.memory_space<vmem>>
      tpu.enqueue_dma source(%dma_start3A_76 : memref<128x128xf32, #tpu.memory_space<vmem>>) target(%dma_start3A_73 : memref<128x128xf32, #tpu.memory_space<vmem_shared>>) target_semaphore(%run_scoped3A : memref<!tpu.dma_semaphore, #tpu.memory_space<semaphore_mem>>)
      %dma_wait3A = arith.constant 0 : i32
      %dma_wait3A_77 = arith.constant 0 : i32
      %dma_wait3A_78 = tpu.memref_slice %arg8[%dma_wait3A, %dma_wait3A_77] : memref<128x128xf32, #tpu.memory_space<vmem>> -> memref<128x128xf32, #tpu.memory_space<vmem>>
      %dma_wait3A_79 = arith.constant 0 : i32
      %dma_wait3A_80 = tpu.memref_slice %arg9[%add3A_7, %dma_wait3A_79] : memref<10112x128xf32, #tpu.memory_space<vmem_shared>> -> memref<128x128xf32, #tpu.memory_space<vmem_shared>>
      %dma_wait3A_81 = arith.constant 0 : i32
      %dma_wait3A_82 = tpu.memref_slice %arg9[%add3A_7, %dma_wait3A_81] : memref<10112x128xf32, #tpu.memory_space<vmem_shared>> -> memref<128x128xf32, #tpu.memory_space<vmem_shared>>
      %dma_wait3A_83 = arith.constant 0 : i32
      %dma_wait3A_84 = arith.constant 0 : i32
      %dma_wait3A_85 = tpu.memref_slice %arg8[%dma_wait3A_83, %dma_wait3A_84] : memref<128x128xf32, #tpu.memory_space<vmem>> -> memref<128x128xf32, #tpu.memory_space<vmem>>
      tpu.wait_dma2 semaphore(%run_scoped3A : memref<!tpu.dma_semaphore, #tpu.memory_space<semaphore_mem>>) src(%dma_wait3A_85 : memref<128x128xf32, #tpu.memory_space<vmem>>) dst(%dma_wait3A_82 : memref<128x128xf32, #tpu.memory_space<vmem_shared>>)
      tpu.yield
    }) : () -> ()
    %mul3A_8 = arith.constant 632 : i32
    %mul3A_9 = arith.muli %arg1, %mul3A_8 : i32
    %add3A_10 = arith.constant 128 : i32
    %add3A_11 = arith.addi %mul3A_9, %add3A_10 : i32
    "tpu.region"() ({
      %run_scoped3A = tpu.sem_alloc : memref<!tpu.dma_semaphore, #tpu.memory_space<semaphore_mem>>
      %dma_start3A = arith.constant 0 : i32
      %dma_start3A_68 = arith.constant 0 : i32
      %dma_start3A_69 = tpu.memref_slice %arg8[%dma_start3A, %dma_start3A_68] : memref<128x128xf32, #tpu.memory_space<vmem>> -> memref<128x128xf32, #tpu.memory_space<vmem>>
      %dma_start3A_70 = arith.constant 0 : i32
      %dma_start3A_71 = tpu.memref_slice %arg9[%add3A_11, %dma_start3A_70] : memref<10112x128xf32, #tpu.memory_space<vmem_shared>> -> memref<128x128xf32, #tpu.memory_space<vmem_shared>>
      %dma_start3A_72 = arith.constant 0 : i32
      %dma_start3A_73 = tpu.memref_slice %arg9[%add3A_11, %dma_start3A_72] : memref<10112x128xf32, #tpu.memory_space<vmem_shared>> -> memref<128x128xf32, #tpu.memory_space<vmem_shared>>
      %dma_start3A_74 = arith.constant 0 : i32
      %dma_start3A_75 = arith.constant 0 : i32
      %dma_start3A_76 = tpu.memref_slice %arg8[%dma_start3A_74, %dma_start3A_75] : memref<128x128xf32, #tpu.memory_space<vmem>> -> memref<128x128xf32, #tpu.memory_space<vmem>>
      tpu.enqueue_dma source(%dma_start3A_76 : memref<128x128xf32, #tpu.memory_space<vmem>>) target(%dma_start3A_73 : memref<128x128xf32, #tpu.memory_space<vmem_shared>>) target_semaphore(%run_scoped3A : memref<!tpu.dma_semaphore, #tpu.memory_space<semaphore_mem>>)
      %dma_wait3A = arith.constant 0 : i32
      %dma_wait3A_77 = arith.constant 0 : i32
      %dma_wait3A_78 = tpu.memref_slice %arg8[%dma_wait3A, %dma_wait3A_77] : memref<128x128xf32, #tpu.memory_space<vmem>> -> memref<128x128xf32, #tpu.memory_space<vmem>>
      %dma_wait3A_79 = arith.constant 0 : i32
      %dma_wait3A_80 = tpu.memref_slice %arg9[%add3A_11, %dma_wait3A_79] : memref<10112x128xf32, #tpu.memory_space<vmem_shared>> -> memref<128x128xf32, #tpu.memory_space<vmem_shared>>
      %dma_wait3A_81 = arith.constant 0 : i32
      %dma_wait3A_82 = tpu.memref_slice %arg9[%add3A_11, %dma_wait3A_81] : memref<10112x128xf32, #tpu.memory_space<vmem_shared>> -> memref<128x128xf32, #tpu.memory_space<vmem_shared>>
      %dma_wait3A_83 = arith.constant 0 : i32
      %dma_wait3A_84 = arith.constant 0 : i32
      %dma_wait3A_85 = tpu.memref_slice %arg8[%dma_wait3A_83, %dma_wait3A_84] : memref<128x128xf32, #tpu.memory_space<vmem>> -> memref<128x128xf32, #tpu.memory_space<vmem>>
      tpu.wait_dma2 semaphore(%run_scoped3A : memref<!tpu.dma_semaphore, #tpu.memory_space<semaphore_mem>>) src(%dma_wait3A_85 : memref<128x128xf32, #tpu.memory_space<vmem>>) dst(%dma_wait3A_82 : memref<128x128xf32, #tpu.memory_space<vmem_shared>>)
      tpu.yield
    }) : () -> ()
    %mul3A_12 = arith.constant 632 : i32
    %mul3A_13 = arith.muli %arg1, %mul3A_12 : i32
    %add3A_14 = arith.constant 256 : i32
    %add3A_15 = arith.addi %mul3A_13, %add3A_14 : i32
    "tpu.region"() ({
      %run_scoped3A = tpu.sem_alloc : memref<!tpu.dma_semaphore, #tpu.memory_space<semaphore_mem>>
      %dma_start3A = arith.constant 0 : i32
      %dma_start3A_68 = arith.constant 0 : i32
      %dma_start3A_69 = tpu.memref_slice %arg8[%dma_start3A, %dma_start3A_68] : memref<128x128xf32, #tpu.memory_space<vmem>> -> memref<128x128xf32, #tpu.memory_space<vmem>>
      %dma_start3A_70 = arith.constant 0 : i32
      %dma_start3A_71 = tpu.memref_slice %arg9[%add3A_15, %dma_start3A_70] : memref<10112x128xf32, #tpu.memory_space<vmem_shared>> -> memref<128x128xf32, #tpu.memory_space<vmem_shared>>
      %dma_start3A_72 = arith.constant 0 : i32
      %dma_start3A_73 = tpu.memref_slice %arg9[%add3A_15, %dma_start3A_72] : memref<10112x128xf32, #tpu.memory_space<vmem_shared>> -> memref<128x128xf32, #tpu.memory_space<vmem_shared>>
      %dma_start3A_74 = arith.constant 0 : i32
      %dma_start3A_75 = arith.constant 0 : i32
      %dma_start3A_76 = tpu.memref_slice %arg8[%dma_start3A_74, %dma_start3A_75] : memref<128x128xf32, #tpu.memory_space<vmem>> -> memref<128x128xf32, #tpu.memory_space<vmem>>
      tpu.enqueue_dma source(%dma_start3A_76 : memref<128x128xf32, #tpu.memory_space<vmem>>) target(%dma_start3A_73 : memref<128x128xf32, #tpu.memory_space<vmem_shared>>) target_semaphore(%run_scoped3A : memref<!tpu.dma_semaphore, #tpu.memory_space<semaphore_mem>>)
      %dma_wait3A = arith.constant 0 : i32
      %dma_wait3A_77 = arith.constant 0 : i32
      %dma_wait3A_78 = tpu.memref_slice %arg8[%dma_wait3A, %dma_wait3A_77] : memref<128x128xf32, #tpu.memory_space<vmem>> -> memref<128x128xf32, #tpu.memory_space<vmem>>
      %dma_wait3A_79 = arith.constant 0 : i32
      %dma_wait3A_80 = tpu.memref_slice %arg9[%add3A_15, %dma_wait3A_79] : memref<10112x128xf32, #tpu.memory_space<vmem_shared>> -> memref<128x128xf32, #tpu.memory_space<vmem_shared>>
      %dma_wait3A_81 = arith.constant 0 : i32
      %dma_wait3A_82 = tpu.memref_slice %arg9[%add3A_15, %dma_wait3A_81] : memref<10112x128xf32, #tpu.memory_space<vmem_shared>> -> memref<128x128xf32, #tpu.memory_space<vmem_shared>>
      %dma_wait3A_83 = arith.constant 0 : i32
      %dma_wait3A_84 = arith.constant 0 : i32
      %dma_wait3A_85 = tpu.memref_slice %arg8[%dma_wait3A_83, %dma_wait3A_84] : memref<128x128xf32, #tpu.memory_space<vmem>> -> memref<128x128xf32, #tpu.memory_space<vmem>>
      tpu.wait_dma2 semaphore(%run_scoped3A : memref<!tpu.dma_semaphore, #tpu.memory_space<semaphore_mem>>) src(%dma_wait3A_85 : memref<128x128xf32, #tpu.memory_space<vmem>>) dst(%dma_wait3A_82 : memref<128x128xf32, #tpu.memory_space<vmem_shared>>)
      tpu.yield
    }) : () -> ()
    %mul3A_16 = arith.constant 632 : i32
    %mul3A_17 = arith.muli %arg1, %mul3A_16 : i32
    %add3A_18 = arith.constant 384 : i32
    %add3A_19 = arith.addi %mul3A_17, %add3A_18 : i32
    "tpu.region"() ({
      %run_scoped3A = tpu.sem_alloc : memref<!tpu.dma_semaphore, #tpu.memory_space<semaphore_mem>>
      %dma_start3A = arith.constant 0 : i32
      %dma_start3A_68 = arith.constant 0 : i32
      %dma_start3A_69 = tpu.memref_slice %arg8[%dma_start3A, %dma_start3A_68] : memref<128x128xf32, #tpu.memory_space<vmem>> -> memref<128x128xf32, #tpu.memory_space<vmem>>
      %dma_start3A_70 = arith.constant 0 : i32
      %dma_start3A_71 = tpu.memref_slice %arg9[%add3A_19, %dma_start3A_70] : memref<10112x128xf32, #tpu.memory_space<vmem_shared>> -> memref<128x128xf32, #tpu.memory_space<vmem_shared>>
      %dma_start3A_72 = arith.constant 0 : i32
      %dma_start3A_73 = tpu.memref_slice %arg9[%add3A_19, %dma_start3A_72] : memref<10112x128xf32, #tpu.memory_space<vmem_shared>> -> memref<128x128xf32, #tpu.memory_space<vmem_shared>>
      %dma_start3A_74 = arith.constant 0 : i32
      %dma_start3A_75 = arith.constant 0 : i32
      %dma_start3A_76 = tpu.memref_slice %arg8[%dma_start3A_74, %dma_start3A_75] : memref<128x128xf32, #tpu.memory_space<vmem>> -> memref<128x128xf32, #tpu.memory_space<vmem>>
      tpu.enqueue_dma source(%dma_start3A_76 : memref<128x128xf32, #tpu.memory_space<vmem>>) target(%dma_start3A_73 : memref<128x128xf32, #tpu.memory_space<vmem_shared>>) target_semaphore(%run_scoped3A : memref<!tpu.dma_semaphore, #tpu.memory_space<semaphore_mem>>)
      %dma_wait3A = arith.constant 0 : i32
      %dma_wait3A_77 = arith.constant 0 : i32
      %dma_wait3A_78 = tpu.memref_slice %arg8[%dma_wait3A, %dma_wait3A_77] : memref<128x128xf32, #tpu.memory_space<vmem>> -> memref<128x128xf32, #tpu.memory_space<vmem>>
      %dma_wait3A_79 = arith.constant 0 : i32
      %dma_wait3A_80 = tpu.memref_slice %arg9[%add3A_19, %dma_wait3A_79] : memref<10112x128xf32, #tpu.memory_space<vmem_shared>> -> memref<128x128xf32, #tpu.memory_space<vmem_shared>>
      %dma_wait3A_81 = arith.constant 0 : i32
      %dma_wait3A_82 = tpu.memref_slice %arg9[%add3A_19, %dma_wait3A_81] : memref<10112x128xf32, #tpu.memory_space<vmem_shared>> -> memref<128x128xf32, #tpu.memory_space<vmem_shared>>
      %dma_wait3A_83 = arith.constant 0 : i32
      %dma_wait3A_84 = arith.constant 0 : i32
      %dma_wait3A_85 = tpu.memref_slice %arg8[%dma_wait3A_83, %dma_wait3A_84] : memref<128x128xf32, #tpu.memory_space<vmem>> -> memref<128x128xf32, #tpu.memory_space<vmem>>
      tpu.wait_dma2 semaphore(%run_scoped3A : memref<!tpu.dma_semaphore, #tpu.memory_space<semaphore_mem>>) src(%dma_wait3A_85 : memref<128x128xf32, #tpu.memory_space<vmem>>) dst(%dma_wait3A_82 : memref<128x128xf32, #tpu.memory_space<vmem_shared>>)
      tpu.yield
    }) : () -> ()
    %mul3A_20 = arith.constant 632 : i32
    %mul3A_21 = arith.muli %arg1, %mul3A_20 : i32
    %add3A_22 = arith.constant 512 : i32
    %add3A_23 = arith.addi %mul3A_21, %add3A_22 : i32
    "tpu.region"() ({
      %run_scoped3A = tpu.sem_alloc : memref<!tpu.dma_semaphore, #tpu.memory_space<semaphore_mem>>
      %dma_start3A = arith.constant 0 : i32
      %dma_start3A_68 = arith.constant 0 : i32
      %dma_start3A_69 = tpu.memref_slice %arg8[%dma_start3A, %dma_start3A_68] : memref<128x128xf32, #tpu.memory_space<vmem>> -> memref<120x128xf32, #tpu.memory_space<vmem>>
      %dma_start3A_70 = arith.constant 0 : i32
      %dma_start3A_71 = tpu.memref_slice %arg9[%add3A_23, %dma_start3A_70] : memref<10112x128xf32, #tpu.memory_space<vmem_shared>> -> memref<120x128xf32, #tpu.memory_space<vmem_shared>>
      %dma_start3A_72 = arith.constant 0 : i32
      %dma_start3A_73 = tpu.memref_slice %arg9[%add3A_23, %dma_start3A_72] : memref<10112x128xf32, #tpu.memory_space<vmem_shared>> -> memref<120x128xf32, #tpu.memory_space<vmem_shared>>
      %dma_start3A_74 = arith.constant 0 : i32
      %dma_start3A_75 = arith.constant 0 : i32
      %dma_start3A_76 = tpu.memref_slice %arg8[%dma_start3A_74, %dma_start3A_75] : memref<128x128xf32, #tpu.memory_space<vmem>> -> memref<120x128xf32, #tpu.memory_space<vmem>>
      tpu.enqueue_dma source(%dma_start3A_76 : memref<120x128xf32, #tpu.memory_space<vmem>>) target(%dma_start3A_73 : memref<120x128xf32, #tpu.memory_space<vmem_shared>>) target_semaphore(%run_scoped3A : memref<!tpu.dma_semaphore, #tpu.memory_space<semaphore_mem>>)
      %dma_wait3A = arith.constant 0 : i32
      %dma_wait3A_77 = arith.constant 0 : i32
      %dma_wait3A_78 = tpu.memref_slice %arg8[%dma_wait3A, %dma_wait3A_77] : memref<128x128xf32, #tpu.memory_space<vmem>> -> memref<120x128xf32, #tpu.memory_space<vmem>>
      %dma_wait3A_79 = arith.constant 0 : i32
      %dma_wait3A_80 = tpu.memref_slice %arg9[%add3A_23, %dma_wait3A_79] : memref<10112x128xf32, #tpu.memory_space<vmem_shared>> -> memref<120x128xf32, #tpu.memory_space<vmem_shared>>
      %dma_wait3A_81 = arith.constant 0 : i32
      %dma_wait3A_82 = tpu.memref_slice %arg9[%add3A_23, %dma_wait3A_81] : memref<10112x128xf32, #tpu.memory_space<vmem_shared>> -> memref<120x128xf32, #tpu.memory_space<vmem_shared>>
      %dma_wait3A_83 = arith.constant 0 : i32
      %dma_wait3A_84 = arith.constant 0 : i32
      %dma_wait3A_85 = tpu.memref_slice %arg8[%dma_wait3A_83, %dma_wait3A_84] : memref<128x128xf32, #tpu.memory_space<vmem>> -> memref<120x128xf32, #tpu.memory_space<vmem>>
      tpu.wait_dma2 semaphore(%run_scoped3A : memref<!tpu.dma_semaphore, #tpu.memory_space<semaphore_mem>>) src(%dma_wait3A_85 : memref<120x128xf32, #tpu.memory_space<vmem>>) dst(%dma_wait3A_82 : memref<120x128xf32, #tpu.memory_space<vmem_shared>>)
      tpu.yield
    }) : () -> ()
    %barrier3A = arith.constant 0 : index
    tpu.barrier barrier_id(%barrier3A)
    %mul3A_24 = arith.constant 16 : i32
    %mul3A_25 = arith.muli %arg0, %mul3A_24 : i32
    %add3A_26 = arith.addi %mul3A_25, %arg1 : i32
    %mul3A_27 = arith.constant 20096 : i32
    %mul3A_28 = arith.muli %add3A_26, %mul3A_27 : i32
    %scan3A_29 = arith.constant 0 : i32
    %scan3A_30 = arith.constant 0 : i32
    %scan3A_31 = arith.constant 157 : i32
    %scan3A_32 = arith.addi %scan3A_30, %scan3A_31 : i32
    %scan3A_33 = arith.constant 1 : i32
    scf.for %scan3A_68 = %scan3A_30 to %scan3A_32 step %scan3A_33  : i32 {
      %mul3A_69 = arith.constant 128 : i32
      %mul3A_70 = arith.muli %scan3A_68, %mul3A_69 : i32
      %add3A_71 = arith.addi %mul3A_28, %mul3A_70 : i32
      "tpu.region"() ({
        %run_scoped3A = tpu.sem_alloc : memref<!tpu.dma_semaphore, #tpu.memory_space<semaphore_mem>>
        %dma_start3A_76 = tpu.memref_slice %arg3[%add3A_71] : memref<643072xi32, #tpu.memory_space<hbm>> -> memref<128xi32, #tpu.memory_space<hbm>>
        %dma_start3A_77 = tpu.memref_slice %arg3[%add3A_71] : memref<643072xi32, #tpu.memory_space<hbm>> -> memref<128xi32, #tpu.memory_space<hbm>>
        tpu.enqueue_dma source(%dma_start3A_77 : memref<128xi32, #tpu.memory_space<hbm>>) target(%arg6 : memref<128xi32, #tpu.memory_space<vmem>>) target_semaphore(%run_scoped3A : memref<!tpu.dma_semaphore, #tpu.memory_space<semaphore_mem>>)
        %dma_wait3A_78 = tpu.memref_slice %arg3[%add3A_71] : memref<643072xi32, #tpu.memory_space<hbm>> -> memref<128xi32, #tpu.memory_space<hbm>>
        %dma_wait3A_79 = tpu.memref_slice %arg3[%add3A_71] : memref<643072xi32, #tpu.memory_space<hbm>> -> memref<128xi32, #tpu.memory_space<hbm>>
        tpu.wait_dma2 semaphore(%run_scoped3A : memref<!tpu.dma_semaphore, #tpu.memory_space<semaphore_mem>>) src(%dma_wait3A_79 : memref<128xi32, #tpu.memory_space<hbm>>) dst(%arg6 : memref<128xi32, #tpu.memory_space<vmem>>)
        tpu.yield
      }) : () -> ()
      "tpu.region"() ({
        %run_scoped3A = tpu.sem_alloc : memref<!tpu.dma_semaphore, #tpu.memory_space<semaphore_mem>>
        %dma_start3A_76 = tpu.memref_slice %arg4[%add3A_71] : memref<643072xi32, #tpu.memory_space<hbm>> -> memref<128xi32, #tpu.memory_space<hbm>>
        %dma_start3A_77 = tpu.memref_slice %arg4[%add3A_71] : memref<643072xi32, #tpu.memory_space<hbm>> -> memref<128xi32, #tpu.memory_space<hbm>>
        tpu.enqueue_dma source(%dma_start3A_77 : memref<128xi32, #tpu.memory_space<hbm>>) target(%arg7 : memref<128xi32, #tpu.memory_space<vmem>>) target_semaphore(%run_scoped3A : memref<!tpu.dma_semaphore, #tpu.memory_space<semaphore_mem>>)
        %dma_wait3A_78 = tpu.memref_slice %arg4[%add3A_71] : memref<643072xi32, #tpu.memory_space<hbm>> -> memref<128xi32, #tpu.memory_space<hbm>>
        %dma_wait3A_79 = tpu.memref_slice %arg4[%add3A_71] : memref<643072xi32, #tpu.memory_space<hbm>> -> memref<128xi32, #tpu.memory_space<hbm>>
        tpu.wait_dma2 semaphore(%run_scoped3A : memref<!tpu.dma_semaphore, #tpu.memory_space<semaphore_mem>>) src(%dma_wait3A_79 : memref<128xi32, #tpu.memory_space<hbm>>) dst(%arg7 : memref<128xi32, #tpu.memory_space<vmem>>)
        tpu.yield
      }) : () -> ()
      %dma_start3A = arith.constant 0 : i32
      %dma_start3A_72 = arith.constant 0 : i32
      %dma_start3A_73 = tpu.memref_slice %arg2[%dma_start3A, %dma_start3A_72] : memref<20000x128xf32, #tpu.memory_space<hbm>> -> memref<20000x128xf32, #tpu.memory_space<hbm>>
      tpu.enqueue_indirect_dma source(%dma_start3A_73 : memref<20000x128xf32, #tpu.memory_space<hbm>>) target(%arg8 : memref<128x128xf32, #tpu.memory_space<vmem>>) offsets(%arg6 : memref<128xi32, #tpu.memory_space<vmem>>) semaphore(%arg10 : memref<!tpu.dma_semaphore, #tpu.memory_space<semaphore_mem>>)
      %dma_wait3A = arith.constant 0 : i32
      %dma_wait3A_74 = arith.constant 0 : i32
      %dma_wait3A_75 = tpu.memref_slice %arg2[%dma_wait3A, %dma_wait3A_74] : memref<20000x128xf32, #tpu.memory_space<hbm>> -> memref<20000x128xf32, #tpu.memory_space<hbm>>
      tpu.wait_indirect_dma semaphore(%arg10 : memref<!tpu.dma_semaphore, #tpu.memory_space<semaphore_mem>>) src(%dma_wait3A_75 : memref<20000x128xf32, #tpu.memory_space<hbm>>) dst(%arg8 : memref<128x128xf32, #tpu.memory_space<vmem>>)
      "tpu.region"() ({
        %run_scoped3A = tpu.sem_alloc : memref<!tpu.dma_semaphore, #tpu.memory_space<semaphore_mem>>
        %dma_start3A_76 = arith.constant 0 : i32
        %dma_start3A_77 = arith.constant 0 : i32
        %dma_start3A_78 = tpu.memref_slice %arg9[%dma_start3A_76, %dma_start3A_77] : memref<10112x128xf32, #tpu.memory_space<vmem_shared>> -> memref<10112x128xf32, #tpu.memory_space<vmem_shared>>
        tpu.enqueue_indirect_dma source(%arg8 : memref<128x128xf32, #tpu.memory_space<vmem>>) target(%dma_start3A_78 : memref<10112x128xf32, #tpu.memory_space<vmem_shared>>) offsets(%arg7 : memref<128xi32, #tpu.memory_space<vmem>>) semaphore(%run_scoped3A : memref<!tpu.dma_semaphore, #tpu.memory_space<semaphore_mem>>) {add = true}
        %dma_wait3A_79 = arith.constant 0 : i32
        %dma_wait3A_80 = arith.constant 0 : i32
        %dma_wait3A_81 = tpu.memref_slice %arg9[%dma_wait3A_79, %dma_wait3A_80] : memref<10112x128xf32, #tpu.memory_space<vmem_shared>> -> memref<10112x128xf32, #tpu.memory_space<vmem_shared>>
        tpu.wait_indirect_dma semaphore(%run_scoped3A : memref<!tpu.dma_semaphore, #tpu.memory_space<semaphore_mem>>) src(%arg8 : memref<128x128xf32, #tpu.memory_space<vmem>>) dst(%dma_wait3A_81 : memref<10112x128xf32, #tpu.memory_space<vmem_shared>>)
        tpu.yield
      }) : () -> ()
    }
    %scan3A_34 = arith.constant 157 : i32
    %barrier3A_35 = arith.constant 0 : index
    tpu.barrier barrier_id(%barrier3A_35)
    %add3A_36 = arith.constant 0 : i32
    %add3A_37 = arith.addi %arg1, %add3A_36 : i32
    %lt3A = arith.constant 79 : i32
    %lt3A_38 = arith.cmpi slt, %add3A_37, %lt3A : i32
    %convert_element_type3A = arith.extui %lt3A_38 : i1 to i32
    %cond3A = arith.constant 0 : i32
    %cond3A_39 = arith.cmpi ne, %convert_element_type3A, %cond3A : i32
    scf.if %cond3A_39 {
      %mul3A_68 = arith.constant 128 : i32
      %mul3A_69 = arith.muli %add3A_37, %mul3A_68 : i32
      "tpu.region"() ({
        %run_scoped3A = tpu.sem_alloc : memref<!tpu.dma_semaphore, #tpu.memory_space<semaphore_mem>>
        %dma_start3A = arith.constant 0 : i32
        %dma_start3A_75 = tpu.memref_slice %arg9[%mul3A_69, %dma_start3A] : memref<10112x128xf32, #tpu.memory_space<vmem_shared>> -> memref<128x128xf32, #tpu.memory_space<vmem_shared>>
        %dma_start3A_76 = arith.constant 0 : i32
        %dma_start3A_77 = tpu.memref_slice %arg9[%mul3A_69, %dma_start3A_76] : memref<10112x128xf32, #tpu.memory_space<vmem_shared>> -> memref<128x128xf32, #tpu.memory_space<vmem_shared>>
        tpu.enqueue_dma source(%dma_start3A_77 : memref<128x128xf32, #tpu.memory_space<vmem_shared>>) target(%arg8 : memref<128x128xf32, #tpu.memory_space<vmem>>) target_semaphore(%run_scoped3A : memref<!tpu.dma_semaphore, #tpu.memory_space<semaphore_mem>>)
        %dma_wait3A = arith.constant 0 : i32
        %dma_wait3A_78 = tpu.memref_slice %arg9[%mul3A_69, %dma_wait3A] : memref<10112x128xf32, #tpu.memory_space<vmem_shared>> -> memref<128x128xf32, #tpu.memory_space<vmem_shared>>
        %dma_wait3A_79 = arith.constant 0 : i32
        %dma_wait3A_80 = tpu.memref_slice %arg9[%mul3A_69, %dma_wait3A_79] : memref<10112x128xf32, #tpu.memory_space<vmem_shared>> -> memref<128x128xf32, #tpu.memory_space<vmem_shared>>
        tpu.wait_dma2 semaphore(%run_scoped3A : memref<!tpu.dma_semaphore, #tpu.memory_space<semaphore_mem>>) src(%dma_wait3A_80 : memref<128x128xf32, #tpu.memory_space<vmem_shared>>) dst(%arg8 : memref<128x128xf32, #tpu.memory_space<vmem>>)
        tpu.yield
      }) : () -> ()
      %mul3A_70 = arith.constant 10112 : i32
      %mul3A_71 = arith.muli %arg0, %mul3A_70 : i32
      %mul3A_72 = arith.constant 128 : i32
      %mul3A_73 = arith.muli %add3A_37, %mul3A_72 : i32
      %add3A_74 = arith.addi %mul3A_71, %mul3A_73 : i32
      "tpu.region"() ({
        %run_scoped3A = tpu.sem_alloc : memref<!tpu.dma_semaphore, #tpu.memory_space<semaphore_mem>>
        %dma_start3A = arith.constant 0 : i32
        %dma_start3A_75 = tpu.memref_slice %arg5[%add3A_74, %dma_start3A] : memref<20224x128xf32, #tpu.memory_space<hbm>> -> memref<128x128xf32, #tpu.memory_space<hbm>>
        %dma_start3A_76 = arith.constant 0 : i32
        %dma_start3A_77 = tpu.memref_slice %arg5[%add3A_74, %dma_start3A_76] : memref<20224x128xf32, #tpu.memory_space<hbm>> -> memref<128x128xf32, #tpu.memory_space<hbm>>
        tpu.enqueue_dma source(%arg8 : memref<128x128xf32, #tpu.memory_space<vmem>>) target(%dma_start3A_77 : memref<128x128xf32, #tpu.memory_space<hbm>>) target_semaphore(%run_scoped3A : memref<!tpu.dma_semaphore, #tpu.memory_space<semaphore_mem>>)
        %dma_wait3A = arith.constant 0 : i32
        %dma_wait3A_78 = tpu.memref_slice %arg5[%add3A_74, %dma_wait3A] : memref<20224x128xf32, #tpu.memory_space<hbm>> -> memref<128x128xf32, #tpu.memory_space<hbm>>
        %dma_wait3A_79 = arith.constant 0 : i32
        %dma_wait3A_80 = tpu.memref_slice %arg5[%add3A_74, %dma_wait3A_79] : memref<20224x128xf32, #tpu.memory_space<hbm>> -> memref<128x128xf32, #tpu.memory_space<hbm>>
        tpu.wait_dma2 semaphore(%run_scoped3A : memref<!tpu.dma_semaphore, #tpu.memory_space<semaphore_mem>>) src(%arg8 : memref<128x128xf32, #tpu.memory_space<vmem>>) dst(%dma_wait3A_80 : memref<128x128xf32, #tpu.memory_space<hbm>>)
        tpu.yield
      }) : () -> ()
    } else {
    }
    %add3A_40 = arith.constant 16 : i32
    %add3A_41 = arith.addi %arg1, %add3A_40 : i32
    %lt3A_42 = arith.constant 79 : i32
    %lt3A_43 = arith.cmpi slt, %add3A_41, %lt3A_42 : i32
    %convert_element_type3A_44 = arith.extui %lt3A_43 : i1 to i32
    %cond3A_45 = arith.constant 0 : i32
    %cond3A_46 = arith.cmpi ne, %convert_element_type3A_44, %cond3A_45 : i32
    scf.if %cond3A_46 {
      %mul3A_68 = arith.constant 128 : i32
      %mul3A_69 = arith.muli %add3A_41, %mul3A_68 : i32
      "tpu.region"() ({
        %run_scoped3A = tpu.sem_alloc : memref<!tpu.dma_semaphore, #tpu.memory_space<semaphore_mem>>
        %dma_start3A = arith.constant 0 : i32
        %dma_start3A_75 = tpu.memref_slice %arg9[%mul3A_69, %dma_start3A] : memref<10112x128xf32, #tpu.memory_space<vmem_shared>> -> memref<128x128xf32, #tpu.memory_space<vmem_shared>>
        %dma_start3A_76 = arith.constant 0 : i32
        %dma_start3A_77 = tpu.memref_slice %arg9[%mul3A_69, %dma_start3A_76] : memref<10112x128xf32, #tpu.memory_space<vmem_shared>> -> memref<128x128xf32, #tpu.memory_space<vmem_shared>>
        tpu.enqueue_dma source(%dma_start3A_77 : memref<128x128xf32, #tpu.memory_space<vmem_shared>>) target(%arg8 : memref<128x128xf32, #tpu.memory_space<vmem>>) target_semaphore(%run_scoped3A : memref<!tpu.dma_semaphore, #tpu.memory_space<semaphore_mem>>)
        %dma_wait3A = arith.constant 0 : i32
        %dma_wait3A_78 = tpu.memref_slice %arg9[%mul3A_69, %dma_wait3A] : memref<10112x128xf32, #tpu.memory_space<vmem_shared>> -> memref<128x128xf32, #tpu.memory_space<vmem_shared>>
        %dma_wait3A_79 = arith.constant 0 : i32
        %dma_wait3A_80 = tpu.memref_slice %arg9[%mul3A_69, %dma_wait3A_79] : memref<10112x128xf32, #tpu.memory_space<vmem_shared>> -> memref<128x128xf32, #tpu.memory_space<vmem_shared>>
        tpu.wait_dma2 semaphore(%run_scoped3A : memref<!tpu.dma_semaphore, #tpu.memory_space<semaphore_mem>>) src(%dma_wait3A_80 : memref<128x128xf32, #tpu.memory_space<vmem_shared>>) dst(%arg8 : memref<128x128xf32, #tpu.memory_space<vmem>>)
        tpu.yield
      }) : () -> ()
      %mul3A_70 = arith.constant 10112 : i32
      %mul3A_71 = arith.muli %arg0, %mul3A_70 : i32
      %mul3A_72 = arith.constant 128 : i32
      %mul3A_73 = arith.muli %add3A_41, %mul3A_72 : i32
      %add3A_74 = arith.addi %mul3A_71, %mul3A_73 : i32
      "tpu.region"() ({
        %run_scoped3A = tpu.sem_alloc : memref<!tpu.dma_semaphore, #tpu.memory_space<semaphore_mem>>
        %dma_start3A = arith.constant 0 : i32
        %dma_start3A_75 = tpu.memref_slice %arg5[%add3A_74, %dma_start3A] : memref<20224x128xf32, #tpu.memory_space<hbm>> -> memref<128x128xf32, #tpu.memory_space<hbm>>
        %dma_start3A_76 = arith.constant 0 : i32
        %dma_start3A_77 = tpu.memref_slice %arg5[%add3A_74, %dma_start3A_76] : memref<20224x128xf32, #tpu.memory_space<hbm>> -> memref<128x128xf32, #tpu.memory_space<hbm>>
        tpu.enqueue_dma source(%arg8 : memref<128x128xf32, #tpu.memory_space<vmem>>) target(%dma_start3A_77 : memref<128x128xf32, #tpu.memory_space<hbm>>) target_semaphore(%run_scoped3A : memref<!tpu.dma_semaphore, #tpu.memory_space<semaphore_mem>>)
        %dma_wait3A = arith.constant 0 : i32
        %dma_wait3A_78 = tpu.memref_slice %arg5[%add3A_74, %dma_wait3A] : memref<20224x128xf32, #tpu.memory_space<hbm>> -> memref<128x128xf32, #tpu.memory_space<hbm>>
        %dma_wait3A_79 = arith.constant 0 : i32
        %dma_wait3A_80 = tpu.memref_slice %arg5[%add3A_74, %dma_wait3A_79] : memref<20224x128xf32, #tpu.memory_space<hbm>> -> memref<128x128xf32, #tpu.memory_space<hbm>>
        tpu.wait_dma2 semaphore(%run_scoped3A : memref<!tpu.dma_semaphore, #tpu.memory_space<semaphore_mem>>) src(%arg8 : memref<128x128xf32, #tpu.memory_space<vmem>>) dst(%dma_wait3A_80 : memref<128x128xf32, #tpu.memory_space<hbm>>)
        tpu.yield
      }) : () -> ()
    } else {
    }
    %add3A_47 = arith.constant 32 : i32
    %add3A_48 = arith.addi %arg1, %add3A_47 : i32
    %lt3A_49 = arith.constant 79 : i32
    %lt3A_50 = arith.cmpi slt, %add3A_48, %lt3A_49 : i32
    %convert_element_type3A_51 = arith.extui %lt3A_50 : i1 to i32
    %cond3A_52 = arith.constant 0 : i32
    %cond3A_53 = arith.cmpi ne, %convert_element_type3A_51, %cond3A_52 : i32
    scf.if %cond3A_53 {
      %mul3A_68 = arith.constant 128 : i32
      %mul3A_69 = arith.muli %add3A_48, %mul3A_68 : i32
      "tpu.region"() ({
        %run_scoped3A = tpu.sem_alloc : memref<!tpu.dma_semaphore, #tpu.memory_space<semaphore_mem>>
        %dma_start3A = arith.constant 0 : i32
        %dma_start3A_75 = tpu.memref_slice %arg9[%mul3A_69, %dma_start3A] : memref<10112x128xf32, #tpu.memory_space<vmem_shared>> -> memref<128x128xf32, #tpu.memory_space<vmem_shared>>
        %dma_start3A_76 = arith.constant 0 : i32
        %dma_start3A_77 = tpu.memref_slice %arg9[%mul3A_69, %dma_start3A_76] : memref<10112x128xf32, #tpu.memory_space<vmem_shared>> -> memref<128x128xf32, #tpu.memory_space<vmem_shared>>
        tpu.enqueue_dma source(%dma_start3A_77 : memref<128x128xf32, #tpu.memory_space<vmem_shared>>) target(%arg8 : memref<128x128xf32, #tpu.memory_space<vmem>>) target_semaphore(%run_scoped3A : memref<!tpu.dma_semaphore, #tpu.memory_space<semaphore_mem>>)
        %dma_wait3A = arith.constant 0 : i32
        %dma_wait3A_78 = tpu.memref_slice %arg9[%mul3A_69, %dma_wait3A] : memref<10112x128xf32, #tpu.memory_space<vmem_shared>> -> memref<128x128xf32, #tpu.memory_space<vmem_shared>>
        %dma_wait3A_79 = arith.constant 0 : i32
        %dma_wait3A_80 = tpu.memref_slice %arg9[%mul3A_69, %dma_wait3A_79] : memref<10112x128xf32, #tpu.memory_space<vmem_shared>> -> memref<128x128xf32, #tpu.memory_space<vmem_shared>>
        tpu.wait_dma2 semaphore(%run_scoped3A : memref<!tpu.dma_semaphore, #tpu.memory_space<semaphore_mem>>) src(%dma_wait3A_80 : memref<128x128xf32, #tpu.memory_space<vmem_shared>>) dst(%arg8 : memref<128x128xf32, #tpu.memory_space<vmem>>)
        tpu.yield
      }) : () -> ()
      %mul3A_70 = arith.constant 10112 : i32
      %mul3A_71 = arith.muli %arg0, %mul3A_70 : i32
      %mul3A_72 = arith.constant 128 : i32
      %mul3A_73 = arith.muli %add3A_48, %mul3A_72 : i32
      %add3A_74 = arith.addi %mul3A_71, %mul3A_73 : i32
      "tpu.region"() ({
        %run_scoped3A = tpu.sem_alloc : memref<!tpu.dma_semaphore, #tpu.memory_space<semaphore_mem>>
        %dma_start3A = arith.constant 0 : i32
        %dma_start3A_75 = tpu.memref_slice %arg5[%add3A_74, %dma_start3A] : memref<20224x128xf32, #tpu.memory_space<hbm>> -> memref<128x128xf32, #tpu.memory_space<hbm>>
        %dma_start3A_76 = arith.constant 0 : i32
        %dma_start3A_77 = tpu.memref_slice %arg5[%add3A_74, %dma_start3A_76] : memref<20224x128xf32, #tpu.memory_space<hbm>> -> memref<128x128xf32, #tpu.memory_space<hbm>>
        tpu.enqueue_dma source(%arg8 : memref<128x128xf32, #tpu.memory_space<vmem>>) target(%dma_start3A_77 : memref<128x128xf32, #tpu.memory_space<hbm>>) target_semaphore(%run_scoped3A : memref<!tpu.dma_semaphore, #tpu.memory_space<semaphore_mem>>)
        %dma_wait3A = arith.constant 0 : i32
        %dma_wait3A_78 = tpu.memref_slice %arg5[%add3A_74, %dma_wait3A] : memref<20224x128xf32, #tpu.memory_space<hbm>> -> memref<128x128xf32, #tpu.memory_space<hbm>>
        %dma_wait3A_79 = arith.constant 0 : i32
        %dma_wait3A_80 = tpu.memref_slice %arg5[%add3A_74, %dma_wait3A_79] : memref<20224x128xf32, #tpu.memory_space<hbm>> -> memref<128x128xf32, #tpu.memory_space<hbm>>
        tpu.wait_dma2 semaphore(%run_scoped3A : memref<!tpu.dma_semaphore, #tpu.memory_space<semaphore_mem>>) src(%arg8 : memref<128x128xf32, #tpu.memory_space<vmem>>) dst(%dma_wait3A_80 : memref<128x128xf32, #tpu.memory_space<hbm>>)
        tpu.yield
      }) : () -> ()
    } else {
    }
    %add3A_54 = arith.constant 48 : i32
    %add3A_55 = arith.addi %arg1, %add3A_54 : i32
    %lt3A_56 = arith.constant 79 : i32
    %lt3A_57 = arith.cmpi slt, %add3A_55, %lt3A_56 : i32
    %convert_element_type3A_58 = arith.extui %lt3A_57 : i1 to i32
    %cond3A_59 = arith.constant 0 : i32
    %cond3A_60 = arith.cmpi ne, %convert_element_type3A_58, %cond3A_59 : i32
    scf.if %cond3A_60 {
      %mul3A_68 = arith.constant 128 : i32
      %mul3A_69 = arith.muli %add3A_55, %mul3A_68 : i32
      "tpu.region"() ({
        %run_scoped3A = tpu.sem_alloc : memref<!tpu.dma_semaphore, #tpu.memory_space<semaphore_mem>>
        %dma_start3A = arith.constant 0 : i32
        %dma_start3A_75 = tpu.memref_slice %arg9[%mul3A_69, %dma_start3A] : memref<10112x128xf32, #tpu.memory_space<vmem_shared>> -> memref<128x128xf32, #tpu.memory_space<vmem_shared>>
        %dma_start3A_76 = arith.constant 0 : i32
        %dma_start3A_77 = tpu.memref_slice %arg9[%mul3A_69, %dma_start3A_76] : memref<10112x128xf32, #tpu.memory_space<vmem_shared>> -> memref<128x128xf32, #tpu.memory_space<vmem_shared>>
        tpu.enqueue_dma source(%dma_start3A_77 : memref<128x128xf32, #tpu.memory_space<vmem_shared>>) target(%arg8 : memref<128x128xf32, #tpu.memory_space<vmem>>) target_semaphore(%run_scoped3A : memref<!tpu.dma_semaphore, #tpu.memory_space<semaphore_mem>>)
        %dma_wait3A = arith.constant 0 : i32
        %dma_wait3A_78 = tpu.memref_slice %arg9[%mul3A_69, %dma_wait3A] : memref<10112x128xf32, #tpu.memory_space<vmem_shared>> -> memref<128x128xf32, #tpu.memory_space<vmem_shared>>
        %dma_wait3A_79 = arith.constant 0 : i32
        %dma_wait3A_80 = tpu.memref_slice %arg9[%mul3A_69, %dma_wait3A_79] : memref<10112x128xf32, #tpu.memory_space<vmem_shared>> -> memref<128x128xf32, #tpu.memory_space<vmem_shared>>
        tpu.wait_dma2 semaphore(%run_scoped3A : memref<!tpu.dma_semaphore, #tpu.memory_space<semaphore_mem>>) src(%dma_wait3A_80 : memref<128x128xf32, #tpu.memory_space<vmem_shared>>) dst(%arg8 : memref<128x128xf32, #tpu.memory_space<vmem>>)
        tpu.yield
      }) : () -> ()
      %mul3A_70 = arith.constant 10112 : i32
      %mul3A_71 = arith.muli %arg0, %mul3A_70 : i32
      %mul3A_72 = arith.constant 128 : i32
      %mul3A_73 = arith.muli %add3A_55, %mul3A_72 : i32
      %add3A_74 = arith.addi %mul3A_71, %mul3A_73 : i32
      "tpu.region"() ({
        %run_scoped3A = tpu.sem_alloc : memref<!tpu.dma_semaphore, #tpu.memory_space<semaphore_mem>>
        %dma_start3A = arith.constant 0 : i32
        %dma_start3A_75 = tpu.memref_slice %arg5[%add3A_74, %dma_start3A] : memref<20224x128xf32, #tpu.memory_space<hbm>> -> memref<128x128xf32, #tpu.memory_space<hbm>>
        %dma_start3A_76 = arith.constant 0 : i32
        %dma_start3A_77 = tpu.memref_slice %arg5[%add3A_74, %dma_start3A_76] : memref<20224x128xf32, #tpu.memory_space<hbm>> -> memref<128x128xf32, #tpu.memory_space<hbm>>
        tpu.enqueue_dma source(%arg8 : memref<128x128xf32, #tpu.memory_space<vmem>>) target(%dma_start3A_77 : memref<128x128xf32, #tpu.memory_space<hbm>>) target_semaphore(%run_scoped3A : memref<!tpu.dma_semaphore, #tpu.memory_space<semaphore_mem>>)
        %dma_wait3A = arith.constant 0 : i32
        %dma_wait3A_78 = tpu.memref_slice %arg5[%add3A_74, %dma_wait3A] : memref<20224x128xf32, #tpu.memory_space<hbm>> -> memref<128x128xf32, #tpu.memory_space<hbm>>
        %dma_wait3A_79 = arith.constant 0 : i32
        %dma_wait3A_80 = tpu.memref_slice %arg5[%add3A_74, %dma_wait3A_79] : memref<20224x128xf32, #tpu.memory_space<hbm>> -> memref<128x128xf32, #tpu.memory_space<hbm>>
        tpu.wait_dma2 semaphore(%run_scoped3A : memref<!tpu.dma_semaphore, #tpu.memory_space<semaphore_mem>>) src(%arg8 : memref<128x128xf32, #tpu.memory_space<vmem>>) dst(%dma_wait3A_80 : memref<128x128xf32, #tpu.memory_space<hbm>>)
        tpu.yield
      }) : () -> ()
    } else {
    }
    %add3A_61 = arith.constant 64 : i32
    %add3A_62 = arith.addi %arg1, %add3A_61 : i32
    %lt3A_63 = arith.constant 79 : i32
    %lt3A_64 = arith.cmpi slt, %add3A_62, %lt3A_63 : i32
    %convert_element_type3A_65 = arith.extui %lt3A_64 : i1 to i32
    %cond3A_66 = arith.constant 0 : i32
    %cond3A_67 = arith.cmpi ne, %convert_element_type3A_65, %cond3A_66 : i32
    scf.if %cond3A_67 {
      %mul3A_68 = arith.constant 128 : i32
      %mul3A_69 = arith.muli %add3A_62, %mul3A_68 : i32
      "tpu.region"() ({
        %run_scoped3A = tpu.sem_alloc : memref<!tpu.dma_semaphore, #tpu.memory_space<semaphore_mem>>
        %dma_start3A = arith.constant 0 : i32
        %dma_start3A_75 = tpu.memref_slice %arg9[%mul3A_69, %dma_start3A] : memref<10112x128xf32, #tpu.memory_space<vmem_shared>> -> memref<128x128xf32, #tpu.memory_space<vmem_shared>>
        %dma_start3A_76 = arith.constant 0 : i32
        %dma_start3A_77 = tpu.memref_slice %arg9[%mul3A_69, %dma_start3A_76] : memref<10112x128xf32, #tpu.memory_space<vmem_shared>> -> memref<128x128xf32, #tpu.memory_space<vmem_shared>>
        tpu.enqueue_dma source(%dma_start3A_77 : memref<128x128xf32, #tpu.memory_space<vmem_shared>>) target(%arg8 : memref<128x128xf32, #tpu.memory_space<vmem>>) target_semaphore(%run_scoped3A : memref<!tpu.dma_semaphore, #tpu.memory_space<semaphore_mem>>)
        %dma_wait3A = arith.constant 0 : i32
        %dma_wait3A_78 = tpu.memref_slice %arg9[%mul3A_69, %dma_wait3A] : memref<10112x128xf32, #tpu.memory_space<vmem_shared>> -> memref<128x128xf32, #tpu.memory_space<vmem_shared>>
        %dma_wait3A_79 = arith.constant 0 : i32
        %dma_wait3A_80 = tpu.memref_slice %arg9[%mul3A_69, %dma_wait3A_79] : memref<10112x128xf32, #tpu.memory_space<vmem_shared>> -> memref<128x128xf32, #tpu.memory_space<vmem_shared>>
        tpu.wait_dma2 semaphore(%run_scoped3A : memref<!tpu.dma_semaphore, #tpu.memory_space<semaphore_mem>>) src(%dma_wait3A_80 : memref<128x128xf32, #tpu.memory_space<vmem_shared>>) dst(%arg8 : memref<128x128xf32, #tpu.memory_space<vmem>>)
        tpu.yield
      }) : () -> ()
      %mul3A_70 = arith.constant 10112 : i32
      %mul3A_71 = arith.muli %arg0, %mul3A_70 : i32
      %mul3A_72 = arith.constant 128 : i32
      %mul3A_73 = arith.muli %add3A_62, %mul3A_72 : i32
      %add3A_74 = arith.addi %mul3A_71, %mul3A_73 : i32
      "tpu.region"() ({
        %run_scoped3A = tpu.sem_alloc : memref<!tpu.dma_semaphore, #tpu.memory_space<semaphore_mem>>
        %dma_start3A = arith.constant 0 : i32
        %dma_start3A_75 = tpu.memref_slice %arg5[%add3A_74, %dma_start3A] : memref<20224x128xf32, #tpu.memory_space<hbm>> -> memref<128x128xf32, #tpu.memory_space<hbm>>
        %dma_start3A_76 = arith.constant 0 : i32
        %dma_start3A_77 = tpu.memref_slice %arg5[%add3A_74, %dma_start3A_76] : memref<20224x128xf32, #tpu.memory_space<hbm>> -> memref<128x128xf32, #tpu.memory_space<hbm>>
        tpu.enqueue_dma source(%arg8 : memref<128x128xf32, #tpu.memory_space<vmem>>) target(%dma_start3A_77 : memref<128x128xf32, #tpu.memory_space<hbm>>) target_semaphore(%run_scoped3A : memref<!tpu.dma_semaphore, #tpu.memory_space<semaphore_mem>>)
        %dma_wait3A = arith.constant 0 : i32
        %dma_wait3A_78 = tpu.memref_slice %arg5[%add3A_74, %dma_wait3A] : memref<20224x128xf32, #tpu.memory_space<hbm>> -> memref<128x128xf32, #tpu.memory_space<hbm>>
        %dma_wait3A_79 = arith.constant 0 : i32
        %dma_wait3A_80 = tpu.memref_slice %arg5[%add3A_74, %dma_wait3A_79] : memref<20224x128xf32, #tpu.memory_space<hbm>> -> memref<128x128xf32, #tpu.memory_space<hbm>>
        tpu.wait_dma2 semaphore(%run_scoped3A : memref<!tpu.dma_semaphore, #tpu.memory_space<semaphore_mem>>) src(%arg8 : memref<128x128xf32, #tpu.memory_space<vmem>>) dst(%dma_wait3A_80 : memref<128x128xf32, #tpu.memory_space<hbm>>)
        tpu.yield
      }) : () -> ()
    } else {
    }
    return
  }
}

#map = affine_map<(d0, d1) -> (0, 0)>
#map1 = affine_map<(d0, d1) -> (0)>
module attributes {stable_mosaic.version = 14 : i64} {
  func.func @k(%arg0: i32, %arg1: i32, %arg2: memref<10000x128xf32, #tpu.memory_space<hbm>>, %arg3: memref<323584xi32, #tpu.memory_space<hbm>>, %arg4: memref<323584xi32, #tpu.memory_space<hbm>>, %arg5: memref<20224x128xf32, #tpu.memory_space<hbm>>, %arg6: memref<128xi32, #tpu.memory_space<vmem>>, %arg7: memref<128xi32, #tpu.memory_space<vmem>>, %arg8: memref<128x128xf32, #tpu.memory_space<vmem>>, %arg9: memref<10112x128xf32, #tpu.memory_space<vmem_shared>>, %arg10: memref<!tpu.dma_semaphore, #tpu.memory_space<semaphore_mem>>) attributes {dimension_semantics = [#tpu.dimension_semantics<core_parallel>, #tpu.dimension_semantics<subcore_parallel>], iteration_bounds = array<i64: 2, 16>, scalar_prefetch = 0 : i64, scratch_operands = 5 : i64, tpu.core_type = #tpu.core_type<sc_vector_subcore>, window_params = [{transform_indices = #map}, {transform_indices = #map1}, {transform_indices = #map1}, {transform_indices = #map}]} {
    %broadcast_in_dim3A = arith.constant 0.000000e+00 : f32
    %broadcast_in_dim3A_0 = vector.broadcast %broadcast_in_dim3A : f32 to vector<16xf32>
    %scan3A = arith.constant 0 : i32
    %scan3A_1 = arith.constant 0 : i32
    %scan3A_2 = arith.constant 128 : i32
    %scan3A_3 = arith.addi %scan3A_1, %scan3A_2 : i32
    %scan3A_4 = arith.constant 1 : i32
    scf.for %scan3A_68 = %scan3A_1 to %scan3A_3 step %scan3A_4  : i32 {
      %swap3A = arith.index_cast %scan3A_68 : i32 to index
      %swap3A_69 = arith.constant 0 : index
      %swap3A_70 = tpu.vector_load %arg8[%swap3A, %swap3A_69] {strides = array<i32>} : memref<128x128xf32, #tpu.memory_space<vmem>>, vector<1x16xf32>,
      %swap3A_71 = vector.shape_cast %swap3A_70 : vector<1x16xf32> to vector<16xf32>
      %swap3A_72 = vector.shape_cast %broadcast_in_dim3A_0 : vector<16xf32> to vector<1x16xf32>
      tpu.vector_store %arg8[%swap3A, %swap3A_69], %swap3A_72 {strides = array<i32>} : memref<128x128xf32, #tpu.memory_space<vmem>>, vector<1x16xf32>,
      %swap3A_73 = arith.index_cast %scan3A_68 : i32 to index
      %swap3A_74 = arith.constant 16 : index
      %swap3A_75 = tpu.vector_load %arg8[%swap3A_73, %swap3A_74] {strides = array<i32>} : memref<128x128xf32, #tpu.memory_space<vmem>>, vector<1x16xf32>,
      %swap3A_76 = vector.shape_cast %swap3A_75 : vector<1x16xf32> to vector<16xf32>
      %swap3A_77 = vector.shape_cast %broadcast_in_dim3A_0 : vector<16xf32> to vector<1x16xf32>
      tpu.vector_store %arg8[%swap3A_73, %swap3A_74], %swap3A_77 {strides = array<i32>} : memref<128x128xf32, #tpu.memory_space<vmem>>, vector<1x16xf32>,
      %swap3A_78 = arith.index_cast %scan3A_68 : i32 to index
      %swap3A_79 = arith.constant 32 : index
      %swap3A_80 = tpu.vector_load %arg8[%swap3A_78, %swap3A_79] {strides = array<i32>} : memref<128x128xf32, #tpu.memory_space<vmem>>, vector<1x16xf32>,
      %swap3A_81 = vector.shape_cast %swap3A_80 : vector<1x16xf32> to vector<16xf32>
      %swap3A_82 = vector.shape_cast %broadcast_in_dim3A_0 : vector<16xf32> to vector<1x16xf32>
      tpu.vector_store %arg8[%swap3A_78, %swap3A_79], %swap3A_82 {strides = array<i32>} : memref<128x128xf32, #tpu.memory_space<vmem>>, vector<1x16xf32>,
      %swap3A_83 = arith.index_cast %scan3A_68 : i32 to index
      %swap3A_84 = arith.constant 48 : index
      %swap3A_85 = tpu.vector_load %arg8[%swap3A_83, %swap3A_84] {strides = array<i32>} : memref<128x128xf32, #tpu.memory_space<vmem>>, vector<1x16xf32>,
      %swap3A_86 = vector.shape_cast %swap3A_85 : vector<1x16xf32> to vector<16xf32>
      %swap3A_87 = vector.shape_cast %broadcast_in_dim3A_0 : vector<16xf32> to vector<1x16xf32>
      tpu.vector_store %arg8[%swap3A_83, %swap3A_84], %swap3A_87 {strides = array<i32>} : memref<128x128xf32, #tpu.memory_space<vmem>>, vector<1x16xf32>,
      %swap3A_88 = arith.index_cast %scan3A_68 : i32 to index
      %swap3A_89 = arith.constant 64 : index
      %swap3A_90 = tpu.vector_load %arg8[%swap3A_88, %swap3A_89] {strides = array<i32>} : memref<128x128xf32, #tpu.memory_space<vmem>>, vector<1x16xf32>,
      %swap3A_91 = vector.shape_cast %swap3A_90 : vector<1x16xf32> to vector<16xf32>
      %swap3A_92 = vector.shape_cast %broadcast_in_dim3A_0 : vector<16xf32> to vector<1x16xf32>
      tpu.vector_store %arg8[%swap3A_88, %swap3A_89], %swap3A_92 {strides = array<i32>} : memref<128x128xf32, #tpu.memory_space<vmem>>, vector<1x16xf32>,
      %swap3A_93 = arith.index_cast %scan3A_68 : i32 to index
      %swap3A_94 = arith.constant 80 : index
      %swap3A_95 = tpu.vector_load %arg8[%swap3A_93, %swap3A_94] {strides = array<i32>} : memref<128x128xf32, #tpu.memory_space<vmem>>, vector<1x16xf32>,
      %swap3A_96 = vector.shape_cast %swap3A_95 : vector<1x16xf32> to vector<16xf32>
      %swap3A_97 = vector.shape_cast %broadcast_in_dim3A_0 : vector<16xf32> to vector<1x16xf32>
      tpu.vector_store %arg8[%swap3A_93, %swap3A_94], %swap3A_97 {strides = array<i32>} : memref<128x128xf32, #tpu.memory_space<vmem>>, vector<1x16xf32>,
      %swap3A_98 = arith.index_cast %scan3A_68 : i32 to index
      %swap3A_99 = arith.constant 96 : index
      %swap3A_100 = tpu.vector_load %arg8[%swap3A_98, %swap3A_99] {strides = array<i32>} : memref<128x128xf32, #tpu.memory_space<vmem>>, vector<1x16xf32>,
      %swap3A_101 = vector.shape_cast %swap3A_100 : vector<1x16xf32> to vector<16xf32>
      %swap3A_102 = vector.shape_cast %broadcast_in_dim3A_0 : vector<16xf32> to vector<1x16xf32>
      tpu.vector_store %arg8[%swap3A_98, %swap3A_99], %swap3A_102 {strides = array<i32>} : memref<128x128xf32, #tpu.memory_space<vmem>>, vector<1x16xf32>,
      %swap3A_103 = arith.index_cast %scan3A_68 : i32 to index
      %swap3A_104 = arith.constant 112 : index
      %swap3A_105 = tpu.vector_load %arg8[%swap3A_103, %swap3A_104] {strides = array<i32>} : memref<128x128xf32, #tpu.memory_space<vmem>>, vector<1x16xf32>,
      %swap3A_106 = vector.shape_cast %swap3A_105 : vector<1x16xf32> to vector<16xf32>
      %swap3A_107 = vector.shape_cast %broadcast_in_dim3A_0 : vector<16xf32> to vector<1x16xf32>
      tpu.vector_store %arg8[%swap3A_103, %swap3A_104], %swap3A_107 {strides = array<i32>} : memref<128x128xf32, #tpu.memory_space<vmem>>, vector<1x16xf32>,
    }
    %scan3A_5 = arith.constant 128 : i32
    %mul3A = arith.constant 632 : i32
    %mul3A_6 = arith.muli %arg1, %mul3A : i32
    %add3A = arith.constant 0 : i32
    %add3A_7 = arith.addi %mul3A_6, %add3A : i32
    "tpu.region"() ({
      %run_scoped3A = tpu.sem_alloc : memref<!tpu.dma_semaphore, #tpu.memory_space<semaphore_mem>>
      %dma_start3A = arith.constant 0 : i32
      %dma_start3A_68 = arith.constant 0 : i32
      %dma_start3A_69 = tpu.memref_slice %arg8[%dma_start3A, %dma_start3A_68] : memref<128x128xf32, #tpu.memory_space<vmem>> -> memref<128x128xf32, #tpu.memory_space<vmem>>
      %dma_start3A_70 = arith.constant 0 : i32
      %dma_start3A_71 = tpu.memref_slice %arg9[%add3A_7, %dma_start3A_70] : memref<10112x128xf32, #tpu.memory_space<vmem_shared>> -> memref<128x128xf32, #tpu.memory_space<vmem_shared>>
      %dma_start3A_72 = arith.constant 0 : i32
      %dma_start3A_73 = tpu.memref_slice %arg9[%add3A_7, %dma_start3A_72] : memref<10112x128xf32, #tpu.memory_space<vmem_shared>> -> memref<128x128xf32, #tpu.memory_space<vmem_shared>>
      %dma_start3A_74 = arith.constant 0 : i32
      %dma_start3A_75 = arith.constant 0 : i32
      %dma_start3A_76 = tpu.memref_slice %arg8[%dma_start3A_74, %dma_start3A_75] : memref<128x128xf32, #tpu.memory_space<vmem>> -> memref<128x128xf32, #tpu.memory_space<vmem>>
      tpu.enqueue_dma source(%dma_start3A_76 : memref<128x128xf32, #tpu.memory_space<vmem>>) target(%dma_start3A_73 : memref<128x128xf32, #tpu.memory_space<vmem_shared>>) target_semaphore(%run_scoped3A : memref<!tpu.dma_semaphore, #tpu.memory_space<semaphore_mem>>)
      %dma_wait3A = arith.constant 0 : i32
      %dma_wait3A_77 = arith.constant 0 : i32
      %dma_wait3A_78 = tpu.memref_slice %arg8[%dma_wait3A, %dma_wait3A_77] : memref<128x128xf32, #tpu.memory_space<vmem>> -> memref<128x128xf32, #tpu.memory_space<vmem>>
      %dma_wait3A_79 = arith.constant 0 : i32
      %dma_wait3A_80 = tpu.memref_slice %arg9[%add3A_7, %dma_wait3A_79] : memref<10112x128xf32, #tpu.memory_space<vmem_shared>> -> memref<128x128xf32, #tpu.memory_space<vmem_shared>>
      %dma_wait3A_81 = arith.constant 0 : i32
      %dma_wait3A_82 = tpu.memref_slice %arg9[%add3A_7, %dma_wait3A_81] : memref<10112x128xf32, #tpu.memory_space<vmem_shared>> -> memref<128x128xf32, #tpu.memory_space<vmem_shared>>
      %dma_wait3A_83 = arith.constant 0 : i32
      %dma_wait3A_84 = arith.constant 0 : i32
      %dma_wait3A_85 = tpu.memref_slice %arg8[%dma_wait3A_83, %dma_wait3A_84] : memref<128x128xf32, #tpu.memory_space<vmem>> -> memref<128x128xf32, #tpu.memory_space<vmem>>
      tpu.wait_dma2 semaphore(%run_scoped3A : memref<!tpu.dma_semaphore, #tpu.memory_space<semaphore_mem>>) src(%dma_wait3A_85 : memref<128x128xf32, #tpu.memory_space<vmem>>) dst(%dma_wait3A_82 : memref<128x128xf32, #tpu.memory_space<vmem_shared>>)
      tpu.yield
    }) : () -> ()
    %mul3A_8 = arith.constant 632 : i32
    %mul3A_9 = arith.muli %arg1, %mul3A_8 : i32
    %add3A_10 = arith.constant 128 : i32
    %add3A_11 = arith.addi %mul3A_9, %add3A_10 : i32
    "tpu.region"() ({
      %run_scoped3A = tpu.sem_alloc : memref<!tpu.dma_semaphore, #tpu.memory_space<semaphore_mem>>
      %dma_start3A = arith.constant 0 : i32
      %dma_start3A_68 = arith.constant 0 : i32
      %dma_start3A_69 = tpu.memref_slice %arg8[%dma_start3A, %dma_start3A_68] : memref<128x128xf32, #tpu.memory_space<vmem>> -> memref<128x128xf32, #tpu.memory_space<vmem>>
      %dma_start3A_70 = arith.constant 0 : i32
      %dma_start3A_71 = tpu.memref_slice %arg9[%add3A_11, %dma_start3A_70] : memref<10112x128xf32, #tpu.memory_space<vmem_shared>> -> memref<128x128xf32, #tpu.memory_space<vmem_shared>>
      %dma_start3A_72 = arith.constant 0 : i32
      %dma_start3A_73 = tpu.memref_slice %arg9[%add3A_11, %dma_start3A_72] : memref<10112x128xf32, #tpu.memory_space<vmem_shared>> -> memref<128x128xf32, #tpu.memory_space<vmem_shared>>
      %dma_start3A_74 = arith.constant 0 : i32
      %dma_start3A_75 = arith.constant 0 : i32
      %dma_start3A_76 = tpu.memref_slice %arg8[%dma_start3A_74, %dma_start3A_75] : memref<128x128xf32, #tpu.memory_space<vmem>> -> memref<128x128xf32, #tpu.memory_space<vmem>>
      tpu.enqueue_dma source(%dma_start3A_76 : memref<128x128xf32, #tpu.memory_space<vmem>>) target(%dma_start3A_73 : memref<128x128xf32, #tpu.memory_space<vmem_shared>>) target_semaphore(%run_scoped3A : memref<!tpu.dma_semaphore, #tpu.memory_space<semaphore_mem>>)
      %dma_wait3A = arith.constant 0 : i32
      %dma_wait3A_77 = arith.constant 0 : i32
      %dma_wait3A_78 = tpu.memref_slice %arg8[%dma_wait3A, %dma_wait3A_77] : memref<128x128xf32, #tpu.memory_space<vmem>> -> memref<128x128xf32, #tpu.memory_space<vmem>>
      %dma_wait3A_79 = arith.constant 0 : i32
      %dma_wait3A_80 = tpu.memref_slice %arg9[%add3A_11, %dma_wait3A_79] : memref<10112x128xf32, #tpu.memory_space<vmem_shared>> -> memref<128x128xf32, #tpu.memory_space<vmem_shared>>
      %dma_wait3A_81 = arith.constant 0 : i32
      %dma_wait3A_82 = tpu.memref_slice %arg9[%add3A_11, %dma_wait3A_81] : memref<10112x128xf32, #tpu.memory_space<vmem_shared>> -> memref<128x128xf32, #tpu.memory_space<vmem_shared>>
      %dma_wait3A_83 = arith.constant 0 : i32
      %dma_wait3A_84 = arith.constant 0 : i32
      %dma_wait3A_85 = tpu.memref_slice %arg8[%dma_wait3A_83, %dma_wait3A_84] : memref<128x128xf32, #tpu.memory_space<vmem>> -> memref<128x128xf32, #tpu.memory_space<vmem>>
      tpu.wait_dma2 semaphore(%run_scoped3A : memref<!tpu.dma_semaphore, #tpu.memory_space<semaphore_mem>>) src(%dma_wait3A_85 : memref<128x128xf32, #tpu.memory_space<vmem>>) dst(%dma_wait3A_82 : memref<128x128xf32, #tpu.memory_space<vmem_shared>>)
      tpu.yield
    }) : () -> ()
    %mul3A_12 = arith.constant 632 : i32
    %mul3A_13 = arith.muli %arg1, %mul3A_12 : i32
    %add3A_14 = arith.constant 256 : i32
    %add3A_15 = arith.addi %mul3A_13, %add3A_14 : i32
    "tpu.region"() ({
      %run_scoped3A = tpu.sem_alloc : memref<!tpu.dma_semaphore, #tpu.memory_space<semaphore_mem>>
      %dma_start3A = arith.constant 0 : i32
      %dma_start3A_68 = arith.constant 0 : i32
      %dma_start3A_69 = tpu.memref_slice %arg8[%dma_start3A, %dma_start3A_68] : memref<128x128xf32, #tpu.memory_space<vmem>> -> memref<128x128xf32, #tpu.memory_space<vmem>>
      %dma_start3A_70 = arith.constant 0 : i32
      %dma_start3A_71 = tpu.memref_slice %arg9[%add3A_15, %dma_start3A_70] : memref<10112x128xf32, #tpu.memory_space<vmem_shared>> -> memref<128x128xf32, #tpu.memory_space<vmem_shared>>
      %dma_start3A_72 = arith.constant 0 : i32
      %dma_start3A_73 = tpu.memref_slice %arg9[%add3A_15, %dma_start3A_72] : memref<10112x128xf32, #tpu.memory_space<vmem_shared>> -> memref<128x128xf32, #tpu.memory_space<vmem_shared>>
      %dma_start3A_74 = arith.constant 0 : i32
      %dma_start3A_75 = arith.constant 0 : i32
      %dma_start3A_76 = tpu.memref_slice %arg8[%dma_start3A_74, %dma_start3A_75] : memref<128x128xf32, #tpu.memory_space<vmem>> -> memref<128x128xf32, #tpu.memory_space<vmem>>
      tpu.enqueue_dma source(%dma_start3A_76 : memref<128x128xf32, #tpu.memory_space<vmem>>) target(%dma_start3A_73 : memref<128x128xf32, #tpu.memory_space<vmem_shared>>) target_semaphore(%run_scoped3A : memref<!tpu.dma_semaphore, #tpu.memory_space<semaphore_mem>>)
      %dma_wait3A = arith.constant 0 : i32
      %dma_wait3A_77 = arith.constant 0 : i32
      %dma_wait3A_78 = tpu.memref_slice %arg8[%dma_wait3A, %dma_wait3A_77] : memref<128x128xf32, #tpu.memory_space<vmem>> -> memref<128x128xf32, #tpu.memory_space<vmem>>
      %dma_wait3A_79 = arith.constant 0 : i32
      %dma_wait3A_80 = tpu.memref_slice %arg9[%add3A_15, %dma_wait3A_79] : memref<10112x128xf32, #tpu.memory_space<vmem_shared>> -> memref<128x128xf32, #tpu.memory_space<vmem_shared>>
      %dma_wait3A_81 = arith.constant 0 : i32
      %dma_wait3A_82 = tpu.memref_slice %arg9[%add3A_15, %dma_wait3A_81] : memref<10112x128xf32, #tpu.memory_space<vmem_shared>> -> memref<128x128xf32, #tpu.memory_space<vmem_shared>>
      %dma_wait3A_83 = arith.constant 0 : i32
      %dma_wait3A_84 = arith.constant 0 : i32
      %dma_wait3A_85 = tpu.memref_slice %arg8[%dma_wait3A_83, %dma_wait3A_84] : memref<128x128xf32, #tpu.memory_space<vmem>> -> memref<128x128xf32, #tpu.memory_space<vmem>>
      tpu.wait_dma2 semaphore(%run_scoped3A : memref<!tpu.dma_semaphore, #tpu.memory_space<semaphore_mem>>) src(%dma_wait3A_85 : memref<128x128xf32, #tpu.memory_space<vmem>>) dst(%dma_wait3A_82 : memref<128x128xf32, #tpu.memory_space<vmem_shared>>)
      tpu.yield
    }) : () -> ()
    %mul3A_16 = arith.constant 632 : i32
    %mul3A_17 = arith.muli %arg1, %mul3A_16 : i32
    %add3A_18 = arith.constant 384 : i32
    %add3A_19 = arith.addi %mul3A_17, %add3A_18 : i32
    "tpu.region"() ({
      %run_scoped3A = tpu.sem_alloc : memref<!tpu.dma_semaphore, #tpu.memory_space<semaphore_mem>>
      %dma_start3A = arith.constant 0 : i32
      %dma_start3A_68 = arith.constant 0 : i32
      %dma_start3A_69 = tpu.memref_slice %arg8[%dma_start3A, %dma_start3A_68] : memref<128x128xf32, #tpu.memory_space<vmem>> -> memref<128x128xf32, #tpu.memory_space<vmem>>
      %dma_start3A_70 = arith.constant 0 : i32
      %dma_start3A_71 = tpu.memref_slice %arg9[%add3A_19, %dma_start3A_70] : memref<10112x128xf32, #tpu.memory_space<vmem_shared>> -> memref<128x128xf32, #tpu.memory_space<vmem_shared>>
      %dma_start3A_72 = arith.constant 0 : i32
      %dma_start3A_73 = tpu.memref_slice %arg9[%add3A_19, %dma_start3A_72] : memref<10112x128xf32, #tpu.memory_space<vmem_shared>> -> memref<128x128xf32, #tpu.memory_space<vmem_shared>>
      %dma_start3A_74 = arith.constant 0 : i32
      %dma_start3A_75 = arith.constant 0 : i32
      %dma_start3A_76 = tpu.memref_slice %arg8[%dma_start3A_74, %dma_start3A_75] : memref<128x128xf32, #tpu.memory_space<vmem>> -> memref<128x128xf32, #tpu.memory_space<vmem>>
      tpu.enqueue_dma source(%dma_start3A_76 : memref<128x128xf32, #tpu.memory_space<vmem>>) target(%dma_start3A_73 : memref<128x128xf32, #tpu.memory_space<vmem_shared>>) target_semaphore(%run_scoped3A : memref<!tpu.dma_semaphore, #tpu.memory_space<semaphore_mem>>)
      %dma_wait3A = arith.constant 0 : i32
      %dma_wait3A_77 = arith.constant 0 : i32
      %dma_wait3A_78 = tpu.memref_slice %arg8[%dma_wait3A, %dma_wait3A_77] : memref<128x128xf32, #tpu.memory_space<vmem>> -> memref<128x128xf32, #tpu.memory_space<vmem>>
      %dma_wait3A_79 = arith.constant 0 : i32
      %dma_wait3A_80 = tpu.memref_slice %arg9[%add3A_19, %dma_wait3A_79] : memref<10112x128xf32, #tpu.memory_space<vmem_shared>> -> memref<128x128xf32, #tpu.memory_space<vmem_shared>>
      %dma_wait3A_81 = arith.constant 0 : i32
      %dma_wait3A_82 = tpu.memref_slice %arg9[%add3A_19, %dma_wait3A_81] : memref<10112x128xf32, #tpu.memory_space<vmem_shared>> -> memref<128x128xf32, #tpu.memory_space<vmem_shared>>
      %dma_wait3A_83 = arith.constant 0 : i32
      %dma_wait3A_84 = arith.constant 0 : i32
      %dma_wait3A_85 = tpu.memref_slice %arg8[%dma_wait3A_83, %dma_wait3A_84] : memref<128x128xf32, #tpu.memory_space<vmem>> -> memref<128x128xf32, #tpu.memory_space<vmem>>
      tpu.wait_dma2 semaphore(%run_scoped3A : memref<!tpu.dma_semaphore, #tpu.memory_space<semaphore_mem>>) src(%dma_wait3A_85 : memref<128x128xf32, #tpu.memory_space<vmem>>) dst(%dma_wait3A_82 : memref<128x128xf32, #tpu.memory_space<vmem_shared>>)
      tpu.yield
    }) : () -> ()
    %mul3A_20 = arith.constant 632 : i32
    %mul3A_21 = arith.muli %arg1, %mul3A_20 : i32
    %add3A_22 = arith.constant 512 : i32
    %add3A_23 = arith.addi %mul3A_21, %add3A_22 : i32
    "tpu.region"() ({
      %run_scoped3A = tpu.sem_alloc : memref<!tpu.dma_semaphore, #tpu.memory_space<semaphore_mem>>
      %dma_start3A = arith.constant 0 : i32
      %dma_start3A_68 = arith.constant 0 : i32
      %dma_start3A_69 = tpu.memref_slice %arg8[%dma_start3A, %dma_start3A_68] : memref<128x128xf32, #tpu.memory_space<vmem>> -> memref<120x128xf32, #tpu.memory_space<vmem>>
      %dma_start3A_70 = arith.constant 0 : i32
      %dma_start3A_71 = tpu.memref_slice %arg9[%add3A_23, %dma_start3A_70] : memref<10112x128xf32, #tpu.memory_space<vmem_shared>> -> memref<120x128xf32, #tpu.memory_space<vmem_shared>>
      %dma_start3A_72 = arith.constant 0 : i32
      %dma_start3A_73 = tpu.memref_slice %arg9[%add3A_23, %dma_start3A_72] : memref<10112x128xf32, #tpu.memory_space<vmem_shared>> -> memref<120x128xf32, #tpu.memory_space<vmem_shared>>
      %dma_start3A_74 = arith.constant 0 : i32
      %dma_start3A_75 = arith.constant 0 : i32
      %dma_start3A_76 = tpu.memref_slice %arg8[%dma_start3A_74, %dma_start3A_75] : memref<128x128xf32, #tpu.memory_space<vmem>> -> memref<120x128xf32, #tpu.memory_space<vmem>>
      tpu.enqueue_dma source(%dma_start3A_76 : memref<120x128xf32, #tpu.memory_space<vmem>>) target(%dma_start3A_73 : memref<120x128xf32, #tpu.memory_space<vmem_shared>>) target_semaphore(%run_scoped3A : memref<!tpu.dma_semaphore, #tpu.memory_space<semaphore_mem>>)
      %dma_wait3A = arith.constant 0 : i32
      %dma_wait3A_77 = arith.constant 0 : i32
      %dma_wait3A_78 = tpu.memref_slice %arg8[%dma_wait3A, %dma_wait3A_77] : memref<128x128xf32, #tpu.memory_space<vmem>> -> memref<120x128xf32, #tpu.memory_space<vmem>>
      %dma_wait3A_79 = arith.constant 0 : i32
      %dma_wait3A_80 = tpu.memref_slice %arg9[%add3A_23, %dma_wait3A_79] : memref<10112x128xf32, #tpu.memory_space<vmem_shared>> -> memref<120x128xf32, #tpu.memory_space<vmem_shared>>
      %dma_wait3A_81 = arith.constant 0 : i32
      %dma_wait3A_82 = tpu.memref_slice %arg9[%add3A_23, %dma_wait3A_81] : memref<10112x128xf32, #tpu.memory_space<vmem_shared>> -> memref<120x128xf32, #tpu.memory_space<vmem_shared>>
      %dma_wait3A_83 = arith.constant 0 : i32
      %dma_wait3A_84 = arith.constant 0 : i32
      %dma_wait3A_85 = tpu.memref_slice %arg8[%dma_wait3A_83, %dma_wait3A_84] : memref<128x128xf32, #tpu.memory_space<vmem>> -> memref<120x128xf32, #tpu.memory_space<vmem>>
      tpu.wait_dma2 semaphore(%run_scoped3A : memref<!tpu.dma_semaphore, #tpu.memory_space<semaphore_mem>>) src(%dma_wait3A_85 : memref<120x128xf32, #tpu.memory_space<vmem>>) dst(%dma_wait3A_82 : memref<120x128xf32, #tpu.memory_space<vmem_shared>>)
      tpu.yield
    }) : () -> ()
    %barrier3A = arith.constant 0 : index
    tpu.barrier barrier_id(%barrier3A)
    %mul3A_24 = arith.constant 16 : i32
    %mul3A_25 = arith.muli %arg0, %mul3A_24 : i32
    %add3A_26 = arith.addi %mul3A_25, %arg1 : i32
    %mul3A_27 = arith.constant 10112 : i32
    %mul3A_28 = arith.muli %add3A_26, %mul3A_27 : i32
    %scan3A_29 = arith.constant 0 : i32
    %scan3A_30 = arith.constant 0 : i32
    %scan3A_31 = arith.constant 79 : i32
    %scan3A_32 = arith.addi %scan3A_30, %scan3A_31 : i32
    %scan3A_33 = arith.constant 1 : i32
    scf.for %scan3A_68 = %scan3A_30 to %scan3A_32 step %scan3A_33  : i32 {
      %mul3A_69 = arith.constant 128 : i32
      %mul3A_70 = arith.muli %scan3A_68, %mul3A_69 : i32
      %add3A_71 = arith.addi %mul3A_28, %mul3A_70 : i32
      "tpu.region"() ({
        %run_scoped3A = tpu.sem_alloc : memref<!tpu.dma_semaphore, #tpu.memory_space<semaphore_mem>>
        %dma_start3A_76 = tpu.memref_slice %arg3[%add3A_71] : memref<323584xi32, #tpu.memory_space<hbm>> -> memref<128xi32, #tpu.memory_space<hbm>>
        %dma_start3A_77 = tpu.memref_slice %arg3[%add3A_71] : memref<323584xi32, #tpu.memory_space<hbm>> -> memref<128xi32, #tpu.memory_space<hbm>>
        tpu.enqueue_dma source(%dma_start3A_77 : memref<128xi32, #tpu.memory_space<hbm>>) target(%arg6 : memref<128xi32, #tpu.memory_space<vmem>>) target_semaphore(%run_scoped3A : memref<!tpu.dma_semaphore, #tpu.memory_space<semaphore_mem>>)
        %dma_wait3A_78 = tpu.memref_slice %arg3[%add3A_71] : memref<323584xi32, #tpu.memory_space<hbm>> -> memref<128xi32, #tpu.memory_space<hbm>>
        %dma_wait3A_79 = tpu.memref_slice %arg3[%add3A_71] : memref<323584xi32, #tpu.memory_space<hbm>> -> memref<128xi32, #tpu.memory_space<hbm>>
        tpu.wait_dma2 semaphore(%run_scoped3A : memref<!tpu.dma_semaphore, #tpu.memory_space<semaphore_mem>>) src(%dma_wait3A_79 : memref<128xi32, #tpu.memory_space<hbm>>) dst(%arg6 : memref<128xi32, #tpu.memory_space<vmem>>)
        tpu.yield
      }) : () -> ()
      "tpu.region"() ({
        %run_scoped3A = tpu.sem_alloc : memref<!tpu.dma_semaphore, #tpu.memory_space<semaphore_mem>>
        %dma_start3A_76 = tpu.memref_slice %arg4[%add3A_71] : memref<323584xi32, #tpu.memory_space<hbm>> -> memref<128xi32, #tpu.memory_space<hbm>>
        %dma_start3A_77 = tpu.memref_slice %arg4[%add3A_71] : memref<323584xi32, #tpu.memory_space<hbm>> -> memref<128xi32, #tpu.memory_space<hbm>>
        tpu.enqueue_dma source(%dma_start3A_77 : memref<128xi32, #tpu.memory_space<hbm>>) target(%arg7 : memref<128xi32, #tpu.memory_space<vmem>>) target_semaphore(%run_scoped3A : memref<!tpu.dma_semaphore, #tpu.memory_space<semaphore_mem>>)
        %dma_wait3A_78 = tpu.memref_slice %arg4[%add3A_71] : memref<323584xi32, #tpu.memory_space<hbm>> -> memref<128xi32, #tpu.memory_space<hbm>>
        %dma_wait3A_79 = tpu.memref_slice %arg4[%add3A_71] : memref<323584xi32, #tpu.memory_space<hbm>> -> memref<128xi32, #tpu.memory_space<hbm>>
        tpu.wait_dma2 semaphore(%run_scoped3A : memref<!tpu.dma_semaphore, #tpu.memory_space<semaphore_mem>>) src(%dma_wait3A_79 : memref<128xi32, #tpu.memory_space<hbm>>) dst(%arg7 : memref<128xi32, #tpu.memory_space<vmem>>)
        tpu.yield
      }) : () -> ()
      %dma_start3A = arith.constant 0 : i32
      %dma_start3A_72 = arith.constant 0 : i32
      %dma_start3A_73 = tpu.memref_slice %arg2[%dma_start3A, %dma_start3A_72] : memref<10000x128xf32, #tpu.memory_space<hbm>> -> memref<10000x128xf32, #tpu.memory_space<hbm>>
      tpu.enqueue_indirect_dma source(%dma_start3A_73 : memref<10000x128xf32, #tpu.memory_space<hbm>>) target(%arg8 : memref<128x128xf32, #tpu.memory_space<vmem>>) offsets(%arg6 : memref<128xi32, #tpu.memory_space<vmem>>) semaphore(%arg10 : memref<!tpu.dma_semaphore, #tpu.memory_space<semaphore_mem>>)
      %dma_wait3A = arith.constant 0 : i32
      %dma_wait3A_74 = arith.constant 0 : i32
      %dma_wait3A_75 = tpu.memref_slice %arg2[%dma_wait3A, %dma_wait3A_74] : memref<10000x128xf32, #tpu.memory_space<hbm>> -> memref<10000x128xf32, #tpu.memory_space<hbm>>
      tpu.wait_indirect_dma semaphore(%arg10 : memref<!tpu.dma_semaphore, #tpu.memory_space<semaphore_mem>>) src(%dma_wait3A_75 : memref<10000x128xf32, #tpu.memory_space<hbm>>) dst(%arg8 : memref<128x128xf32, #tpu.memory_space<vmem>>)
      "tpu.region"() ({
        %run_scoped3A = tpu.sem_alloc : memref<!tpu.dma_semaphore, #tpu.memory_space<semaphore_mem>>
        %dma_start3A_76 = arith.constant 0 : i32
        %dma_start3A_77 = arith.constant 0 : i32
        %dma_start3A_78 = tpu.memref_slice %arg9[%dma_start3A_76, %dma_start3A_77] : memref<10112x128xf32, #tpu.memory_space<vmem_shared>> -> memref<10112x128xf32, #tpu.memory_space<vmem_shared>>
        tpu.enqueue_indirect_dma source(%arg8 : memref<128x128xf32, #tpu.memory_space<vmem>>) target(%dma_start3A_78 : memref<10112x128xf32, #tpu.memory_space<vmem_shared>>) offsets(%arg7 : memref<128xi32, #tpu.memory_space<vmem>>) semaphore(%run_scoped3A : memref<!tpu.dma_semaphore, #tpu.memory_space<semaphore_mem>>) {add = true}
        %dma_wait3A_79 = arith.constant 0 : i32
        %dma_wait3A_80 = arith.constant 0 : i32
        %dma_wait3A_81 = tpu.memref_slice %arg9[%dma_wait3A_79, %dma_wait3A_80] : memref<10112x128xf32, #tpu.memory_space<vmem_shared>> -> memref<10112x128xf32, #tpu.memory_space<vmem_shared>>
        tpu.wait_indirect_dma semaphore(%run_scoped3A : memref<!tpu.dma_semaphore, #tpu.memory_space<semaphore_mem>>) src(%arg8 : memref<128x128xf32, #tpu.memory_space<vmem>>) dst(%dma_wait3A_81 : memref<10112x128xf32, #tpu.memory_space<vmem_shared>>)
        tpu.yield
      }) : () -> ()
    }
    %scan3A_34 = arith.constant 79 : i32
    %barrier3A_35 = arith.constant 0 : index
    tpu.barrier barrier_id(%barrier3A_35)
    %add3A_36 = arith.constant 0 : i32
    %add3A_37 = arith.addi %arg1, %add3A_36 : i32
    %lt3A = arith.constant 79 : i32
    %lt3A_38 = arith.cmpi slt, %add3A_37, %lt3A : i32
    %convert_element_type3A = arith.extui %lt3A_38 : i1 to i32
    %cond3A = arith.constant 0 : i32
    %cond3A_39 = arith.cmpi ne, %convert_element_type3A, %cond3A : i32
    scf.if %cond3A_39 {
      %mul3A_68 = arith.constant 128 : i32
      %mul3A_69 = arith.muli %add3A_37, %mul3A_68 : i32
      "tpu.region"() ({
        %run_scoped3A = tpu.sem_alloc : memref<!tpu.dma_semaphore, #tpu.memory_space<semaphore_mem>>
        %dma_start3A = arith.constant 0 : i32
        %dma_start3A_75 = tpu.memref_slice %arg9[%mul3A_69, %dma_start3A] : memref<10112x128xf32, #tpu.memory_space<vmem_shared>> -> memref<128x128xf32, #tpu.memory_space<vmem_shared>>
        %dma_start3A_76 = arith.constant 0 : i32
        %dma_start3A_77 = tpu.memref_slice %arg9[%mul3A_69, %dma_start3A_76] : memref<10112x128xf32, #tpu.memory_space<vmem_shared>> -> memref<128x128xf32, #tpu.memory_space<vmem_shared>>
        tpu.enqueue_dma source(%dma_start3A_77 : memref<128x128xf32, #tpu.memory_space<vmem_shared>>) target(%arg8 : memref<128x128xf32, #tpu.memory_space<vmem>>) target_semaphore(%run_scoped3A : memref<!tpu.dma_semaphore, #tpu.memory_space<semaphore_mem>>)
        %dma_wait3A = arith.constant 0 : i32
        %dma_wait3A_78 = tpu.memref_slice %arg9[%mul3A_69, %dma_wait3A] : memref<10112x128xf32, #tpu.memory_space<vmem_shared>> -> memref<128x128xf32, #tpu.memory_space<vmem_shared>>
        %dma_wait3A_79 = arith.constant 0 : i32
        %dma_wait3A_80 = tpu.memref_slice %arg9[%mul3A_69, %dma_wait3A_79] : memref<10112x128xf32, #tpu.memory_space<vmem_shared>> -> memref<128x128xf32, #tpu.memory_space<vmem_shared>>
        tpu.wait_dma2 semaphore(%run_scoped3A : memref<!tpu.dma_semaphore, #tpu.memory_space<semaphore_mem>>) src(%dma_wait3A_80 : memref<128x128xf32, #tpu.memory_space<vmem_shared>>) dst(%arg8 : memref<128x128xf32, #tpu.memory_space<vmem>>)
        tpu.yield
      }) : () -> ()
      %mul3A_70 = arith.constant 10112 : i32
      %mul3A_71 = arith.muli %arg0, %mul3A_70 : i32
      %mul3A_72 = arith.constant 128 : i32
      %mul3A_73 = arith.muli %add3A_37, %mul3A_72 : i32
      %add3A_74 = arith.addi %mul3A_71, %mul3A_73 : i32
      "tpu.region"() ({
        %run_scoped3A = tpu.sem_alloc : memref<!tpu.dma_semaphore, #tpu.memory_space<semaphore_mem>>
        %dma_start3A = arith.constant 0 : i32
        %dma_start3A_75 = tpu.memref_slice %arg5[%add3A_74, %dma_start3A] : memref<20224x128xf32, #tpu.memory_space<hbm>> -> memref<128x128xf32, #tpu.memory_space<hbm>>
        %dma_start3A_76 = arith.constant 0 : i32
        %dma_start3A_77 = tpu.memref_slice %arg5[%add3A_74, %dma_start3A_76] : memref<20224x128xf32, #tpu.memory_space<hbm>> -> memref<128x128xf32, #tpu.memory_space<hbm>>
        tpu.enqueue_dma source(%arg8 : memref<128x128xf32, #tpu.memory_space<vmem>>) target(%dma_start3A_77 : memref<128x128xf32, #tpu.memory_space<hbm>>) target_semaphore(%run_scoped3A : memref<!tpu.dma_semaphore, #tpu.memory_space<semaphore_mem>>)
        %dma_wait3A = arith.constant 0 : i32
        %dma_wait3A_78 = tpu.memref_slice %arg5[%add3A_74, %dma_wait3A] : memref<20224x128xf32, #tpu.memory_space<hbm>> -> memref<128x128xf32, #tpu.memory_space<hbm>>
        %dma_wait3A_79 = arith.constant 0 : i32
        %dma_wait3A_80 = tpu.memref_slice %arg5[%add3A_74, %dma_wait3A_79] : memref<20224x128xf32, #tpu.memory_space<hbm>> -> memref<128x128xf32, #tpu.memory_space<hbm>>
        tpu.wait_dma2 semaphore(%run_scoped3A : memref<!tpu.dma_semaphore, #tpu.memory_space<semaphore_mem>>) src(%arg8 : memref<128x128xf32, #tpu.memory_space<vmem>>) dst(%dma_wait3A_80 : memref<128x128xf32, #tpu.memory_space<hbm>>)
        tpu.yield
      }) : () -> ()
    } else {
    }
    %add3A_40 = arith.constant 16 : i32
    %add3A_41 = arith.addi %arg1, %add3A_40 : i32
    %lt3A_42 = arith.constant 79 : i32
    %lt3A_43 = arith.cmpi slt, %add3A_41, %lt3A_42 : i32
    %convert_element_type3A_44 = arith.extui %lt3A_43 : i1 to i32
    %cond3A_45 = arith.constant 0 : i32
    %cond3A_46 = arith.cmpi ne, %convert_element_type3A_44, %cond3A_45 : i32
    scf.if %cond3A_46 {
      %mul3A_68 = arith.constant 128 : i32
      %mul3A_69 = arith.muli %add3A_41, %mul3A_68 : i32
      "tpu.region"() ({
        %run_scoped3A = tpu.sem_alloc : memref<!tpu.dma_semaphore, #tpu.memory_space<semaphore_mem>>
        %dma_start3A = arith.constant 0 : i32
        %dma_start3A_75 = tpu.memref_slice %arg9[%mul3A_69, %dma_start3A] : memref<10112x128xf32, #tpu.memory_space<vmem_shared>> -> memref<128x128xf32, #tpu.memory_space<vmem_shared>>
        %dma_start3A_76 = arith.constant 0 : i32
        %dma_start3A_77 = tpu.memref_slice %arg9[%mul3A_69, %dma_start3A_76] : memref<10112x128xf32, #tpu.memory_space<vmem_shared>> -> memref<128x128xf32, #tpu.memory_space<vmem_shared>>
        tpu.enqueue_dma source(%dma_start3A_77 : memref<128x128xf32, #tpu.memory_space<vmem_shared>>) target(%arg8 : memref<128x128xf32, #tpu.memory_space<vmem>>) target_semaphore(%run_scoped3A : memref<!tpu.dma_semaphore, #tpu.memory_space<semaphore_mem>>)
        %dma_wait3A = arith.constant 0 : i32
        %dma_wait3A_78 = tpu.memref_slice %arg9[%mul3A_69, %dma_wait3A] : memref<10112x128xf32, #tpu.memory_space<vmem_shared>> -> memref<128x128xf32, #tpu.memory_space<vmem_shared>>
        %dma_wait3A_79 = arith.constant 0 : i32
        %dma_wait3A_80 = tpu.memref_slice %arg9[%mul3A_69, %dma_wait3A_79] : memref<10112x128xf32, #tpu.memory_space<vmem_shared>> -> memref<128x128xf32, #tpu.memory_space<vmem_shared>>
        tpu.wait_dma2 semaphore(%run_scoped3A : memref<!tpu.dma_semaphore, #tpu.memory_space<semaphore_mem>>) src(%dma_wait3A_80 : memref<128x128xf32, #tpu.memory_space<vmem_shared>>) dst(%arg8 : memref<128x128xf32, #tpu.memory_space<vmem>>)
        tpu.yield
      }) : () -> ()
      %mul3A_70 = arith.constant 10112 : i32
      %mul3A_71 = arith.muli %arg0, %mul3A_70 : i32
      %mul3A_72 = arith.constant 128 : i32
      %mul3A_73 = arith.muli %add3A_41, %mul3A_72 : i32
      %add3A_74 = arith.addi %mul3A_71, %mul3A_73 : i32
      "tpu.region"() ({
        %run_scoped3A = tpu.sem_alloc : memref<!tpu.dma_semaphore, #tpu.memory_space<semaphore_mem>>
        %dma_start3A = arith.constant 0 : i32
        %dma_start3A_75 = tpu.memref_slice %arg5[%add3A_74, %dma_start3A] : memref<20224x128xf32, #tpu.memory_space<hbm>> -> memref<128x128xf32, #tpu.memory_space<hbm>>
        %dma_start3A_76 = arith.constant 0 : i32
        %dma_start3A_77 = tpu.memref_slice %arg5[%add3A_74, %dma_start3A_76] : memref<20224x128xf32, #tpu.memory_space<hbm>> -> memref<128x128xf32, #tpu.memory_space<hbm>>
        tpu.enqueue_dma source(%arg8 : memref<128x128xf32, #tpu.memory_space<vmem>>) target(%dma_start3A_77 : memref<128x128xf32, #tpu.memory_space<hbm>>) target_semaphore(%run_scoped3A : memref<!tpu.dma_semaphore, #tpu.memory_space<semaphore_mem>>)
        %dma_wait3A = arith.constant 0 : i32
        %dma_wait3A_78 = tpu.memref_slice %arg5[%add3A_74, %dma_wait3A] : memref<20224x128xf32, #tpu.memory_space<hbm>> -> memref<128x128xf32, #tpu.memory_space<hbm>>
        %dma_wait3A_79 = arith.constant 0 : i32
        %dma_wait3A_80 = tpu.memref_slice %arg5[%add3A_74, %dma_wait3A_79] : memref<20224x128xf32, #tpu.memory_space<hbm>> -> memref<128x128xf32, #tpu.memory_space<hbm>>
        tpu.wait_dma2 semaphore(%run_scoped3A : memref<!tpu.dma_semaphore, #tpu.memory_space<semaphore_mem>>) src(%arg8 : memref<128x128xf32, #tpu.memory_space<vmem>>) dst(%dma_wait3A_80 : memref<128x128xf32, #tpu.memory_space<hbm>>)
        tpu.yield
      }) : () -> ()
    } else {
    }
    %add3A_47 = arith.constant 32 : i32
    %add3A_48 = arith.addi %arg1, %add3A_47 : i32
    %lt3A_49 = arith.constant 79 : i32
    %lt3A_50 = arith.cmpi slt, %add3A_48, %lt3A_49 : i32
    %convert_element_type3A_51 = arith.extui %lt3A_50 : i1 to i32
    %cond3A_52 = arith.constant 0 : i32
    %cond3A_53 = arith.cmpi ne, %convert_element_type3A_51, %cond3A_52 : i32
    scf.if %cond3A_53 {
      %mul3A_68 = arith.constant 128 : i32
      %mul3A_69 = arith.muli %add3A_48, %mul3A_68 : i32
      "tpu.region"() ({
        %run_scoped3A = tpu.sem_alloc : memref<!tpu.dma_semaphore, #tpu.memory_space<semaphore_mem>>
        %dma_start3A = arith.constant 0 : i32
        %dma_start3A_75 = tpu.memref_slice %arg9[%mul3A_69, %dma_start3A] : memref<10112x128xf32, #tpu.memory_space<vmem_shared>> -> memref<128x128xf32, #tpu.memory_space<vmem_shared>>
        %dma_start3A_76 = arith.constant 0 : i32
        %dma_start3A_77 = tpu.memref_slice %arg9[%mul3A_69, %dma_start3A_76] : memref<10112x128xf32, #tpu.memory_space<vmem_shared>> -> memref<128x128xf32, #tpu.memory_space<vmem_shared>>
        tpu.enqueue_dma source(%dma_start3A_77 : memref<128x128xf32, #tpu.memory_space<vmem_shared>>) target(%arg8 : memref<128x128xf32, #tpu.memory_space<vmem>>) target_semaphore(%run_scoped3A : memref<!tpu.dma_semaphore, #tpu.memory_space<semaphore_mem>>)
        %dma_wait3A = arith.constant 0 : i32
        %dma_wait3A_78 = tpu.memref_slice %arg9[%mul3A_69, %dma_wait3A] : memref<10112x128xf32, #tpu.memory_space<vmem_shared>> -> memref<128x128xf32, #tpu.memory_space<vmem_shared>>
        %dma_wait3A_79 = arith.constant 0 : i32
        %dma_wait3A_80 = tpu.memref_slice %arg9[%mul3A_69, %dma_wait3A_79] : memref<10112x128xf32, #tpu.memory_space<vmem_shared>> -> memref<128x128xf32, #tpu.memory_space<vmem_shared>>
        tpu.wait_dma2 semaphore(%run_scoped3A : memref<!tpu.dma_semaphore, #tpu.memory_space<semaphore_mem>>) src(%dma_wait3A_80 : memref<128x128xf32, #tpu.memory_space<vmem_shared>>) dst(%arg8 : memref<128x128xf32, #tpu.memory_space<vmem>>)
        tpu.yield
      }) : () -> ()
      %mul3A_70 = arith.constant 10112 : i32
      %mul3A_71 = arith.muli %arg0, %mul3A_70 : i32
      %mul3A_72 = arith.constant 128 : i32
      %mul3A_73 = arith.muli %add3A_48, %mul3A_72 : i32
      %add3A_74 = arith.addi %mul3A_71, %mul3A_73 : i32
      "tpu.region"() ({
        %run_scoped3A = tpu.sem_alloc : memref<!tpu.dma_semaphore, #tpu.memory_space<semaphore_mem>>
        %dma_start3A = arith.constant 0 : i32
        %dma_start3A_75 = tpu.memref_slice %arg5[%add3A_74, %dma_start3A] : memref<20224x128xf32, #tpu.memory_space<hbm>> -> memref<128x128xf32, #tpu.memory_space<hbm>>
        %dma_start3A_76 = arith.constant 0 : i32
        %dma_start3A_77 = tpu.memref_slice %arg5[%add3A_74, %dma_start3A_76] : memref<20224x128xf32, #tpu.memory_space<hbm>> -> memref<128x128xf32, #tpu.memory_space<hbm>>
        tpu.enqueue_dma source(%arg8 : memref<128x128xf32, #tpu.memory_space<vmem>>) target(%dma_start3A_77 : memref<128x128xf32, #tpu.memory_space<hbm>>) target_semaphore(%run_scoped3A : memref<!tpu.dma_semaphore, #tpu.memory_space<semaphore_mem>>)
        %dma_wait3A = arith.constant 0 : i32
        %dma_wait3A_78 = tpu.memref_slice %arg5[%add3A_74, %dma_wait3A] : memref<20224x128xf32, #tpu.memory_space<hbm>> -> memref<128x128xf32, #tpu.memory_space<hbm>>
        %dma_wait3A_79 = arith.constant 0 : i32
        %dma_wait3A_80 = tpu.memref_slice %arg5[%add3A_74, %dma_wait3A_79] : memref<20224x128xf32, #tpu.memory_space<hbm>> -> memref<128x128xf32, #tpu.memory_space<hbm>>
        tpu.wait_dma2 semaphore(%run_scoped3A : memref<!tpu.dma_semaphore, #tpu.memory_space<semaphore_mem>>) src(%arg8 : memref<128x128xf32, #tpu.memory_space<vmem>>) dst(%dma_wait3A_80 : memref<128x128xf32, #tpu.memory_space<hbm>>)
        tpu.yield
      }) : () -> ()
    } else {
    }
    %add3A_54 = arith.constant 48 : i32
    %add3A_55 = arith.addi %arg1, %add3A_54 : i32
    %lt3A_56 = arith.constant 79 : i32
    %lt3A_57 = arith.cmpi slt, %add3A_55, %lt3A_56 : i32
    %convert_element_type3A_58 = arith.extui %lt3A_57 : i1 to i32
    %cond3A_59 = arith.constant 0 : i32
    %cond3A_60 = arith.cmpi ne, %convert_element_type3A_58, %cond3A_59 : i32
    scf.if %cond3A_60 {
      %mul3A_68 = arith.constant 128 : i32
      %mul3A_69 = arith.muli %add3A_55, %mul3A_68 : i32
      "tpu.region"() ({
        %run_scoped3A = tpu.sem_alloc : memref<!tpu.dma_semaphore, #tpu.memory_space<semaphore_mem>>
        %dma_start3A = arith.constant 0 : i32
        %dma_start3A_75 = tpu.memref_slice %arg9[%mul3A_69, %dma_start3A] : memref<10112x128xf32, #tpu.memory_space<vmem_shared>> -> memref<128x128xf32, #tpu.memory_space<vmem_shared>>
        %dma_start3A_76 = arith.constant 0 : i32
        %dma_start3A_77 = tpu.memref_slice %arg9[%mul3A_69, %dma_start3A_76] : memref<10112x128xf32, #tpu.memory_space<vmem_shared>> -> memref<128x128xf32, #tpu.memory_space<vmem_shared>>
        tpu.enqueue_dma source(%dma_start3A_77 : memref<128x128xf32, #tpu.memory_space<vmem_shared>>) target(%arg8 : memref<128x128xf32, #tpu.memory_space<vmem>>) target_semaphore(%run_scoped3A : memref<!tpu.dma_semaphore, #tpu.memory_space<semaphore_mem>>)
        %dma_wait3A = arith.constant 0 : i32
        %dma_wait3A_78 = tpu.memref_slice %arg9[%mul3A_69, %dma_wait3A] : memref<10112x128xf32, #tpu.memory_space<vmem_shared>> -> memref<128x128xf32, #tpu.memory_space<vmem_shared>>
        %dma_wait3A_79 = arith.constant 0 : i32
        %dma_wait3A_80 = tpu.memref_slice %arg9[%mul3A_69, %dma_wait3A_79] : memref<10112x128xf32, #tpu.memory_space<vmem_shared>> -> memref<128x128xf32, #tpu.memory_space<vmem_shared>>
        tpu.wait_dma2 semaphore(%run_scoped3A : memref<!tpu.dma_semaphore, #tpu.memory_space<semaphore_mem>>) src(%dma_wait3A_80 : memref<128x128xf32, #tpu.memory_space<vmem_shared>>) dst(%arg8 : memref<128x128xf32, #tpu.memory_space<vmem>>)
        tpu.yield
      }) : () -> ()
      %mul3A_70 = arith.constant 10112 : i32
      %mul3A_71 = arith.muli %arg0, %mul3A_70 : i32
      %mul3A_72 = arith.constant 128 : i32
      %mul3A_73 = arith.muli %add3A_55, %mul3A_72 : i32
      %add3A_74 = arith.addi %mul3A_71, %mul3A_73 : i32
      "tpu.region"() ({
        %run_scoped3A = tpu.sem_alloc : memref<!tpu.dma_semaphore, #tpu.memory_space<semaphore_mem>>
        %dma_start3A = arith.constant 0 : i32
        %dma_start3A_75 = tpu.memref_slice %arg5[%add3A_74, %dma_start3A] : memref<20224x128xf32, #tpu.memory_space<hbm>> -> memref<128x128xf32, #tpu.memory_space<hbm>>
        %dma_start3A_76 = arith.constant 0 : i32
        %dma_start3A_77 = tpu.memref_slice %arg5[%add3A_74, %dma_start3A_76] : memref<20224x128xf32, #tpu.memory_space<hbm>> -> memref<128x128xf32, #tpu.memory_space<hbm>>
        tpu.enqueue_dma source(%arg8 : memref<128x128xf32, #tpu.memory_space<vmem>>) target(%dma_start3A_77 : memref<128x128xf32, #tpu.memory_space<hbm>>) target_semaphore(%run_scoped3A : memref<!tpu.dma_semaphore, #tpu.memory_space<semaphore_mem>>)
        %dma_wait3A = arith.constant 0 : i32
        %dma_wait3A_78 = tpu.memref_slice %arg5[%add3A_74, %dma_wait3A] : memref<20224x128xf32, #tpu.memory_space<hbm>> -> memref<128x128xf32, #tpu.memory_space<hbm>>
        %dma_wait3A_79 = arith.constant 0 : i32
        %dma_wait3A_80 = tpu.memref_slice %arg5[%add3A_74, %dma_wait3A_79] : memref<20224x128xf32, #tpu.memory_space<hbm>> -> memref<128x128xf32, #tpu.memory_space<hbm>>
        tpu.wait_dma2 semaphore(%run_scoped3A : memref<!tpu.dma_semaphore, #tpu.memory_space<semaphore_mem>>) src(%arg8 : memref<128x128xf32, #tpu.memory_space<vmem>>) dst(%dma_wait3A_80 : memref<128x128xf32, #tpu.memory_space<hbm>>)
        tpu.yield
      }) : () -> ()
    } else {
    }
    %add3A_61 = arith.constant 64 : i32
    %add3A_62 = arith.addi %arg1, %add3A_61 : i32
    %lt3A_63 = arith.constant 79 : i32
    %lt3A_64 = arith.cmpi slt, %add3A_62, %lt3A_63 : i32
    %convert_element_type3A_65 = arith.extui %lt3A_64 : i1 to i32
    %cond3A_66 = arith.constant 0 : i32
    %cond3A_67 = arith.cmpi ne, %convert_element_type3A_65, %cond3A_66 : i32
    scf.if %cond3A_67 {
      %mul3A_68 = arith.constant 128 : i32
      %mul3A_69 = arith.muli %add3A_62, %mul3A_68 : i32
      "tpu.region"() ({
        %run_scoped3A = tpu.sem_alloc : memref<!tpu.dma_semaphore, #tpu.memory_space<semaphore_mem>>
        %dma_start3A = arith.constant 0 : i32
        %dma_start3A_75 = tpu.memref_slice %arg9[%mul3A_69, %dma_start3A] : memref<10112x128xf32, #tpu.memory_space<vmem_shared>> -> memref<128x128xf32, #tpu.memory_space<vmem_shared>>
        %dma_start3A_76 = arith.constant 0 : i32
        %dma_start3A_77 = tpu.memref_slice %arg9[%mul3A_69, %dma_start3A_76] : memref<10112x128xf32, #tpu.memory_space<vmem_shared>> -> memref<128x128xf32, #tpu.memory_space<vmem_shared>>
        tpu.enqueue_dma source(%dma_start3A_77 : memref<128x128xf32, #tpu.memory_space<vmem_shared>>) target(%arg8 : memref<128x128xf32, #tpu.memory_space<vmem>>) target_semaphore(%run_scoped3A : memref<!tpu.dma_semaphore, #tpu.memory_space<semaphore_mem>>)
        %dma_wait3A = arith.constant 0 : i32
        %dma_wait3A_78 = tpu.memref_slice %arg9[%mul3A_69, %dma_wait3A] : memref<10112x128xf32, #tpu.memory_space<vmem_shared>> -> memref<128x128xf32, #tpu.memory_space<vmem_shared>>
        %dma_wait3A_79 = arith.constant 0 : i32
        %dma_wait3A_80 = tpu.memref_slice %arg9[%mul3A_69, %dma_wait3A_79] : memref<10112x128xf32, #tpu.memory_space<vmem_shared>> -> memref<128x128xf32, #tpu.memory_space<vmem_shared>>
        tpu.wait_dma2 semaphore(%run_scoped3A : memref<!tpu.dma_semaphore, #tpu.memory_space<semaphore_mem>>) src(%dma_wait3A_80 : memref<128x128xf32, #tpu.memory_space<vmem_shared>>) dst(%arg8 : memref<128x128xf32, #tpu.memory_space<vmem>>)
        tpu.yield
      }) : () -> ()
      %mul3A_70 = arith.constant 10112 : i32
      %mul3A_71 = arith.muli %arg0, %mul3A_70 : i32
      %mul3A_72 = arith.constant 128 : i32
      %mul3A_73 = arith.muli %add3A_62, %mul3A_72 : i32
      %add3A_74 = arith.addi %mul3A_71, %mul3A_73 : i32
      "tpu.region"() ({
        %run_scoped3A = tpu.sem_alloc : memref<!tpu.dma_semaphore, #tpu.memory_space<semaphore_mem>>
        %dma_start3A = arith.constant 0 : i32
        %dma_start3A_75 = tpu.memref_slice %arg5[%add3A_74, %dma_start3A] : memref<20224x128xf32, #tpu.memory_space<hbm>> -> memref<128x128xf32, #tpu.memory_space<hbm>>
        %dma_start3A_76 = arith.constant 0 : i32
        %dma_start3A_77 = tpu.memref_slice %arg5[%add3A_74, %dma_start3A_76] : memref<20224x128xf32, #tpu.memory_space<hbm>> -> memref<128x128xf32, #tpu.memory_space<hbm>>
        tpu.enqueue_dma source(%arg8 : memref<128x128xf32, #tpu.memory_space<vmem>>) target(%dma_start3A_77 : memref<128x128xf32, #tpu.memory_space<hbm>>) target_semaphore(%run_scoped3A : memref<!tpu.dma_semaphore, #tpu.memory_space<semaphore_mem>>)
        %dma_wait3A = arith.constant 0 : i32
        %dma_wait3A_78 = tpu.memref_slice %arg5[%add3A_74, %dma_wait3A] : memref<20224x128xf32, #tpu.memory_space<hbm>> -> memref<128x128xf32, #tpu.memory_space<hbm>>
        %dma_wait3A_79 = arith.constant 0 : i32
        %dma_wait3A_80 = tpu.memref_slice %arg5[%add3A_74, %dma_wait3A_79] : memref<20224x128xf32, #tpu.memory_space<hbm>> -> memref<128x128xf32, #tpu.memory_space<hbm>>
        tpu.wait_dma2 semaphore(%run_scoped3A : memref<!tpu.dma_semaphore, #tpu.memory_space<semaphore_mem>>) src(%arg8 : memref<128x128xf32, #tpu.memory_space<vmem>>) dst(%dma_wait3A_80 : memref<128x128xf32, #tpu.memory_space<hbm>>)
        tpu.yield
      }) : () -> ()
    } else {
    }
    return
  }
}

#map = affine_map<(d0, d1) -> (0, 0)>
#map1 = affine_map<(d0, d1) -> (0)>
module attributes {stable_mosaic.version = 14 : i64} {
  func.func @k(%arg0: i32, %arg1: i32, %arg2: memref<20000x128xf32, #tpu.memory_space<hbm>>, %arg3: memref<643072xi32, #tpu.memory_space<hbm>>, %arg4: memref<643072xi32, #tpu.memory_space<hbm>>, %arg5: memref<20224x128xf32, #tpu.memory_space<hbm>>, %arg6: memref<128xi32, #tpu.memory_space<vmem>>, %arg7: memref<128xi32, #tpu.memory_space<vmem>>, %arg8: memref<128x128xf32, #tpu.memory_space<vmem>>, %arg9: memref<10112x128xf32, #tpu.memory_space<vmem_shared>>, %arg10: memref<!tpu.dma_semaphore, #tpu.memory_space<semaphore_mem>>) attributes {dimension_semantics = [#tpu.dimension_semantics<core_parallel>, #tpu.dimension_semantics<subcore_parallel>], iteration_bounds = array<i64: 2, 16>, scalar_prefetch = 0 : i64, scratch_operands = 5 : i64, tpu.core_type = #tpu.core_type<sc_vector_subcore>, window_params = [{transform_indices = #map}, {transform_indices = #map1}, {transform_indices = #map1}, {transform_indices = #map}]} {
    %broadcast_in_dim3A = arith.constant 0.000000e+00 : f32
    %broadcast_in_dim3A_0 = vector.broadcast %broadcast_in_dim3A : f32 to vector<16xf32>
    %scan3A = arith.constant 0 : i32
    %scan3A_1 = arith.constant 0 : i32
    %scan3A_2 = arith.constant 128 : i32
    %scan3A_3 = arith.addi %scan3A_1, %scan3A_2 : i32
    %scan3A_4 = arith.constant 1 : i32
    scf.for %scan3A_68 = %scan3A_1 to %scan3A_3 step %scan3A_4  : i32 {
      %swap3A = arith.index_cast %scan3A_68 : i32 to index
      %swap3A_69 = arith.constant 0 : index
      %swap3A_70 = tpu.vector_load %arg8[%swap3A, %swap3A_69] {strides = array<i32>} : memref<128x128xf32, #tpu.memory_space<vmem>>, vector<1x16xf32>,
      %swap3A_71 = vector.shape_cast %swap3A_70 : vector<1x16xf32> to vector<16xf32>
      %swap3A_72 = vector.shape_cast %broadcast_in_dim3A_0 : vector<16xf32> to vector<1x16xf32>
      tpu.vector_store %arg8[%swap3A, %swap3A_69], %swap3A_72 {strides = array<i32>} : memref<128x128xf32, #tpu.memory_space<vmem>>, vector<1x16xf32>,
      %swap3A_73 = arith.index_cast %scan3A_68 : i32 to index
      %swap3A_74 = arith.constant 16 : index
      %swap3A_75 = tpu.vector_load %arg8[%swap3A_73, %swap3A_74] {strides = array<i32>} : memref<128x128xf32, #tpu.memory_space<vmem>>, vector<1x16xf32>,
      %swap3A_76 = vector.shape_cast %swap3A_75 : vector<1x16xf32> to vector<16xf32>
      %swap3A_77 = vector.shape_cast %broadcast_in_dim3A_0 : vector<16xf32> to vector<1x16xf32>
      tpu.vector_store %arg8[%swap3A_73, %swap3A_74], %swap3A_77 {strides = array<i32>} : memref<128x128xf32, #tpu.memory_space<vmem>>, vector<1x16xf32>,
      %swap3A_78 = arith.index_cast %scan3A_68 : i32 to index
      %swap3A_79 = arith.constant 32 : index
      %swap3A_80 = tpu.vector_load %arg8[%swap3A_78, %swap3A_79] {strides = array<i32>} : memref<128x128xf32, #tpu.memory_space<vmem>>, vector<1x16xf32>,
      %swap3A_81 = vector.shape_cast %swap3A_80 : vector<1x16xf32> to vector<16xf32>
      %swap3A_82 = vector.shape_cast %broadcast_in_dim3A_0 : vector<16xf32> to vector<1x16xf32>
      tpu.vector_store %arg8[%swap3A_78, %swap3A_79], %swap3A_82 {strides = array<i32>} : memref<128x128xf32, #tpu.memory_space<vmem>>, vector<1x16xf32>,
      %swap3A_83 = arith.index_cast %scan3A_68 : i32 to index
      %swap3A_84 = arith.constant 48 : index
      %swap3A_85 = tpu.vector_load %arg8[%swap3A_83, %swap3A_84] {strides = array<i32>} : memref<128x128xf32, #tpu.memory_space<vmem>>, vector<1x16xf32>,
      %swap3A_86 = vector.shape_cast %swap3A_85 : vector<1x16xf32> to vector<16xf32>
      %swap3A_87 = vector.shape_cast %broadcast_in_dim3A_0 : vector<16xf32> to vector<1x16xf32>
      tpu.vector_store %arg8[%swap3A_83, %swap3A_84], %swap3A_87 {strides = array<i32>} : memref<128x128xf32, #tpu.memory_space<vmem>>, vector<1x16xf32>,
      %swap3A_88 = arith.index_cast %scan3A_68 : i32 to index
      %swap3A_89 = arith.constant 64 : index
      %swap3A_90 = tpu.vector_load %arg8[%swap3A_88, %swap3A_89] {strides = array<i32>} : memref<128x128xf32, #tpu.memory_space<vmem>>, vector<1x16xf32>,
      %swap3A_91 = vector.shape_cast %swap3A_90 : vector<1x16xf32> to vector<16xf32>
      %swap3A_92 = vector.shape_cast %broadcast_in_dim3A_0 : vector<16xf32> to vector<1x16xf32>
      tpu.vector_store %arg8[%swap3A_88, %swap3A_89], %swap3A_92 {strides = array<i32>} : memref<128x128xf32, #tpu.memory_space<vmem>>, vector<1x16xf32>,
      %swap3A_93 = arith.index_cast %scan3A_68 : i32 to index
      %swap3A_94 = arith.constant 80 : index
      %swap3A_95 = tpu.vector_load %arg8[%swap3A_93, %swap3A_94] {strides = array<i32>} : memref<128x128xf32, #tpu.memory_space<vmem>>, vector<1x16xf32>,
      %swap3A_96 = vector.shape_cast %swap3A_95 : vector<1x16xf32> to vector<16xf32>
      %swap3A_97 = vector.shape_cast %broadcast_in_dim3A_0 : vector<16xf32> to vector<1x16xf32>
      tpu.vector_store %arg8[%swap3A_93, %swap3A_94], %swap3A_97 {strides = array<i32>} : memref<128x128xf32, #tpu.memory_space<vmem>>, vector<1x16xf32>,
      %swap3A_98 = arith.index_cast %scan3A_68 : i32 to index
      %swap3A_99 = arith.constant 96 : index
      %swap3A_100 = tpu.vector_load %arg8[%swap3A_98, %swap3A_99] {strides = array<i32>} : memref<128x128xf32, #tpu.memory_space<vmem>>, vector<1x16xf32>,
      %swap3A_101 = vector.shape_cast %swap3A_100 : vector<1x16xf32> to vector<16xf32>
      %swap3A_102 = vector.shape_cast %broadcast_in_dim3A_0 : vector<16xf32> to vector<1x16xf32>
      tpu.vector_store %arg8[%swap3A_98, %swap3A_99], %swap3A_102 {strides = array<i32>} : memref<128x128xf32, #tpu.memory_space<vmem>>, vector<1x16xf32>,
      %swap3A_103 = arith.index_cast %scan3A_68 : i32 to index
      %swap3A_104 = arith.constant 112 : index
      %swap3A_105 = tpu.vector_load %arg8[%swap3A_103, %swap3A_104] {strides = array<i32>} : memref<128x128xf32, #tpu.memory_space<vmem>>, vector<1x16xf32>,
      %swap3A_106 = vector.shape_cast %swap3A_105 : vector<1x16xf32> to vector<16xf32>
      %swap3A_107 = vector.shape_cast %broadcast_in_dim3A_0 : vector<16xf32> to vector<1x16xf32>
      tpu.vector_store %arg8[%swap3A_103, %swap3A_104], %swap3A_107 {strides = array<i32>} : memref<128x128xf32, #tpu.memory_space<vmem>>, vector<1x16xf32>,
    }
    %scan3A_5 = arith.constant 128 : i32
    %mul3A = arith.constant 632 : i32
    %mul3A_6 = arith.muli %arg1, %mul3A : i32
    %add3A = arith.constant 0 : i32
    %add3A_7 = arith.addi %mul3A_6, %add3A : i32
    "tpu.region"() ({
      %run_scoped3A = tpu.sem_alloc : memref<!tpu.dma_semaphore, #tpu.memory_space<semaphore_mem>>
      %dma_start3A = arith.constant 0 : i32
      %dma_start3A_68 = arith.constant 0 : i32
      %dma_start3A_69 = tpu.memref_slice %arg8[%dma_start3A, %dma_start3A_68] : memref<128x128xf32, #tpu.memory_space<vmem>> -> memref<128x128xf32, #tpu.memory_space<vmem>>
      %dma_start3A_70 = arith.constant 0 : i32
      %dma_start3A_71 = tpu.memref_slice %arg9[%add3A_7, %dma_start3A_70] : memref<10112x128xf32, #tpu.memory_space<vmem_shared>> -> memref<128x128xf32, #tpu.memory_space<vmem_shared>>
      %dma_start3A_72 = arith.constant 0 : i32
      %dma_start3A_73 = tpu.memref_slice %arg9[%add3A_7, %dma_start3A_72] : memref<10112x128xf32, #tpu.memory_space<vmem_shared>> -> memref<128x128xf32, #tpu.memory_space<vmem_shared>>
      %dma_start3A_74 = arith.constant 0 : i32
      %dma_start3A_75 = arith.constant 0 : i32
      %dma_start3A_76 = tpu.memref_slice %arg8[%dma_start3A_74, %dma_start3A_75] : memref<128x128xf32, #tpu.memory_space<vmem>> -> memref<128x128xf32, #tpu.memory_space<vmem>>
      tpu.enqueue_dma source(%dma_start3A_76 : memref<128x128xf32, #tpu.memory_space<vmem>>) target(%dma_start3A_73 : memref<128x128xf32, #tpu.memory_space<vmem_shared>>) target_semaphore(%run_scoped3A : memref<!tpu.dma_semaphore, #tpu.memory_space<semaphore_mem>>)
      %dma_wait3A = arith.constant 0 : i32
      %dma_wait3A_77 = arith.constant 0 : i32
      %dma_wait3A_78 = tpu.memref_slice %arg8[%dma_wait3A, %dma_wait3A_77] : memref<128x128xf32, #tpu.memory_space<vmem>> -> memref<128x128xf32, #tpu.memory_space<vmem>>
      %dma_wait3A_79 = arith.constant 0 : i32
      %dma_wait3A_80 = tpu.memref_slice %arg9[%add3A_7, %dma_wait3A_79] : memref<10112x128xf32, #tpu.memory_space<vmem_shared>> -> memref<128x128xf32, #tpu.memory_space<vmem_shared>>
      %dma_wait3A_81 = arith.constant 0 : i32
      %dma_wait3A_82 = tpu.memref_slice %arg9[%add3A_7, %dma_wait3A_81] : memref<10112x128xf32, #tpu.memory_space<vmem_shared>> -> memref<128x128xf32, #tpu.memory_space<vmem_shared>>
      %dma_wait3A_83 = arith.constant 0 : i32
      %dma_wait3A_84 = arith.constant 0 : i32
      %dma_wait3A_85 = tpu.memref_slice %arg8[%dma_wait3A_83, %dma_wait3A_84] : memref<128x128xf32, #tpu.memory_space<vmem>> -> memref<128x128xf32, #tpu.memory_space<vmem>>
      tpu.wait_dma2 semaphore(%run_scoped3A : memref<!tpu.dma_semaphore, #tpu.memory_space<semaphore_mem>>) src(%dma_wait3A_85 : memref<128x128xf32, #tpu.memory_space<vmem>>) dst(%dma_wait3A_82 : memref<128x128xf32, #tpu.memory_space<vmem_shared>>)
      tpu.yield
    }) : () -> ()
    %mul3A_8 = arith.constant 632 : i32
    %mul3A_9 = arith.muli %arg1, %mul3A_8 : i32
    %add3A_10 = arith.constant 128 : i32
    %add3A_11 = arith.addi %mul3A_9, %add3A_10 : i32
    "tpu.region"() ({
      %run_scoped3A = tpu.sem_alloc : memref<!tpu.dma_semaphore, #tpu.memory_space<semaphore_mem>>
      %dma_start3A = arith.constant 0 : i32
      %dma_start3A_68 = arith.constant 0 : i32
      %dma_start3A_69 = tpu.memref_slice %arg8[%dma_start3A, %dma_start3A_68] : memref<128x128xf32, #tpu.memory_space<vmem>> -> memref<128x128xf32, #tpu.memory_space<vmem>>
      %dma_start3A_70 = arith.constant 0 : i32
      %dma_start3A_71 = tpu.memref_slice %arg9[%add3A_11, %dma_start3A_70] : memref<10112x128xf32, #tpu.memory_space<vmem_shared>> -> memref<128x128xf32, #tpu.memory_space<vmem_shared>>
      %dma_start3A_72 = arith.constant 0 : i32
      %dma_start3A_73 = tpu.memref_slice %arg9[%add3A_11, %dma_start3A_72] : memref<10112x128xf32, #tpu.memory_space<vmem_shared>> -> memref<128x128xf32, #tpu.memory_space<vmem_shared>>
      %dma_start3A_74 = arith.constant 0 : i32
      %dma_start3A_75 = arith.constant 0 : i32
      %dma_start3A_76 = tpu.memref_slice %arg8[%dma_start3A_74, %dma_start3A_75] : memref<128x128xf32, #tpu.memory_space<vmem>> -> memref<128x128xf32, #tpu.memory_space<vmem>>
      tpu.enqueue_dma source(%dma_start3A_76 : memref<128x128xf32, #tpu.memory_space<vmem>>) target(%dma_start3A_73 : memref<128x128xf32, #tpu.memory_space<vmem_shared>>) target_semaphore(%run_scoped3A : memref<!tpu.dma_semaphore, #tpu.memory_space<semaphore_mem>>)
      %dma_wait3A = arith.constant 0 : i32
      %dma_wait3A_77 = arith.constant 0 : i32
      %dma_wait3A_78 = tpu.memref_slice %arg8[%dma_wait3A, %dma_wait3A_77] : memref<128x128xf32, #tpu.memory_space<vmem>> -> memref<128x128xf32, #tpu.memory_space<vmem>>
      %dma_wait3A_79 = arith.constant 0 : i32
      %dma_wait3A_80 = tpu.memref_slice %arg9[%add3A_11, %dma_wait3A_79] : memref<10112x128xf32, #tpu.memory_space<vmem_shared>> -> memref<128x128xf32, #tpu.memory_space<vmem_shared>>
      %dma_wait3A_81 = arith.constant 0 : i32
      %dma_wait3A_82 = tpu.memref_slice %arg9[%add3A_11, %dma_wait3A_81] : memref<10112x128xf32, #tpu.memory_space<vmem_shared>> -> memref<128x128xf32, #tpu.memory_space<vmem_shared>>
      %dma_wait3A_83 = arith.constant 0 : i32
      %dma_wait3A_84 = arith.constant 0 : i32
      %dma_wait3A_85 = tpu.memref_slice %arg8[%dma_wait3A_83, %dma_wait3A_84] : memref<128x128xf32, #tpu.memory_space<vmem>> -> memref<128x128xf32, #tpu.memory_space<vmem>>
      tpu.wait_dma2 semaphore(%run_scoped3A : memref<!tpu.dma_semaphore, #tpu.memory_space<semaphore_mem>>) src(%dma_wait3A_85 : memref<128x128xf32, #tpu.memory_space<vmem>>) dst(%dma_wait3A_82 : memref<128x128xf32, #tpu.memory_space<vmem_shared>>)
      tpu.yield
    }) : () -> ()
    %mul3A_12 = arith.constant 632 : i32
    %mul3A_13 = arith.muli %arg1, %mul3A_12 : i32
    %add3A_14 = arith.constant 256 : i32
    %add3A_15 = arith.addi %mul3A_13, %add3A_14 : i32
    "tpu.region"() ({
      %run_scoped3A = tpu.sem_alloc : memref<!tpu.dma_semaphore, #tpu.memory_space<semaphore_mem>>
      %dma_start3A = arith.constant 0 : i32
      %dma_start3A_68 = arith.constant 0 : i32
      %dma_start3A_69 = tpu.memref_slice %arg8[%dma_start3A, %dma_start3A_68] : memref<128x128xf32, #tpu.memory_space<vmem>> -> memref<128x128xf32, #tpu.memory_space<vmem>>
      %dma_start3A_70 = arith.constant 0 : i32
      %dma_start3A_71 = tpu.memref_slice %arg9[%add3A_15, %dma_start3A_70] : memref<10112x128xf32, #tpu.memory_space<vmem_shared>> -> memref<128x128xf32, #tpu.memory_space<vmem_shared>>
      %dma_start3A_72 = arith.constant 0 : i32
      %dma_start3A_73 = tpu.memref_slice %arg9[%add3A_15, %dma_start3A_72] : memref<10112x128xf32, #tpu.memory_space<vmem_shared>> -> memref<128x128xf32, #tpu.memory_space<vmem_shared>>
      %dma_start3A_74 = arith.constant 0 : i32
      %dma_start3A_75 = arith.constant 0 : i32
      %dma_start3A_76 = tpu.memref_slice %arg8[%dma_start3A_74, %dma_start3A_75] : memref<128x128xf32, #tpu.memory_space<vmem>> -> memref<128x128xf32, #tpu.memory_space<vmem>>
      tpu.enqueue_dma source(%dma_start3A_76 : memref<128x128xf32, #tpu.memory_space<vmem>>) target(%dma_start3A_73 : memref<128x128xf32, #tpu.memory_space<vmem_shared>>) target_semaphore(%run_scoped3A : memref<!tpu.dma_semaphore, #tpu.memory_space<semaphore_mem>>)
      %dma_wait3A = arith.constant 0 : i32
      %dma_wait3A_77 = arith.constant 0 : i32
      %dma_wait3A_78 = tpu.memref_slice %arg8[%dma_wait3A, %dma_wait3A_77] : memref<128x128xf32, #tpu.memory_space<vmem>> -> memref<128x128xf32, #tpu.memory_space<vmem>>
      %dma_wait3A_79 = arith.constant 0 : i32
      %dma_wait3A_80 = tpu.memref_slice %arg9[%add3A_15, %dma_wait3A_79] : memref<10112x128xf32, #tpu.memory_space<vmem_shared>> -> memref<128x128xf32, #tpu.memory_space<vmem_shared>>
      %dma_wait3A_81 = arith.constant 0 : i32
      %dma_wait3A_82 = tpu.memref_slice %arg9[%add3A_15, %dma_wait3A_81] : memref<10112x128xf32, #tpu.memory_space<vmem_shared>> -> memref<128x128xf32, #tpu.memory_space<vmem_shared>>
      %dma_wait3A_83 = arith.constant 0 : i32
      %dma_wait3A_84 = arith.constant 0 : i32
      %dma_wait3A_85 = tpu.memref_slice %arg8[%dma_wait3A_83, %dma_wait3A_84] : memref<128x128xf32, #tpu.memory_space<vmem>> -> memref<128x128xf32, #tpu.memory_space<vmem>>
      tpu.wait_dma2 semaphore(%run_scoped3A : memref<!tpu.dma_semaphore, #tpu.memory_space<semaphore_mem>>) src(%dma_wait3A_85 : memref<128x128xf32, #tpu.memory_space<vmem>>) dst(%dma_wait3A_82 : memref<128x128xf32, #tpu.memory_space<vmem_shared>>)
      tpu.yield
    }) : () -> ()
    %mul3A_16 = arith.constant 632 : i32
    %mul3A_17 = arith.muli %arg1, %mul3A_16 : i32
    %add3A_18 = arith.constant 384 : i32
    %add3A_19 = arith.addi %mul3A_17, %add3A_18 : i32
    "tpu.region"() ({
      %run_scoped3A = tpu.sem_alloc : memref<!tpu.dma_semaphore, #tpu.memory_space<semaphore_mem>>
      %dma_start3A = arith.constant 0 : i32
      %dma_start3A_68 = arith.constant 0 : i32
      %dma_start3A_69 = tpu.memref_slice %arg8[%dma_start3A, %dma_start3A_68] : memref<128x128xf32, #tpu.memory_space<vmem>> -> memref<128x128xf32, #tpu.memory_space<vmem>>
      %dma_start3A_70 = arith.constant 0 : i32
      %dma_start3A_71 = tpu.memref_slice %arg9[%add3A_19, %dma_start3A_70] : memref<10112x128xf32, #tpu.memory_space<vmem_shared>> -> memref<128x128xf32, #tpu.memory_space<vmem_shared>>
      %dma_start3A_72 = arith.constant 0 : i32
      %dma_start3A_73 = tpu.memref_slice %arg9[%add3A_19, %dma_start3A_72] : memref<10112x128xf32, #tpu.memory_space<vmem_shared>> -> memref<128x128xf32, #tpu.memory_space<vmem_shared>>
      %dma_start3A_74 = arith.constant 0 : i32
      %dma_start3A_75 = arith.constant 0 : i32
      %dma_start3A_76 = tpu.memref_slice %arg8[%dma_start3A_74, %dma_start3A_75] : memref<128x128xf32, #tpu.memory_space<vmem>> -> memref<128x128xf32, #tpu.memory_space<vmem>>
      tpu.enqueue_dma source(%dma_start3A_76 : memref<128x128xf32, #tpu.memory_space<vmem>>) target(%dma_start3A_73 : memref<128x128xf32, #tpu.memory_space<vmem_shared>>) target_semaphore(%run_scoped3A : memref<!tpu.dma_semaphore, #tpu.memory_space<semaphore_mem>>)
      %dma_wait3A = arith.constant 0 : i32
      %dma_wait3A_77 = arith.constant 0 : i32
      %dma_wait3A_78 = tpu.memref_slice %arg8[%dma_wait3A, %dma_wait3A_77] : memref<128x128xf32, #tpu.memory_space<vmem>> -> memref<128x128xf32, #tpu.memory_space<vmem>>
      %dma_wait3A_79 = arith.constant 0 : i32
      %dma_wait3A_80 = tpu.memref_slice %arg9[%add3A_19, %dma_wait3A_79] : memref<10112x128xf32, #tpu.memory_space<vmem_shared>> -> memref<128x128xf32, #tpu.memory_space<vmem_shared>>
      %dma_wait3A_81 = arith.constant 0 : i32
      %dma_wait3A_82 = tpu.memref_slice %arg9[%add3A_19, %dma_wait3A_81] : memref<10112x128xf32, #tpu.memory_space<vmem_shared>> -> memref<128x128xf32, #tpu.memory_space<vmem_shared>>
      %dma_wait3A_83 = arith.constant 0 : i32
      %dma_wait3A_84 = arith.constant 0 : i32
      %dma_wait3A_85 = tpu.memref_slice %arg8[%dma_wait3A_83, %dma_wait3A_84] : memref<128x128xf32, #tpu.memory_space<vmem>> -> memref<128x128xf32, #tpu.memory_space<vmem>>
      tpu.wait_dma2 semaphore(%run_scoped3A : memref<!tpu.dma_semaphore, #tpu.memory_space<semaphore_mem>>) src(%dma_wait3A_85 : memref<128x128xf32, #tpu.memory_space<vmem>>) dst(%dma_wait3A_82 : memref<128x128xf32, #tpu.memory_space<vmem_shared>>)
      tpu.yield
    }) : () -> ()
    %mul3A_20 = arith.constant 632 : i32
    %mul3A_21 = arith.muli %arg1, %mul3A_20 : i32
    %add3A_22 = arith.constant 512 : i32
    %add3A_23 = arith.addi %mul3A_21, %add3A_22 : i32
    "tpu.region"() ({
      %run_scoped3A = tpu.sem_alloc : memref<!tpu.dma_semaphore, #tpu.memory_space<semaphore_mem>>
      %dma_start3A = arith.constant 0 : i32
      %dma_start3A_68 = arith.constant 0 : i32
      %dma_start3A_69 = tpu.memref_slice %arg8[%dma_start3A, %dma_start3A_68] : memref<128x128xf32, #tpu.memory_space<vmem>> -> memref<120x128xf32, #tpu.memory_space<vmem>>
      %dma_start3A_70 = arith.constant 0 : i32
      %dma_start3A_71 = tpu.memref_slice %arg9[%add3A_23, %dma_start3A_70] : memref<10112x128xf32, #tpu.memory_space<vmem_shared>> -> memref<120x128xf32, #tpu.memory_space<vmem_shared>>
      %dma_start3A_72 = arith.constant 0 : i32
      %dma_start3A_73 = tpu.memref_slice %arg9[%add3A_23, %dma_start3A_72] : memref<10112x128xf32, #tpu.memory_space<vmem_shared>> -> memref<120x128xf32, #tpu.memory_space<vmem_shared>>
      %dma_start3A_74 = arith.constant 0 : i32
      %dma_start3A_75 = arith.constant 0 : i32
      %dma_start3A_76 = tpu.memref_slice %arg8[%dma_start3A_74, %dma_start3A_75] : memref<128x128xf32, #tpu.memory_space<vmem>> -> memref<120x128xf32, #tpu.memory_space<vmem>>
      tpu.enqueue_dma source(%dma_start3A_76 : memref<120x128xf32, #tpu.memory_space<vmem>>) target(%dma_start3A_73 : memref<120x128xf32, #tpu.memory_space<vmem_shared>>) target_semaphore(%run_scoped3A : memref<!tpu.dma_semaphore, #tpu.memory_space<semaphore_mem>>)
      %dma_wait3A = arith.constant 0 : i32
      %dma_wait3A_77 = arith.constant 0 : i32
      %dma_wait3A_78 = tpu.memref_slice %arg8[%dma_wait3A, %dma_wait3A_77] : memref<128x128xf32, #tpu.memory_space<vmem>> -> memref<120x128xf32, #tpu.memory_space<vmem>>
      %dma_wait3A_79 = arith.constant 0 : i32
      %dma_wait3A_80 = tpu.memref_slice %arg9[%add3A_23, %dma_wait3A_79] : memref<10112x128xf32, #tpu.memory_space<vmem_shared>> -> memref<120x128xf32, #tpu.memory_space<vmem_shared>>
      %dma_wait3A_81 = arith.constant 0 : i32
      %dma_wait3A_82 = tpu.memref_slice %arg9[%add3A_23, %dma_wait3A_81] : memref<10112x128xf32, #tpu.memory_space<vmem_shared>> -> memref<120x128xf32, #tpu.memory_space<vmem_shared>>
      %dma_wait3A_83 = arith.constant 0 : i32
      %dma_wait3A_84 = arith.constant 0 : i32
      %dma_wait3A_85 = tpu.memref_slice %arg8[%dma_wait3A_83, %dma_wait3A_84] : memref<128x128xf32, #tpu.memory_space<vmem>> -> memref<120x128xf32, #tpu.memory_space<vmem>>
      tpu.wait_dma2 semaphore(%run_scoped3A : memref<!tpu.dma_semaphore, #tpu.memory_space<semaphore_mem>>) src(%dma_wait3A_85 : memref<120x128xf32, #tpu.memory_space<vmem>>) dst(%dma_wait3A_82 : memref<120x128xf32, #tpu.memory_space<vmem_shared>>)
      tpu.yield
    }) : () -> ()
    %barrier3A = arith.constant 0 : index
    tpu.barrier barrier_id(%barrier3A)
    %mul3A_24 = arith.constant 16 : i32
    %mul3A_25 = arith.muli %arg0, %mul3A_24 : i32
    %add3A_26 = arith.addi %mul3A_25, %arg1 : i32
    %mul3A_27 = arith.constant 20096 : i32
    %mul3A_28 = arith.muli %add3A_26, %mul3A_27 : i32
    %scan3A_29 = arith.constant 0 : i32
    %scan3A_30 = arith.constant 0 : i32
    %scan3A_31 = arith.constant 157 : i32
    %scan3A_32 = arith.addi %scan3A_30, %scan3A_31 : i32
    %scan3A_33 = arith.constant 1 : i32
    scf.for %scan3A_68 = %scan3A_30 to %scan3A_32 step %scan3A_33  : i32 {
      %mul3A_69 = arith.constant 128 : i32
      %mul3A_70 = arith.muli %scan3A_68, %mul3A_69 : i32
      %add3A_71 = arith.addi %mul3A_28, %mul3A_70 : i32
      "tpu.region"() ({
        %run_scoped3A = tpu.sem_alloc : memref<!tpu.dma_semaphore, #tpu.memory_space<semaphore_mem>>
        %dma_start3A_76 = tpu.memref_slice %arg3[%add3A_71] : memref<643072xi32, #tpu.memory_space<hbm>> -> memref<128xi32, #tpu.memory_space<hbm>>
        %dma_start3A_77 = tpu.memref_slice %arg3[%add3A_71] : memref<643072xi32, #tpu.memory_space<hbm>> -> memref<128xi32, #tpu.memory_space<hbm>>
        tpu.enqueue_dma source(%dma_start3A_77 : memref<128xi32, #tpu.memory_space<hbm>>) target(%arg6 : memref<128xi32, #tpu.memory_space<vmem>>) target_semaphore(%run_scoped3A : memref<!tpu.dma_semaphore, #tpu.memory_space<semaphore_mem>>)
        %dma_wait3A_78 = tpu.memref_slice %arg3[%add3A_71] : memref<643072xi32, #tpu.memory_space<hbm>> -> memref<128xi32, #tpu.memory_space<hbm>>
        %dma_wait3A_79 = tpu.memref_slice %arg3[%add3A_71] : memref<643072xi32, #tpu.memory_space<hbm>> -> memref<128xi32, #tpu.memory_space<hbm>>
        tpu.wait_dma2 semaphore(%run_scoped3A : memref<!tpu.dma_semaphore, #tpu.memory_space<semaphore_mem>>) src(%dma_wait3A_79 : memref<128xi32, #tpu.memory_space<hbm>>) dst(%arg6 : memref<128xi32, #tpu.memory_space<vmem>>)
        tpu.yield
      }) : () -> ()
      "tpu.region"() ({
        %run_scoped3A = tpu.sem_alloc : memref<!tpu.dma_semaphore, #tpu.memory_space<semaphore_mem>>
        %dma_start3A_76 = tpu.memref_slice %arg4[%add3A_71] : memref<643072xi32, #tpu.memory_space<hbm>> -> memref<128xi32, #tpu.memory_space<hbm>>
        %dma_start3A_77 = tpu.memref_slice %arg4[%add3A_71] : memref<643072xi32, #tpu.memory_space<hbm>> -> memref<128xi32, #tpu.memory_space<hbm>>
        tpu.enqueue_dma source(%dma_start3A_77 : memref<128xi32, #tpu.memory_space<hbm>>) target(%arg7 : memref<128xi32, #tpu.memory_space<vmem>>) target_semaphore(%run_scoped3A : memref<!tpu.dma_semaphore, #tpu.memory_space<semaphore_mem>>)
        %dma_wait3A_78 = tpu.memref_slice %arg4[%add3A_71] : memref<643072xi32, #tpu.memory_space<hbm>> -> memref<128xi32, #tpu.memory_space<hbm>>
        %dma_wait3A_79 = tpu.memref_slice %arg4[%add3A_71] : memref<643072xi32, #tpu.memory_space<hbm>> -> memref<128xi32, #tpu.memory_space<hbm>>
        tpu.wait_dma2 semaphore(%run_scoped3A : memref<!tpu.dma_semaphore, #tpu.memory_space<semaphore_mem>>) src(%dma_wait3A_79 : memref<128xi32, #tpu.memory_space<hbm>>) dst(%arg7 : memref<128xi32, #tpu.memory_space<vmem>>)
        tpu.yield
      }) : () -> ()
      %dma_start3A = arith.constant 0 : i32
      %dma_start3A_72 = arith.constant 0 : i32
      %dma_start3A_73 = tpu.memref_slice %arg2[%dma_start3A, %dma_start3A_72] : memref<20000x128xf32, #tpu.memory_space<hbm>> -> memref<20000x128xf32, #tpu.memory_space<hbm>>
      tpu.enqueue_indirect_dma source(%dma_start3A_73 : memref<20000x128xf32, #tpu.memory_space<hbm>>) target(%arg8 : memref<128x128xf32, #tpu.memory_space<vmem>>) offsets(%arg6 : memref<128xi32, #tpu.memory_space<vmem>>) semaphore(%arg10 : memref<!tpu.dma_semaphore, #tpu.memory_space<semaphore_mem>>)
      %dma_wait3A = arith.constant 0 : i32
      %dma_wait3A_74 = arith.constant 0 : i32
      %dma_wait3A_75 = tpu.memref_slice %arg2[%dma_wait3A, %dma_wait3A_74] : memref<20000x128xf32, #tpu.memory_space<hbm>> -> memref<20000x128xf32, #tpu.memory_space<hbm>>
      tpu.wait_indirect_dma semaphore(%arg10 : memref<!tpu.dma_semaphore, #tpu.memory_space<semaphore_mem>>) src(%dma_wait3A_75 : memref<20000x128xf32, #tpu.memory_space<hbm>>) dst(%arg8 : memref<128x128xf32, #tpu.memory_space<vmem>>)
      "tpu.region"() ({
        %run_scoped3A = tpu.sem_alloc : memref<!tpu.dma_semaphore, #tpu.memory_space<semaphore_mem>>
        %dma_start3A_76 = arith.constant 0 : i32
        %dma_start3A_77 = arith.constant 0 : i32
        %dma_start3A_78 = tpu.memref_slice %arg9[%dma_start3A_76, %dma_start3A_77] : memref<10112x128xf32, #tpu.memory_space<vmem_shared>> -> memref<10112x128xf32, #tpu.memory_space<vmem_shared>>
        tpu.enqueue_indirect_dma source(%arg8 : memref<128x128xf32, #tpu.memory_space<vmem>>) target(%dma_start3A_78 : memref<10112x128xf32, #tpu.memory_space<vmem_shared>>) offsets(%arg7 : memref<128xi32, #tpu.memory_space<vmem>>) semaphore(%run_scoped3A : memref<!tpu.dma_semaphore, #tpu.memory_space<semaphore_mem>>) {add = true}
        %dma_wait3A_79 = arith.constant 0 : i32
        %dma_wait3A_80 = arith.constant 0 : i32
        %dma_wait3A_81 = tpu.memref_slice %arg9[%dma_wait3A_79, %dma_wait3A_80] : memref<10112x128xf32, #tpu.memory_space<vmem_shared>> -> memref<10112x128xf32, #tpu.memory_space<vmem_shared>>
        tpu.wait_indirect_dma semaphore(%run_scoped3A : memref<!tpu.dma_semaphore, #tpu.memory_space<semaphore_mem>>) src(%arg8 : memref<128x128xf32, #tpu.memory_space<vmem>>) dst(%dma_wait3A_81 : memref<10112x128xf32, #tpu.memory_space<vmem_shared>>)
        tpu.yield
      }) : () -> ()
    }
    %scan3A_34 = arith.constant 157 : i32
    %barrier3A_35 = arith.constant 0 : index
    tpu.barrier barrier_id(%barrier3A_35)
    %add3A_36 = arith.constant 0 : i32
    %add3A_37 = arith.addi %arg1, %add3A_36 : i32
    %lt3A = arith.constant 79 : i32
    %lt3A_38 = arith.cmpi slt, %add3A_37, %lt3A : i32
    %convert_element_type3A = arith.extui %lt3A_38 : i1 to i32
    %cond3A = arith.constant 0 : i32
    %cond3A_39 = arith.cmpi ne, %convert_element_type3A, %cond3A : i32
    scf.if %cond3A_39 {
      %mul3A_68 = arith.constant 128 : i32
      %mul3A_69 = arith.muli %add3A_37, %mul3A_68 : i32
      "tpu.region"() ({
        %run_scoped3A = tpu.sem_alloc : memref<!tpu.dma_semaphore, #tpu.memory_space<semaphore_mem>>
        %dma_start3A = arith.constant 0 : i32
        %dma_start3A_75 = tpu.memref_slice %arg9[%mul3A_69, %dma_start3A] : memref<10112x128xf32, #tpu.memory_space<vmem_shared>> -> memref<128x128xf32, #tpu.memory_space<vmem_shared>>
        %dma_start3A_76 = arith.constant 0 : i32
        %dma_start3A_77 = tpu.memref_slice %arg9[%mul3A_69, %dma_start3A_76] : memref<10112x128xf32, #tpu.memory_space<vmem_shared>> -> memref<128x128xf32, #tpu.memory_space<vmem_shared>>
        tpu.enqueue_dma source(%dma_start3A_77 : memref<128x128xf32, #tpu.memory_space<vmem_shared>>) target(%arg8 : memref<128x128xf32, #tpu.memory_space<vmem>>) target_semaphore(%run_scoped3A : memref<!tpu.dma_semaphore, #tpu.memory_space<semaphore_mem>>)
        %dma_wait3A = arith.constant 0 : i32
        %dma_wait3A_78 = tpu.memref_slice %arg9[%mul3A_69, %dma_wait3A] : memref<10112x128xf32, #tpu.memory_space<vmem_shared>> -> memref<128x128xf32, #tpu.memory_space<vmem_shared>>
        %dma_wait3A_79 = arith.constant 0 : i32
        %dma_wait3A_80 = tpu.memref_slice %arg9[%mul3A_69, %dma_wait3A_79] : memref<10112x128xf32, #tpu.memory_space<vmem_shared>> -> memref<128x128xf32, #tpu.memory_space<vmem_shared>>
        tpu.wait_dma2 semaphore(%run_scoped3A : memref<!tpu.dma_semaphore, #tpu.memory_space<semaphore_mem>>) src(%dma_wait3A_80 : memref<128x128xf32, #tpu.memory_space<vmem_shared>>) dst(%arg8 : memref<128x128xf32, #tpu.memory_space<vmem>>)
        tpu.yield
      }) : () -> ()
      %mul3A_70 = arith.constant 10112 : i32
      %mul3A_71 = arith.muli %arg0, %mul3A_70 : i32
      %mul3A_72 = arith.constant 128 : i32
      %mul3A_73 = arith.muli %add3A_37, %mul3A_72 : i32
      %add3A_74 = arith.addi %mul3A_71, %mul3A_73 : i32
      "tpu.region"() ({
        %run_scoped3A = tpu.sem_alloc : memref<!tpu.dma_semaphore, #tpu.memory_space<semaphore_mem>>
        %dma_start3A = arith.constant 0 : i32
        %dma_start3A_75 = tpu.memref_slice %arg5[%add3A_74, %dma_start3A] : memref<20224x128xf32, #tpu.memory_space<hbm>> -> memref<128x128xf32, #tpu.memory_space<hbm>>
        %dma_start3A_76 = arith.constant 0 : i32
        %dma_start3A_77 = tpu.memref_slice %arg5[%add3A_74, %dma_start3A_76] : memref<20224x128xf32, #tpu.memory_space<hbm>> -> memref<128x128xf32, #tpu.memory_space<hbm>>
        tpu.enqueue_dma source(%arg8 : memref<128x128xf32, #tpu.memory_space<vmem>>) target(%dma_start3A_77 : memref<128x128xf32, #tpu.memory_space<hbm>>) target_semaphore(%run_scoped3A : memref<!tpu.dma_semaphore, #tpu.memory_space<semaphore_mem>>)
        %dma_wait3A = arith.constant 0 : i32
        %dma_wait3A_78 = tpu.memref_slice %arg5[%add3A_74, %dma_wait3A] : memref<20224x128xf32, #tpu.memory_space<hbm>> -> memref<128x128xf32, #tpu.memory_space<hbm>>
        %dma_wait3A_79 = arith.constant 0 : i32
        %dma_wait3A_80 = tpu.memref_slice %arg5[%add3A_74, %dma_wait3A_79] : memref<20224x128xf32, #tpu.memory_space<hbm>> -> memref<128x128xf32, #tpu.memory_space<hbm>>
        tpu.wait_dma2 semaphore(%run_scoped3A : memref<!tpu.dma_semaphore, #tpu.memory_space<semaphore_mem>>) src(%arg8 : memref<128x128xf32, #tpu.memory_space<vmem>>) dst(%dma_wait3A_80 : memref<128x128xf32, #tpu.memory_space<hbm>>)
        tpu.yield
      }) : () -> ()
    } else {
    }
    %add3A_40 = arith.constant 16 : i32
    %add3A_41 = arith.addi %arg1, %add3A_40 : i32
    %lt3A_42 = arith.constant 79 : i32
    %lt3A_43 = arith.cmpi slt, %add3A_41, %lt3A_42 : i32
    %convert_element_type3A_44 = arith.extui %lt3A_43 : i1 to i32
    %cond3A_45 = arith.constant 0 : i32
    %cond3A_46 = arith.cmpi ne, %convert_element_type3A_44, %cond3A_45 : i32
    scf.if %cond3A_46 {
      %mul3A_68 = arith.constant 128 : i32
      %mul3A_69 = arith.muli %add3A_41, %mul3A_68 : i32
      "tpu.region"() ({
        %run_scoped3A = tpu.sem_alloc : memref<!tpu.dma_semaphore, #tpu.memory_space<semaphore_mem>>
        %dma_start3A = arith.constant 0 : i32
        %dma_start3A_75 = tpu.memref_slice %arg9[%mul3A_69, %dma_start3A] : memref<10112x128xf32, #tpu.memory_space<vmem_shared>> -> memref<128x128xf32, #tpu.memory_space<vmem_shared>>
        %dma_start3A_76 = arith.constant 0 : i32
        %dma_start3A_77 = tpu.memref_slice %arg9[%mul3A_69, %dma_start3A_76] : memref<10112x128xf32, #tpu.memory_space<vmem_shared>> -> memref<128x128xf32, #tpu.memory_space<vmem_shared>>
        tpu.enqueue_dma source(%dma_start3A_77 : memref<128x128xf32, #tpu.memory_space<vmem_shared>>) target(%arg8 : memref<128x128xf32, #tpu.memory_space<vmem>>) target_semaphore(%run_scoped3A : memref<!tpu.dma_semaphore, #tpu.memory_space<semaphore_mem>>)
        %dma_wait3A = arith.constant 0 : i32
        %dma_wait3A_78 = tpu.memref_slice %arg9[%mul3A_69, %dma_wait3A] : memref<10112x128xf32, #tpu.memory_space<vmem_shared>> -> memref<128x128xf32, #tpu.memory_space<vmem_shared>>
        %dma_wait3A_79 = arith.constant 0 : i32
        %dma_wait3A_80 = tpu.memref_slice %arg9[%mul3A_69, %dma_wait3A_79] : memref<10112x128xf32, #tpu.memory_space<vmem_shared>> -> memref<128x128xf32, #tpu.memory_space<vmem_shared>>
        tpu.wait_dma2 semaphore(%run_scoped3A : memref<!tpu.dma_semaphore, #tpu.memory_space<semaphore_mem>>) src(%dma_wait3A_80 : memref<128x128xf32, #tpu.memory_space<vmem_shared>>) dst(%arg8 : memref<128x128xf32, #tpu.memory_space<vmem>>)
        tpu.yield
      }) : () -> ()
      %mul3A_70 = arith.constant 10112 : i32
      %mul3A_71 = arith.muli %arg0, %mul3A_70 : i32
      %mul3A_72 = arith.constant 128 : i32
      %mul3A_73 = arith.muli %add3A_41, %mul3A_72 : i32
      %add3A_74 = arith.addi %mul3A_71, %mul3A_73 : i32
      "tpu.region"() ({
        %run_scoped3A = tpu.sem_alloc : memref<!tpu.dma_semaphore, #tpu.memory_space<semaphore_mem>>
        %dma_start3A = arith.constant 0 : i32
        %dma_start3A_75 = tpu.memref_slice %arg5[%add3A_74, %dma_start3A] : memref<20224x128xf32, #tpu.memory_space<hbm>> -> memref<128x128xf32, #tpu.memory_space<hbm>>
        %dma_start3A_76 = arith.constant 0 : i32
        %dma_start3A_77 = tpu.memref_slice %arg5[%add3A_74, %dma_start3A_76] : memref<20224x128xf32, #tpu.memory_space<hbm>> -> memref<128x128xf32, #tpu.memory_space<hbm>>
        tpu.enqueue_dma source(%arg8 : memref<128x128xf32, #tpu.memory_space<vmem>>) target(%dma_start3A_77 : memref<128x128xf32, #tpu.memory_space<hbm>>) target_semaphore(%run_scoped3A : memref<!tpu.dma_semaphore, #tpu.memory_space<semaphore_mem>>)
        %dma_wait3A = arith.constant 0 : i32
        %dma_wait3A_78 = tpu.memref_slice %arg5[%add3A_74, %dma_wait3A] : memref<20224x128xf32, #tpu.memory_space<hbm>> -> memref<128x128xf32, #tpu.memory_space<hbm>>
        %dma_wait3A_79 = arith.constant 0 : i32
        %dma_wait3A_80 = tpu.memref_slice %arg5[%add3A_74, %dma_wait3A_79] : memref<20224x128xf32, #tpu.memory_space<hbm>> -> memref<128x128xf32, #tpu.memory_space<hbm>>
        tpu.wait_dma2 semaphore(%run_scoped3A : memref<!tpu.dma_semaphore, #tpu.memory_space<semaphore_mem>>) src(%arg8 : memref<128x128xf32, #tpu.memory_space<vmem>>) dst(%dma_wait3A_80 : memref<128x128xf32, #tpu.memory_space<hbm>>)
        tpu.yield
      }) : () -> ()
    } else {
    }
    %add3A_47 = arith.constant 32 : i32
    %add3A_48 = arith.addi %arg1, %add3A_47 : i32
    %lt3A_49 = arith.constant 79 : i32
    %lt3A_50 = arith.cmpi slt, %add3A_48, %lt3A_49 : i32
    %convert_element_type3A_51 = arith.extui %lt3A_50 : i1 to i32
    %cond3A_52 = arith.constant 0 : i32
    %cond3A_53 = arith.cmpi ne, %convert_element_type3A_51, %cond3A_52 : i32
    scf.if %cond3A_53 {
      %mul3A_68 = arith.constant 128 : i32
      %mul3A_69 = arith.muli %add3A_48, %mul3A_68 : i32
      "tpu.region"() ({
        %run_scoped3A = tpu.sem_alloc : memref<!tpu.dma_semaphore, #tpu.memory_space<semaphore_mem>>
        %dma_start3A = arith.constant 0 : i32
        %dma_start3A_75 = tpu.memref_slice %arg9[%mul3A_69, %dma_start3A] : memref<10112x128xf32, #tpu.memory_space<vmem_shared>> -> memref<128x128xf32, #tpu.memory_space<vmem_shared>>
        %dma_start3A_76 = arith.constant 0 : i32
        %dma_start3A_77 = tpu.memref_slice %arg9[%mul3A_69, %dma_start3A_76] : memref<10112x128xf32, #tpu.memory_space<vmem_shared>> -> memref<128x128xf32, #tpu.memory_space<vmem_shared>>
        tpu.enqueue_dma source(%dma_start3A_77 : memref<128x128xf32, #tpu.memory_space<vmem_shared>>) target(%arg8 : memref<128x128xf32, #tpu.memory_space<vmem>>) target_semaphore(%run_scoped3A : memref<!tpu.dma_semaphore, #tpu.memory_space<semaphore_mem>>)
        %dma_wait3A = arith.constant 0 : i32
        %dma_wait3A_78 = tpu.memref_slice %arg9[%mul3A_69, %dma_wait3A] : memref<10112x128xf32, #tpu.memory_space<vmem_shared>> -> memref<128x128xf32, #tpu.memory_space<vmem_shared>>
        %dma_wait3A_79 = arith.constant 0 : i32
        %dma_wait3A_80 = tpu.memref_slice %arg9[%mul3A_69, %dma_wait3A_79] : memref<10112x128xf32, #tpu.memory_space<vmem_shared>> -> memref<128x128xf32, #tpu.memory_space<vmem_shared>>
        tpu.wait_dma2 semaphore(%run_scoped3A : memref<!tpu.dma_semaphore, #tpu.memory_space<semaphore_mem>>) src(%dma_wait3A_80 : memref<128x128xf32, #tpu.memory_space<vmem_shared>>) dst(%arg8 : memref<128x128xf32, #tpu.memory_space<vmem>>)
        tpu.yield
      }) : () -> ()
      %mul3A_70 = arith.constant 10112 : i32
      %mul3A_71 = arith.muli %arg0, %mul3A_70 : i32
      %mul3A_72 = arith.constant 128 : i32
      %mul3A_73 = arith.muli %add3A_48, %mul3A_72 : i32
      %add3A_74 = arith.addi %mul3A_71, %mul3A_73 : i32
      "tpu.region"() ({
        %run_scoped3A = tpu.sem_alloc : memref<!tpu.dma_semaphore, #tpu.memory_space<semaphore_mem>>
        %dma_start3A = arith.constant 0 : i32
        %dma_start3A_75 = tpu.memref_slice %arg5[%add3A_74, %dma_start3A] : memref<20224x128xf32, #tpu.memory_space<hbm>> -> memref<128x128xf32, #tpu.memory_space<hbm>>
        %dma_start3A_76 = arith.constant 0 : i32
        %dma_start3A_77 = tpu.memref_slice %arg5[%add3A_74, %dma_start3A_76] : memref<20224x128xf32, #tpu.memory_space<hbm>> -> memref<128x128xf32, #tpu.memory_space<hbm>>
        tpu.enqueue_dma source(%arg8 : memref<128x128xf32, #tpu.memory_space<vmem>>) target(%dma_start3A_77 : memref<128x128xf32, #tpu.memory_space<hbm>>) target_semaphore(%run_scoped3A : memref<!tpu.dma_semaphore, #tpu.memory_space<semaphore_mem>>)
        %dma_wait3A = arith.constant 0 : i32
        %dma_wait3A_78 = tpu.memref_slice %arg5[%add3A_74, %dma_wait3A] : memref<20224x128xf32, #tpu.memory_space<hbm>> -> memref<128x128xf32, #tpu.memory_space<hbm>>
        %dma_wait3A_79 = arith.constant 0 : i32
        %dma_wait3A_80 = tpu.memref_slice %arg5[%add3A_74, %dma_wait3A_79] : memref<20224x128xf32, #tpu.memory_space<hbm>> -> memref<128x128xf32, #tpu.memory_space<hbm>>
        tpu.wait_dma2 semaphore(%run_scoped3A : memref<!tpu.dma_semaphore, #tpu.memory_space<semaphore_mem>>) src(%arg8 : memref<128x128xf32, #tpu.memory_space<vmem>>) dst(%dma_wait3A_80 : memref<128x128xf32, #tpu.memory_space<hbm>>)
        tpu.yield
      }) : () -> ()
    } else {
    }
    %add3A_54 = arith.constant 48 : i32
    %add3A_55 = arith.addi %arg1, %add3A_54 : i32
    %lt3A_56 = arith.constant 79 : i32
    %lt3A_57 = arith.cmpi slt, %add3A_55, %lt3A_56 : i32
    %convert_element_type3A_58 = arith.extui %lt3A_57 : i1 to i32
    %cond3A_59 = arith.constant 0 : i32
    %cond3A_60 = arith.cmpi ne, %convert_element_type3A_58, %cond3A_59 : i32
    scf.if %cond3A_60 {
      %mul3A_68 = arith.constant 128 : i32
      %mul3A_69 = arith.muli %add3A_55, %mul3A_68 : i32
      "tpu.region"() ({
        %run_scoped3A = tpu.sem_alloc : memref<!tpu.dma_semaphore, #tpu.memory_space<semaphore_mem>>
        %dma_start3A = arith.constant 0 : i32
        %dma_start3A_75 = tpu.memref_slice %arg9[%mul3A_69, %dma_start3A] : memref<10112x128xf32, #tpu.memory_space<vmem_shared>> -> memref<128x128xf32, #tpu.memory_space<vmem_shared>>
        %dma_start3A_76 = arith.constant 0 : i32
        %dma_start3A_77 = tpu.memref_slice %arg9[%mul3A_69, %dma_start3A_76] : memref<10112x128xf32, #tpu.memory_space<vmem_shared>> -> memref<128x128xf32, #tpu.memory_space<vmem_shared>>
        tpu.enqueue_dma source(%dma_start3A_77 : memref<128x128xf32, #tpu.memory_space<vmem_shared>>) target(%arg8 : memref<128x128xf32, #tpu.memory_space<vmem>>) target_semaphore(%run_scoped3A : memref<!tpu.dma_semaphore, #tpu.memory_space<semaphore_mem>>)
        %dma_wait3A = arith.constant 0 : i32
        %dma_wait3A_78 = tpu.memref_slice %arg9[%mul3A_69, %dma_wait3A] : memref<10112x128xf32, #tpu.memory_space<vmem_shared>> -> memref<128x128xf32, #tpu.memory_space<vmem_shared>>
        %dma_wait3A_79 = arith.constant 0 : i32
        %dma_wait3A_80 = tpu.memref_slice %arg9[%mul3A_69, %dma_wait3A_79] : memref<10112x128xf32, #tpu.memory_space<vmem_shared>> -> memref<128x128xf32, #tpu.memory_space<vmem_shared>>
        tpu.wait_dma2 semaphore(%run_scoped3A : memref<!tpu.dma_semaphore, #tpu.memory_space<semaphore_mem>>) src(%dma_wait3A_80 : memref<128x128xf32, #tpu.memory_space<vmem_shared>>) dst(%arg8 : memref<128x128xf32, #tpu.memory_space<vmem>>)
        tpu.yield
      }) : () -> ()
      %mul3A_70 = arith.constant 10112 : i32
      %mul3A_71 = arith.muli %arg0, %mul3A_70 : i32
      %mul3A_72 = arith.constant 128 : i32
      %mul3A_73 = arith.muli %add3A_55, %mul3A_72 : i32
      %add3A_74 = arith.addi %mul3A_71, %mul3A_73 : i32
      "tpu.region"() ({
        %run_scoped3A = tpu.sem_alloc : memref<!tpu.dma_semaphore, #tpu.memory_space<semaphore_mem>>
        %dma_start3A = arith.constant 0 : i32
        %dma_start3A_75 = tpu.memref_slice %arg5[%add3A_74, %dma_start3A] : memref<20224x128xf32, #tpu.memory_space<hbm>> -> memref<128x128xf32, #tpu.memory_space<hbm>>
        %dma_start3A_76 = arith.constant 0 : i32
        %dma_start3A_77 = tpu.memref_slice %arg5[%add3A_74, %dma_start3A_76] : memref<20224x128xf32, #tpu.memory_space<hbm>> -> memref<128x128xf32, #tpu.memory_space<hbm>>
        tpu.enqueue_dma source(%arg8 : memref<128x128xf32, #tpu.memory_space<vmem>>) target(%dma_start3A_77 : memref<128x128xf32, #tpu.memory_space<hbm>>) target_semaphore(%run_scoped3A : memref<!tpu.dma_semaphore, #tpu.memory_space<semaphore_mem>>)
        %dma_wait3A = arith.constant 0 : i32
        %dma_wait3A_78 = tpu.memref_slice %arg5[%add3A_74, %dma_wait3A] : memref<20224x128xf32, #tpu.memory_space<hbm>> -> memref<128x128xf32, #tpu.memory_space<hbm>>
        %dma_wait3A_79 = arith.constant 0 : i32
        %dma_wait3A_80 = tpu.memref_slice %arg5[%add3A_74, %dma_wait3A_79] : memref<20224x128xf32, #tpu.memory_space<hbm>> -> memref<128x128xf32, #tpu.memory_space<hbm>>
        tpu.wait_dma2 semaphore(%run_scoped3A : memref<!tpu.dma_semaphore, #tpu.memory_space<semaphore_mem>>) src(%arg8 : memref<128x128xf32, #tpu.memory_space<vmem>>) dst(%dma_wait3A_80 : memref<128x128xf32, #tpu.memory_space<hbm>>)
        tpu.yield
      }) : () -> ()
    } else {
    }
    %add3A_61 = arith.constant 64 : i32
    %add3A_62 = arith.addi %arg1, %add3A_61 : i32
    %lt3A_63 = arith.constant 79 : i32
    %lt3A_64 = arith.cmpi slt, %add3A_62, %lt3A_63 : i32
    %convert_element_type3A_65 = arith.extui %lt3A_64 : i1 to i32
    %cond3A_66 = arith.constant 0 : i32
    %cond3A_67 = arith.cmpi ne, %convert_element_type3A_65, %cond3A_66 : i32
    scf.if %cond3A_67 {
      %mul3A_68 = arith.constant 128 : i32
      %mul3A_69 = arith.muli %add3A_62, %mul3A_68 : i32
      "tpu.region"() ({
        %run_scoped3A = tpu.sem_alloc : memref<!tpu.dma_semaphore, #tpu.memory_space<semaphore_mem>>
        %dma_start3A = arith.constant 0 : i32
        %dma_start3A_75 = tpu.memref_slice %arg9[%mul3A_69, %dma_start3A] : memref<10112x128xf32, #tpu.memory_space<vmem_shared>> -> memref<128x128xf32, #tpu.memory_space<vmem_shared>>
        %dma_start3A_76 = arith.constant 0 : i32
        %dma_start3A_77 = tpu.memref_slice %arg9[%mul3A_69, %dma_start3A_76] : memref<10112x128xf32, #tpu.memory_space<vmem_shared>> -> memref<128x128xf32, #tpu.memory_space<vmem_shared>>
        tpu.enqueue_dma source(%dma_start3A_77 : memref<128x128xf32, #tpu.memory_space<vmem_shared>>) target(%arg8 : memref<128x128xf32, #tpu.memory_space<vmem>>) target_semaphore(%run_scoped3A : memref<!tpu.dma_semaphore, #tpu.memory_space<semaphore_mem>>)
        %dma_wait3A = arith.constant 0 : i32
        %dma_wait3A_78 = tpu.memref_slice %arg9[%mul3A_69, %dma_wait3A] : memref<10112x128xf32, #tpu.memory_space<vmem_shared>> -> memref<128x128xf32, #tpu.memory_space<vmem_shared>>
        %dma_wait3A_79 = arith.constant 0 : i32
        %dma_wait3A_80 = tpu.memref_slice %arg9[%mul3A_69, %dma_wait3A_79] : memref<10112x128xf32, #tpu.memory_space<vmem_shared>> -> memref<128x128xf32, #tpu.memory_space<vmem_shared>>
        tpu.wait_dma2 semaphore(%run_scoped3A : memref<!tpu.dma_semaphore, #tpu.memory_space<semaphore_mem>>) src(%dma_wait3A_80 : memref<128x128xf32, #tpu.memory_space<vmem_shared>>) dst(%arg8 : memref<128x128xf32, #tpu.memory_space<vmem>>)
        tpu.yield
      }) : () -> ()
      %mul3A_70 = arith.constant 10112 : i32
      %mul3A_71 = arith.muli %arg0, %mul3A_70 : i32
      %mul3A_72 = arith.constant 128 : i32
      %mul3A_73 = arith.muli %add3A_62, %mul3A_72 : i32
      %add3A_74 = arith.addi %mul3A_71, %mul3A_73 : i32
      "tpu.region"() ({
        %run_scoped3A = tpu.sem_alloc : memref<!tpu.dma_semaphore, #tpu.memory_space<semaphore_mem>>
        %dma_start3A = arith.constant 0 : i32
        %dma_start3A_75 = tpu.memref_slice %arg5[%add3A_74, %dma_start3A] : memref<20224x128xf32, #tpu.memory_space<hbm>> -> memref<128x128xf32, #tpu.memory_space<hbm>>
        %dma_start3A_76 = arith.constant 0 : i32
        %dma_start3A_77 = tpu.memref_slice %arg5[%add3A_74, %dma_start3A_76] : memref<20224x128xf32, #tpu.memory_space<hbm>> -> memref<128x128xf32, #tpu.memory_space<hbm>>
        tpu.enqueue_dma source(%arg8 : memref<128x128xf32, #tpu.memory_space<vmem>>) target(%dma_start3A_77 : memref<128x128xf32, #tpu.memory_space<hbm>>) target_semaphore(%run_scoped3A : memref<!tpu.dma_semaphore, #tpu.memory_space<semaphore_mem>>)
        %dma_wait3A = arith.constant 0 : i32
        %dma_wait3A_78 = tpu.memref_slice %arg5[%add3A_74, %dma_wait3A] : memref<20224x128xf32, #tpu.memory_space<hbm>> -> memref<128x128xf32, #tpu.memory_space<hbm>>
        %dma_wait3A_79 = arith.constant 0 : i32
        %dma_wait3A_80 = tpu.memref_slice %arg5[%add3A_74, %dma_wait3A_79] : memref<20224x128xf32, #tpu.memory_space<hbm>> -> memref<128x128xf32, #tpu.memory_space<hbm>>
        tpu.wait_dma2 semaphore(%run_scoped3A : memref<!tpu.dma_semaphore, #tpu.memory_space<semaphore_mem>>) src(%arg8 : memref<128x128xf32, #tpu.memory_space<vmem>>) dst(%dma_wait3A_80 : memref<128x128xf32, #tpu.memory_space<hbm>>)
        tpu.yield
      }) : () -> ()
    } else {
    }
    return
  }
}

module attributes {stable_mosaic.version = 14 : i64} {
  func.func @body(%arg0: i32, %arg1: memref<1000x128xf32, #tpu.memory_space<vmem>>, %arg2: memref<2x1000x128xf32, #tpu.memory_space<vmem>>, %arg3: memref<128x256xf32, #tpu.memory_space<vmem>>, %arg4: memref<1x256xf32, #tpu.memory_space<vmem>>, %arg5: memref<1x256xf32, #tpu.memory_space<vmem>>, %arg6: memref<1x256xf32, #tpu.memory_space<vmem>>, %arg7: memref<1000x256xf32, #tpu.memory_space<vmem>>) attributes {dimension_semantics = [#tpu.dimension_semantics<arbitrary>], iteration_bounds = array<i64: 10>, scalar_prefetch = 0 : i64, scratch_operands = 0 : i64, tpu.core_type = #tpu.core_type<tc>, window_params = [{transform_indices = @transform_0, window_bounds = array<i64: 1000, 128>}, {transform_indices = @transform_1, window_bounds = array<i64: 2, 1000, 128>}, {pipeline_mode = #tpu.pipeline_mode<synchronous>, transform_indices = @transform_2, window_bounds = array<i64: 128, 256>}, {pipeline_mode = #tpu.pipeline_mode<synchronous>, transform_indices = @transform_3, window_bounds = array<i64: 1, 256>}, {pipeline_mode = #tpu.pipeline_mode<synchronous>, transform_indices = @transform_4, window_bounds = array<i64: 1, 256>}, {pipeline_mode = #tpu.pipeline_mode<synchronous>, transform_indices = @transform_5, window_bounds = array<i64: 1, 256>}, {transform_indices = @transform_6, window_bounds = array<i64: 1000, 256>}]} {
    %get3A = arith.constant 0 : index
    %get3A_0 = arith.constant 0 : index
    %get3A_1 = vector.load %arg1[%get3A, %get3A_0] : memref<1000x128xf32, #tpu.memory_space<vmem>>, vector<1000x128xf32>
    %get3A_2 = arith.constant 0 : index
    %get3A_3 = arith.constant 0 : index
    %get3A_4 = arith.constant 0 : index
    %get3A_5 = vector.load %arg2[%get3A_2, %get3A_3, %get3A_4] : memref<2x1000x128xf32, #tpu.memory_space<vmem>>, vector<1x1000x128xf32>
    %get3A_6 = vector.shape_cast %get3A_5 : vector<1x1000x128xf32> to vector<1000x128xf32>
    %add3A = arith.addf %get3A_1, %get3A_6 : vector<1000x128xf32>
    %get3A_7 = arith.constant 1 : index
    %get3A_8 = arith.constant 0 : index
    %get3A_9 = arith.constant 0 : index
    %get3A_10 = vector.load %arg2[%get3A_7, %get3A_8, %get3A_9] : memref<2x1000x128xf32, #tpu.memory_space<vmem>>, vector<1x1000x128xf32>
    %get3A_11 = vector.shape_cast %get3A_10 : vector<1x1000x128xf32> to vector<1000x128xf32>
    %add3A_12 = arith.addf %add3A, %get3A_11 : vector<1000x128xf32>
    %get3A_13 = arith.constant 0 : index
    %get3A_14 = arith.constant 0 : index
    %get3A_15 = vector.load %arg3[%get3A_13, %get3A_14] : memref<128x256xf32, #tpu.memory_space<vmem>>, vector<128x256xf32>
    %dot_general3A = arith.constant dense<0.000000e+00> : vector<1000x256xf32>
    %dot_general3A_16 = tpu.matmul %add3A_12, %get3A_15, %dot_general3A {dimension_numbers = #tpu.dot_dimension_numbers<[1], [0], [0], [1], [0, 0, 1, 1], [], []>, transpose_lhs_hint = false} : vector<1000x128xf32>, vector<128x256xf32>, vector<1000x256xf32> -> vector<1000x256xf32>
    %get3A_17 = arith.constant 0 : index
    %get3A_18 = arith.constant 0 : index
    %get3A_19 = vector.load %arg4[%get3A_17, %get3A_18] : memref<1x256xf32, #tpu.memory_space<vmem>>, vector<1x256xf32>
    %add3A_20 = vector.broadcast %get3A_19 : vector<1x256xf32> to vector<1000x256xf32>
    %add3A_21 = arith.addf %dot_general3A_16, %add3A_20 : vector<1000x256xf32>
    %reduce_sum3A = arith.constant dense<0.000000e+00> : vector<1000xf32>
    %reduce_sum3A_22 = vector.multi_reduction <add>, %add3A_21, %reduce_sum3A [1] : vector<1000x256xf32> to vector<1000xf32>
    %broadcast_in_dim3A = vector.shape_cast %reduce_sum3A_22 : vector<1000xf32> to vector<1000x1xf32>
    %div3A = arith.constant 2.560000e+02 : f32
    %div3A_23 = vector.broadcast %div3A : f32 to vector<1000x1xf32>
    %div3A_24 = arith.divf %broadcast_in_dim3A, %div3A_23 : vector<1000x1xf32>
    %sub3A = vector.broadcast %div3A_24 : vector<1000x1xf32> to vector<1000x256xf32>
    %sub3A_25 = arith.subf %add3A_21, %sub3A : vector<1000x256xf32>
    %mul3A = arith.mulf %sub3A_25, %sub3A_25 : vector<1000x256xf32>
    %reduce_sum3A_26 = arith.constant dense<0.000000e+00> : vector<1000xf32>
    %reduce_sum3A_27 = vector.multi_reduction <add>, %mul3A, %reduce_sum3A_26 [1] : vector<1000x256xf32> to vector<1000xf32>
    %broadcast_in_dim3A_28 = vector.shape_cast %reduce_sum3A_27 : vector<1000xf32> to vector<1000x1xf32>
    %div3A_29 = arith.constant 2.560000e+02 : f32
    %div3A_30 = vector.broadcast %div3A_29 : f32 to vector<1000x1xf32>
    %div3A_31 = arith.divf %broadcast_in_dim3A_28, %div3A_30 : vector<1000x1xf32>
    %add3A_32 = arith.constant 9.99999974E-6 : f32
    %add3A_33 = vector.broadcast %add3A_32 : f32 to vector<1000x1xf32>
    %add3A_34 = arith.addf %div3A_31, %add3A_33 : vector<1000x1xf32>
    %rsqrt3A = math.rsqrt %add3A_34 : vector<1000x1xf32>
    %mul3A_35 = vector.broadcast %rsqrt3A : vector<1000x1xf32> to vector<1000x256xf32>
    %mul3A_36 = arith.mulf %sub3A_25, %mul3A_35 : vector<1000x256xf32>
    %get3A_37 = arith.constant 0 : index
    %get3A_38 = arith.constant 0 : index
    %get3A_39 = vector.load %arg5[%get3A_37, %get3A_38] : memref<1x256xf32, #tpu.memory_space<vmem>>, vector<1x256xf32>
    %mul3A_40 = vector.broadcast %get3A_39 : vector<1x256xf32> to vector<1000x256xf32>
    %mul3A_41 = arith.mulf %mul3A_36, %mul3A_40 : vector<1000x256xf32>
    %get3A_42 = arith.constant 0 : index
    %get3A_43 = arith.constant 0 : index
    %get3A_44 = vector.load %arg6[%get3A_42, %get3A_43] : memref<1x256xf32, #tpu.memory_space<vmem>>, vector<1x256xf32>
    %add3A_45 = vector.broadcast %get3A_44 : vector<1x256xf32> to vector<1000x256xf32>
    %add3A_46 = arith.addf %mul3A_41, %add3A_45 : vector<1000x256xf32>
    %max3A = arith.constant 0.000000e+00 : f32
    %max3A_47 = vector.broadcast %max3A : f32 to vector<1000x256xf32>
    %max3A_48 = arith.maximumf %add3A_46, %max3A_47 : vector<1000x256xf32>
    %swap3A = arith.constant 0 : index
    %swap3A_49 = arith.constant 0 : index
    %swap3A_50 = vector.load %arg7[%swap3A, %swap3A_49] : memref<1000x256xf32, #tpu.memory_space<vmem>>, vector<1000x256xf32>
    tpu.vector_store %arg7[%swap3A, %swap3A_49], %max3A_48 {strides = array<i32>} : memref<1000x256xf32, #tpu.memory_space<vmem>>, vector<1000x256xf32>,
    return
  }
  func.func @transform_0(%arg0: i32) -> (i32, i32) {
    %c0_i32 = arith.constant 0 : i32
    %c0_i32_0 = arith.constant 0 : i32
    return %arg0, %c0_i32 : i32, i32
  }
  func.func @transform_1(%arg0: i32) -> (i32, i32, i32) {
    %c0_i32 = arith.constant 0 : i32
    %c0_i32_0 = arith.constant 0 : i32
    %c0_i32_1 = arith.constant 0 : i32
    return %c0_i32, %arg0, %c0_i32_0 : i32, i32, i32
  }
  func.func @transform_2(%arg0: i32) -> (i32, i32) {
    %c0_i32 = arith.constant 0 : i32
    %c0_i32_0 = arith.constant 0 : i32
    %c0_i32_1 = arith.constant 0 : i32
    return %c0_i32, %c0_i32_0 : i32, i32
  }
  func.func @transform_3(%arg0: i32) -> (i32, i32) {
    %c0_i32 = arith.constant 0 : i32
    %c0_i32_0 = arith.constant 0 : i32
    %c0_i32_1 = arith.constant 0 : i32
    return %c0_i32, %c0_i32_0 : i32, i32
  }
  func.func @transform_4(%arg0: i32) -> (i32, i32) {
    %c0_i32 = arith.constant 0 : i32
    %c0_i32_0 = arith.constant 0 : i32
    %c0_i32_1 = arith.constant 0 : i32
    return %c0_i32, %c0_i32_0 : i32, i32
  }
  func.func @transform_5(%arg0: i32) -> (i32, i32) {
    %c0_i32 = arith.constant 0 : i32
    %c0_i32_0 = arith.constant 0 : i32
    %c0_i32_1 = arith.constant 0 : i32
    return %c0_i32, %c0_i32_0 : i32, i32
  }
  func.func @transform_6(%arg0: i32) -> (i32, i32) {
    %c0_i32 = arith.constant 0 : i32
    %c0_i32_0 = arith.constant 0 : i32
    return %arg0, %c0_i32 : i32, i32
  }
}

module attributes {stable_mosaic.version = 14 : i64} {
  func.func @body(%arg0: i32, %arg1: memref<1000x256xf32, #tpu.memory_space<vmem>>, %arg2: memref<2x1000x128xf32, #tpu.memory_space<vmem>>, %arg3: memref<256x256xf32, #tpu.memory_space<vmem>>, %arg4: memref<1x256xf32, #tpu.memory_space<vmem>>, %arg5: memref<1x256xf32, #tpu.memory_space<vmem>>, %arg6: memref<1x256xf32, #tpu.memory_space<vmem>>, %arg7: memref<1000x256xf32, #tpu.memory_space<vmem>>) attributes {dimension_semantics = [#tpu.dimension_semantics<arbitrary>], iteration_bounds = array<i64: 10>, scalar_prefetch = 0 : i64, scratch_operands = 0 : i64, tpu.core_type = #tpu.core_type<tc>, window_params = [{transform_indices = @transform_0, window_bounds = array<i64: 1000, 256>}, {transform_indices = @transform_1, window_bounds = array<i64: 2, 1000, 128>}, {pipeline_mode = #tpu.pipeline_mode<synchronous>, transform_indices = @transform_2, window_bounds = array<i64: 256, 256>}, {pipeline_mode = #tpu.pipeline_mode<synchronous>, transform_indices = @transform_3, window_bounds = array<i64: 1, 256>}, {pipeline_mode = #tpu.pipeline_mode<synchronous>, transform_indices = @transform_4, window_bounds = array<i64: 1, 256>}, {pipeline_mode = #tpu.pipeline_mode<synchronous>, transform_indices = @transform_5, window_bounds = array<i64: 1, 256>}, {transform_indices = @transform_6, window_bounds = array<i64: 1000, 256>}]} {
    %get3A = arith.constant 0 : index
    %get3A_0 = arith.constant 0 : index
    %get3A_1 = vector.load %arg1[%get3A, %get3A_0] : memref<1000x256xf32, #tpu.memory_space<vmem>>, vector<1000x256xf32>
    %get3A_2 = arith.constant 0 : index
    %get3A_3 = arith.constant 0 : index
    %get3A_4 = arith.constant 0 : index
    %get3A_5 = vector.load %arg2[%get3A_2, %get3A_3, %get3A_4] : memref<2x1000x128xf32, #tpu.memory_space<vmem>>, vector<1x1000x128xf32>
    %get3A_6 = vector.shape_cast %get3A_5 : vector<1x1000x128xf32> to vector<1000x128xf32>
    %get3A_7 = arith.constant 1 : index
    %get3A_8 = arith.constant 0 : index
    %get3A_9 = arith.constant 0 : index
    %get3A_10 = vector.load %arg2[%get3A_7, %get3A_8, %get3A_9] : memref<2x1000x128xf32, #tpu.memory_space<vmem>>, vector<1x1000x128xf32>
    %get3A_11 = vector.shape_cast %get3A_10 : vector<1x1000x128xf32> to vector<1000x128xf32>
    %concatenate3A = tpu.concatenate %get3A_6, %get3A_11 in 1 : vector<1000x128xf32>, vector<1000x128xf32> -> vector<1000x256xf32>
    %add3A = arith.addf %get3A_1, %concatenate3A : vector<1000x256xf32>
    %get3A_12 = arith.constant 0 : index
    %get3A_13 = arith.constant 0 : index
    %get3A_14 = vector.load %arg3[%get3A_12, %get3A_13] : memref<256x256xf32, #tpu.memory_space<vmem>>, vector<256x256xf32>
    %dot_general3A = arith.constant dense<0.000000e+00> : vector<1000x256xf32>
    %dot_general3A_15 = tpu.matmul %add3A, %get3A_14, %dot_general3A {dimension_numbers = #tpu.dot_dimension_numbers<[1], [0], [0], [1], [0, 0, 1, 1], [], []>, transpose_lhs_hint = false} : vector<1000x256xf32>, vector<256x256xf32>, vector<1000x256xf32> -> vector<1000x256xf32>
    %get3A_16 = arith.constant 0 : index
    %get3A_17 = arith.constant 0 : index
    %get3A_18 = vector.load %arg4[%get3A_16, %get3A_17] : memref<1x256xf32, #tpu.memory_space<vmem>>, vector<1x256xf32>
    %add3A_19 = vector.broadcast %get3A_18 : vector<1x256xf32> to vector<1000x256xf32>
    %add3A_20 = arith.addf %dot_general3A_15, %add3A_19 : vector<1000x256xf32>
    %reduce_sum3A = arith.constant dense<0.000000e+00> : vector<1000xf32>
    %reduce_sum3A_21 = vector.multi_reduction <add>, %add3A_20, %reduce_sum3A [1] : vector<1000x256xf32> to vector<1000xf32>
    %broadcast_in_dim3A = vector.shape_cast %reduce_sum3A_21 : vector<1000xf32> to vector<1000x1xf32>
    %div3A = arith.constant 2.560000e+02 : f32
    %div3A_22 = vector.broadcast %div3A : f32 to vector<1000x1xf32>
    %div3A_23 = arith.divf %broadcast_in_dim3A, %div3A_22 : vector<1000x1xf32>
    %sub3A = vector.broadcast %div3A_23 : vector<1000x1xf32> to vector<1000x256xf32>
    %sub3A_24 = arith.subf %add3A_20, %sub3A : vector<1000x256xf32>
    %mul3A = arith.mulf %sub3A_24, %sub3A_24 : vector<1000x256xf32>
    %reduce_sum3A_25 = arith.constant dense<0.000000e+00> : vector<1000xf32>
    %reduce_sum3A_26 = vector.multi_reduction <add>, %mul3A, %reduce_sum3A_25 [1] : vector<1000x256xf32> to vector<1000xf32>
    %broadcast_in_dim3A_27 = vector.shape_cast %reduce_sum3A_26 : vector<1000xf32> to vector<1000x1xf32>
    %div3A_28 = arith.constant 2.560000e+02 : f32
    %div3A_29 = vector.broadcast %div3A_28 : f32 to vector<1000x1xf32>
    %div3A_30 = arith.divf %broadcast_in_dim3A_27, %div3A_29 : vector<1000x1xf32>
    %add3A_31 = arith.constant 9.99999974E-6 : f32
    %add3A_32 = vector.broadcast %add3A_31 : f32 to vector<1000x1xf32>
    %add3A_33 = arith.addf %div3A_30, %add3A_32 : vector<1000x1xf32>
    %rsqrt3A = math.rsqrt %add3A_33 : vector<1000x1xf32>
    %mul3A_34 = vector.broadcast %rsqrt3A : vector<1000x1xf32> to vector<1000x256xf32>
    %mul3A_35 = arith.mulf %sub3A_24, %mul3A_34 : vector<1000x256xf32>
    %get3A_36 = arith.constant 0 : index
    %get3A_37 = arith.constant 0 : index
    %get3A_38 = vector.load %arg5[%get3A_36, %get3A_37] : memref<1x256xf32, #tpu.memory_space<vmem>>, vector<1x256xf32>
    %mul3A_39 = vector.broadcast %get3A_38 : vector<1x256xf32> to vector<1000x256xf32>
    %mul3A_40 = arith.mulf %mul3A_35, %mul3A_39 : vector<1000x256xf32>
    %get3A_41 = arith.constant 0 : index
    %get3A_42 = arith.constant 0 : index
    %get3A_43 = vector.load %arg6[%get3A_41, %get3A_42] : memref<1x256xf32, #tpu.memory_space<vmem>>, vector<1x256xf32>
    %add3A_44 = vector.broadcast %get3A_43 : vector<1x256xf32> to vector<1000x256xf32>
    %add3A_45 = arith.addf %mul3A_40, %add3A_44 : vector<1000x256xf32>
    %max3A = arith.constant 0.000000e+00 : f32
    %max3A_46 = vector.broadcast %max3A : f32 to vector<1000x256xf32>
    %max3A_47 = arith.maximumf %add3A_45, %max3A_46 : vector<1000x256xf32>
    %swap3A = arith.constant 0 : index
    %swap3A_48 = arith.constant 0 : index
    %swap3A_49 = vector.load %arg7[%swap3A, %swap3A_48] : memref<1000x256xf32, #tpu.memory_space<vmem>>, vector<1000x256xf32>
    tpu.vector_store %arg7[%swap3A, %swap3A_48], %max3A_47 {strides = array<i32>} : memref<1000x256xf32, #tpu.memory_space<vmem>>, vector<1000x256xf32>,
    return
  }
  func.func @transform_0(%arg0: i32) -> (i32, i32) {
    %c0_i32 = arith.constant 0 : i32
    %c0_i32_0 = arith.constant 0 : i32
    return %arg0, %c0_i32 : i32, i32
  }
  func.func @transform_1(%arg0: i32) -> (i32, i32, i32) {
    %c0_i32 = arith.constant 0 : i32
    %c0_i32_0 = arith.constant 0 : i32
    %c0_i32_1 = arith.constant 0 : i32
    return %c0_i32, %arg0, %c0_i32_0 : i32, i32, i32
  }
  func.func @transform_2(%arg0: i32) -> (i32, i32) {
    %c0_i32 = arith.constant 0 : i32
    %c0_i32_0 = arith.constant 0 : i32
    %c0_i32_1 = arith.constant 0 : i32
    return %c0_i32, %c0_i32_0 : i32, i32
  }
  func.func @transform_3(%arg0: i32) -> (i32, i32) {
    %c0_i32 = arith.constant 0 : i32
    %c0_i32_0 = arith.constant 0 : i32
    %c0_i32_1 = arith.constant 0 : i32
    return %c0_i32, %c0_i32_0 : i32, i32
  }
  func.func @transform_4(%arg0: i32) -> (i32, i32) {
    %c0_i32 = arith.constant 0 : i32
    %c0_i32_0 = arith.constant 0 : i32
    %c0_i32_1 = arith.constant 0 : i32
    return %c0_i32, %c0_i32_0 : i32, i32
  }
  func.func @transform_5(%arg0: i32) -> (i32, i32) {
    %c0_i32 = arith.constant 0 : i32
    %c0_i32_0 = arith.constant 0 : i32
    %c0_i32_1 = arith.constant 0 : i32
    return %c0_i32, %c0_i32_0 : i32, i32
  }
  func.func @transform_6(%arg0: i32) -> (i32, i32) {
    %c0_i32 = arith.constant 0 : i32
    %c0_i32_0 = arith.constant 0 : i32
    return %arg0, %c0_i32 : i32, i32
  }
}

</mosaic_0001>

<sc_bundles>
// kernel: kernel.11.cloned.1.call-start
scs
__scs_entry_jumppad:
0x0: {  	(pc) =	sbr.rel $0x88, $3  }
0x1: {  	(tag) =	ssettag $0x0;
	lr =	simm.s32 $0x1  }
0x2: {  	[smem:$0x3F93] =	sst lr;
	_ =	strace $0xD0000000  }
0x3: {  	_ = 	snop  }
0x4: {  	_ = 	snop  }
0x5: {  	_ = 	snop  }
0x6: {  	_ = 	snop  }
0x7: {  	_ = 	snop  }
__scs_overlays_trampoline_lowered:
0x8: {  	[smem:$0x3FA2] =	sst s0  }
0x9: {  	[smem:$0x3FA3] =	sst s1  }
0xa: {  	[smem:$0x3FA4] =	sst s2  }
0xb: {  	[smem:$0x3FA5] =	sst s3  }
0xc: {  	[smem:$0x3FA6] =	sst s4  }
0xd: {  	[smem:$0x3FA7] =	sst s5  }
0xe: {  	[smem:$0x3FA8] =	sst s6  }
0xf: {  	[smem:$0x3FA9] =	sst s7  }
0x10: {  	[smem:$0x3FAA] =	sst s8  }
0x11: {  	[smem:$0x3FAB] =	sst s9;
	s0 =	simm.s32 @!p0 $0x0  }
0x12: {  	s1 =	sld [smem:$0x3F91];
	s0 =	simm.s32 @p0 $0x1  }
0x13: {  	[smem:$0x3FAC] =	sst s0;
	s0 =	simm.s32 @!p1 $0x0  }
0x14: {  	s2 =	sld [smem:$0x3F90];
	s0 =	simm.s32 @p1 $0x1  }
0x15: {  	[smem:$0x3FAD] =	sst s0;
	s0 =	simm.s32 @!p2 $0x0  }
0x16: {  	s3 =	sld [smem:$0x3FDB];
	s0 =	simm.s32 @p2 $0x1  }
0x17: {  	s4 =	simm.s32 $0x1BF5;
	[smem:$0x3FAF] =	sst s0  }
0x18: {  	s0 =	sld [smem:$0x3F92];
	_ =	swait.ge [sflag:s4], $0x0  }
0x19: {  	s7 =	sld [smem:$0x3F93]  }
0x1a: {  	s8 =	sadd.s32 $0xFFFFE003, lr  }
0x1b: {  	s9 =	sadd.s32 $0xFFFFFEF7, lr;
	s5 =	simm.s32 $0xFFFFFFFF;
	p2 =	slt.u32 s8, $0xFFFFF086  }
0x1c: {  	p1 =	slt.u32 s9, $0xF7A;
	s5 =	simm.s32 @!p2 $0x0  }
0x1d: {  	s5 =	simm.s32 @p1 $0x1;
	p0 =	seq.s32 s7, s2  }
0x1e: {  	s7 =	smul.u32 @!p0 $0xF7A, s2;
	p2 =	seq.s32 @!p0 s5, $0x0  }
0x1f: {  	s9 =	smul.u32 $0xF7A, s1;
	s8 =	simm.s32 @!p0 $0x1BF5;
	p2 =	por !p2, p0  }
0x20: {  	[sflag:s8] =	ssyncset.s32 @!p0 $0xFFFFF086;
	s6 =	sadd.s32 @!p0 s3, s7;
	s7 =	simm.s32 @!p0 $0x108  }
0x21: {  	s3 =	sadd.s32 s3, s9;
	s6 =	sadd.s32 @!p0 $0x88, s6;
	s7 =	simm.s32 @p2 $0x1082  }
0x22: {  	[simem:s7], [sflag:s8] =	dma.local @!p0 [hbm:s6], $0xF7A  }
0x23: {  	s9 =	sor.u32 $0xD0000000, s2;
	s6 =	simm.s32 $0x108;
	_ =	swait.ge @!p0 [sflag:s8], $0x0  }
0x24: {  	s3 =	sadd.s32 $0x88, s3;
	s6 =	simm.s32 @!p1 $0x1082;
	[sflag:s4] =	ssyncset.s32 $0xFFFFF086  }
0x25: {  	[simem:s6], [sflag:s4] =	dma.local [hbm:s3], $0xF7A  }
0x26: {  	[smem:$0x3F93] =	sst s1;
	(tag) =	ssettag s2;
	_ =	strace s9  }
0x27: {  	s1 =	sld [smem:$0x3FA3]  }
0x28: {  	s2 =	sld [smem:$0x3FA4]  }
0x29: {  	s4 =	sld [smem:$0x3FA6]  }
0x2a: {  	p0 =	seq.s32 s5, $0x0;
	s5 =	sld [smem:$0x3FA7]  }
0x2b: {  	s6 =	sld [smem:$0x3FA8]  }
0x2c: {  	s7 =	sld [smem:$0x3FA9]  }
0x2d: {  	s3 =	simm.s32 $0x108;
	s8 =	sld [smem:$0x3FAA]  }
0x2e: {  	s3 =	simm.s32 @!p0 $0x1082;
	s9 =	sld [smem:$0x3FAB]  }
0x2f: {  	lr =	sadd.s32 s0, s3;
	s0 =	sld [smem:$0x3FA2]  }
0x30: {  	s3 =	sld [smem:$0x3FA5]  }
0x31: {  	[smem:$0x3FAE] =	sst s10  }
0x32: {  	s10 =	sld [smem:$0x3FAC];
	_ =	sdelay $0x3  }
0x33: {  	p0 =	seq.s32 s10, $0x1;
	s10 =	sld [smem:$0x3FAE];
	_ =	sdelay $0x3  }
0x34: {  	[smem:$0x3FAE] =	sst s10  }
0x35: {  	s10 =	sld [smem:$0x3FAD];
	_ =	sdelay $0x3  }
0x36: {  	p1 =	seq.s32 s10, $0x1;
	s10 =	sld [smem:$0x3FAE];
	_ =	sdelay $0x3  }
0x37: {  	[smem:$0x3FAE] =	sst s10  }
0x38: {  	s10 =	sld [smem:$0x3FAF]  }
0x39: {  	_ = 	snop;
	(pc) =	sbr.ind lr, $3  }
0x3a: {  	_ = 	snop  }
0x3b: {  	_ = 	snop  }
0x3c: {  	p2 =	seq.s32 s10, $0x1;
	s10 =	sld [smem:$0x3FAE]  }
0x3d: {  	_ =	shalt  }
0x3e: {  	_ =	shalt  }
0x3f: {  	_ =	shalt  }
0x40: {  	_ =	shalt  }
0x41: {  	_ =	shalt  }
0x42: {  	_ =	shalt  }
0x43: {  	_ =	shalt  }
0x44: {  	_ =	shalt  }
0x45: {  	_ =	shalt  }
0x46: {  	_ =	shalt  }
0x47: {  	_ =	shalt  }
0x48: {  	_ =	shalt  }
0x49: {  	_ =	shalt  }
0x4a: {  	_ =	shalt  }
0x4b: {  	_ =	shalt  }
0x4c: {  	_ =	shalt  }
0x4d: {  	_ =	shalt  }
0x4e: {  	_ =	shalt  }
0x4f: {  	_ =	shalt  }
0x50: {  	_ =	shalt  }
0x51: {  	_ =	shalt  }
0x52: {  	_ =	shalt  }
0x53: {  	_ =	shalt  }
0x54: {  	_ =	shalt  }
0x55: {  	_ =	shalt  }
0x56: {  	_ =	shalt  }
0x57: {  	_ =	shalt  }
0x58: {  	_ =	shalt  }
0x59: {  	_ =	shalt  }
0x5a: {  	_ =	shalt  }
0x5b: {  	_ =	shalt  }
0x5c: {  	_ =	shalt  }
0x5d: {  	_ =	shalt  }
0x5e: {  	_ =	shalt  }
0x5f: {  	_ =	shalt  }
0x60: {  	_ =	shalt  }
0x61: {  	_ =	shalt  }
0x62: {  	_ =	shalt  }
0x63: {  	_ =	shalt  }
0x64: {  	_ =	shalt  }
0x65: {  	_ =	shalt  }
0x66: {  	_ =	shalt  }
0x67: {  	_ =	shalt  }
0x68: {  	_ =	shalt  }
0x69: {  	_ =	shalt  }
0x6a: {  	_ =	shalt  }
0x6b: {  	_ =	shalt  }
0x6c: {  	_ =	shalt  }
0x6d: {  	_ =	shalt  }
0x6e: {  	_ =	shalt  }
0x6f: {  	_ =	shalt  }
0x70: {  	_ =	shalt  }
0x71: {  	_ =	shalt  }
0x72: {  	_ =	shalt  }
0x73: {  	_ =	shalt  }
0x74: {  	_ =	shalt  }
0x75: {  	_ =	shalt  }
0x76: {  	_ =	shalt  }
0x77: {  	_ =	shalt  }
0x78: {  	_ =	shalt  }
0x79: {  	_ =	shalt  }
0x7a: {  	_ =	shalt  }
0x7b: {  	_ =	shalt  }
0x7c: {  	_ =	shalt  }
0x7d: {  	_ =	shalt  }
0x7e: {  	_ =	shalt  }
0x7f: {  	_ =	shalt  }
0x80: {  	_ =	shalt  }
0x81: {  	_ =	shalt  }
0x82: {  	_ =	shalt  }
0x83: {  	_ =	shalt  }
0x84: {  	_ =	shalt  }
0x85: {  	_ =	shalt  }
0x86: {  	_ =	shalt  }
0x87: {  	_ =	shalt  }
.Lfunc_end0:
.L_simem_size_0:
called_computation.1_lowered:
.L_overlay_start_0:
0x88: {  	s2 =	sld [smem:$0x3FD9]  }
0x89: {  	s3 =	sld [smem:$0x3FFE];
	_ =	sdelay $0x1  }
0x8a: {  	s1 =	srdreg.scid  }
0x8b: {  	s0 =	sand.u32 $0x1, s1  }
0x8c: {  	s17 =	sshll.u32 s0, $0xA;
	s2 =	sadd.s32 s3, s2  }
0x8d: {  	s2 =	sadd.s32 s2, s17  }
0x8e: {  	[smem:$0x3FBA] =	sst s2  }
0x8f: {  	_ = 	snop  }
0x90: {  	s2 =	sld [smem:$0x3FD0];
	(tm) =	ssettm $0x1  }
0x91: {  	s18 =	sld [smem:$0x3FFB];
	_ =	sdelay $0x3  }
0x92: {  	_ =	strace s18  }
0x93: {  	s3 =	sld [smem:$0x3FFC];
	_ =	sdelay $0x3  }
0x94: {  	_ =	strace s3  }
0x95: {  	s3 =	sld [smem:$0x3FFD];
	_ =	sdelay $0x3  }
0x96: {  	_ =	strace s3  }
0x97: {  	_ =	strace $0x8FFFFFFF  }
0x98: {  	s19 =	sld [smem:$0x3FDB];
	_ =	sdelay $0x1  }
0x99: {  	s4 =	simm.s32 $_scs_section_size  }
0x9a: {  	s5 =	simm.s32 $_size__tile_overlayer_lowered;
	s6 =	simm.s32 $_tile_overlayer_lowered  }
0x9b: {  	s22 =	simm.s32 $0x1BFF;
	s21 =	sshll.u32 s6, $0x1;
	s3 =	sadd.s32 s4, s19  }
0x9c: {  	s7 =	simm.s32 $0x0;
	s20 =	sshll.u32 s5, $0x1;
	s5 =	sadd.s32 s21, s3  }
0x9d: {  	[timem:s7], [sflag:s22] =	dma.local [hbm:s5], s20  }
0x9e: {  	_ =	swait.ge [sflag:s22], s20  }
0x9f: {  	s4 =	ssub.s32 $0x0, s20;
	[sflag:s22] =	ssyncset.done $0x0  }
0xa0: {  	[sflag:s22] =	ssyncadd.s32 s4;
	_ =	sdelay $0x1  }
0xa1: {  	s23 =	simm.s32 $0x1B8B  }
0xa2: {  	_ =	swait.ge [sflag:s23], $0x1  }
0xa3: {  	[sflag:s23] =	ssyncset.done $0x0  }
0xa4: {  	s25 =	simm.s32 $0x1B8E;
	s24 =	sld [smem:$0x3FFE];
	[sflag:s23] =	ssyncadd.s32 $0xFFFFFFFF  }
0xa5: {  	s26 =	simm.s32 $execute0_lowered;
	[smem:$0x3FD2] =	sst s25  }
0xa6: {  	s5 =	sshll.u32 s26, $0x1;
	_ =	strace $0x80000049;
	[dreg:$0x1] =	wrdreg $0xFFFFFFFF  }
0xa7: {  	s28 =	simm.s32 $_size_execute0_lowered;
	s3 =	sadd.s32 s3, s5;
	[dreg:$0x0] =	wrdreg $0x0  }
0xa8: {  	s5 =	sshll.u32 s28, $0x1;
	[dreg:$0x2] =	wrdreg s3  }
0xa9: {  	[dreg:$0x3] =	wrdreg s5  }
0xaa: {  	[dreg:$0x4] =	wrdreg $0xC0  }
0xab: {  	_ =	task [dreg:s7], $0x5FFFF  }
0xac: {  	[dreg:$0x1] =	wrdreg $0xFFFFFFFF  }
0xad: {  	[dreg:$0x0] =	wrdreg $0x60  }
0xae: {  	[dreg:$0x2] =	wrdreg s24  }
0xaf: {  	[dreg:$0x3] =	wrdreg s2  }
0xb0: {  	[dreg:$0x4] =	wrdreg $0x41000  }
0xb1: {  	[dreg:$0x5] =	wrdreg $0x9  }
0xb2: {  	_ =	task.clear_ibuf [dreg:s7], $0x6FFFF;
	_ =	strace $0x90000049  }
0xb3: {  	s29 =	simm.s32 $0x9;
	_ =	strace $0x8000004B  }
0xb4: {  	_ =	swait.ge [sflag:s29], $0x1  }
0xb5: {  	[sflag:s29] =	ssyncadd.s32 $0xFFFFFFFF  }
0xb6: {  	_ =	strace $0x9000004B  }
0xb7: {  	_ =	sfence  }
0xb8: {  	s30 =	sld [smem:$0x0];
	_ =	sdelay $0x2  }
0xb9: {  	s31 =	sshll.u32 s1, $0xD;
	s1 =	sshrl.u32 s1, $0x2  }
0xba: {  	s3 =	sand.u32 $0x4000, s31;
	s1 =	sadd.s32 s1, s30  }
0xbb: {  	s0 =	sor.u32 s3, s0;
	s1 =	sshll.u32 s1, $0x11  }
0xbc: {  	s0 =	sor.u32 s1, s0  }
0xbd: {  	s0 =	sadd.s32 $0x8F2B, s0  }
0xbe: {  	[sflag:s0] =	ssyncadd.remote.s32 $0x1  }
0xbf: {  	_ =	sfence.sel $0xFFFF  }
0xc0: {  	[dreg:$0x0] =	wrdreg $0xFFFFFFFF;
	(pc) =	sbr.abs _section_cstart, $3  }
0xc1: {  	[dreg:$0x1] =	wrdreg $0xFFFFFFFF  }
0xc2: {  	_ =	task.clear_ibuf [dreg:s7], $0x2FFFF;
	_ =	strace $0x9FFFFFFF  }
0xc3: {  	(tm) =	ssettm $0x7FFFFFFF  }
tec
execute0_lowered:
.L_overlay_start_1:
0x0: {  	(tag) =	ssettag $0x1  }
0x1: {  	s5 =	rddreg [dreg:$0x0]  }
0x2: {  	s19 =	rddreg [dreg:$0x1]  }
0x3: {  	s2 =	rddreg [dreg:$0x2];
	s3 =	simm.s32 $0x0;
	s4 =	srdreg.scid  }
0x4: {  	s0 =	stileid.u32;
	s25 =	simm.s32 $0x80;
	s28 =	simm.s32 $0x0  }
0x5: {  	[smem:$0x7FF] =	sst s3;
	s7 =	sand.u32 $0x1, s4;
	s6 =	smul.u32 $0x4F000, s0  }
0x6: {  	s4 =	sadd.s32 $0x3D600, s5;
	s17 =	sshll.u32 s0, $0xE;
	s24 =	smul.u32 $0x9D0, s0  }
0x7: {  	p0 =	seq.s32 s0, $0xF;
	_ =	strace $0x8000004A;
	s8 =	smul.u32 $0x9D00, s7  }
0x8: {  	s9 =	ssub.s32 $0x2, s7;
	s16 =	smul.u32 $0x13C000, s7;
	s12 =	sor.u32 $0x40000, s17  }
0x9: {  	s10 =	sadd.s32 s17, s2;
	s14 =	sor.u32 $0x80000, s17;
	s18 =	sor.u32 $0xC0000, s17  }
0xa: {  	s23 =	sor.u32 $0x100000, s17;
	s6 =	sshrl.u32 s6, $0x2;
	s26 =	sshrl.u32 s9, $0x1  }
0xb: {  	s20 =	sadd.s32 s8, s5;
	s5 =	sadd.s32 s6, s2;
	s21 =	ssub.s32 s9, s26  }
0xc: {  	s11 =	sadd.s32 s16, s17;
	s13 =	sadd.s32 s16, s12;
	s12 =	sadd.s32 s12, s2  }
0xd: {  	s15 =	sadd.s32 s16, s14;
	s14 =	sadd.s32 s14, s2;
	s22 =	sadd.s32 s16, s18  }
0xe: {  	s30 =	sadd.s32 s16, s23;
	s16 =	sadd.s32 s18, s2;
	s18 =	sadd.s32 s23, s2  }
0xf: {  	s23 =	simm.s32 $0x100;
	s26 =	simm.s32 $0x1;
	s6 =	sadd.s32 $0x4000, s5  }
0x10: {  	s7 =	sadd.s32 $0x8000, s5;
	s8 =	sadd.s32 $0xC000, s5;
	s9 =	sadd.s32 $0x10000, s5  }
0x11: {  	s11 =	sshrl.u32 s11, $0x3;
	s13 =	sshrl.u32 s13, $0x3;
	s15 =	sshrl.u32 s15, $0x3  }
0x12: {  	s29 =	sshrl.u32 s22, $0x3;
	s22 =	sshrl.u32 s30, $0x3;
	s31 =	sadd.s32 s24, s20  }
0x13: {  	s20 =	smax.u32 s21, $0x1;
	s24 =	simm.s32 $0x2;
	s11 =	sadd.s32 s19, s11  }
0x14: {  	s13 =	sadd.s32 s19, s13;
	s15 =	sadd.s32 s19, s15;
	s17 =	sadd.s32 s19, s29  }
0x15: {  	v0 =	vimm.f32 $0.0e+00;
	s19 =	sadd.s32 s19, s22;
	s21 =	sadd.s32 $0x16200, s31;
	s22 =	sadd.s32 $0x29C00, s31  }
.LBB2_1:
0x16: {  	s29 =	simm.s32 $0x0;
	s30 =	simm.s32 $0x200  }
.LBB2_2:
0x17: {  	p1 =	sne.s32 s30, $0xFE00;
	[tilespmem:s29+$0x170] =	vst v0  }
0x18: {  	[tilespmem:s29+$0x100] =	vst v0  }
0x19: {  	[tilespmem:s29+$0x110] =	vst v0  }
.Ltmp0:
0x1a: {  	[tilespmem:s29+$0x120] =	vst v0;
	(pc) =	sbr.rel @p1 .LBB2_2-.Ltmp0, $4  }
0x1b: {  	[tilespmem:s29+$0x130] =	vst v0  }
0x1c: {  	[tilespmem:s29+$0x140] =	vst v0  }
0x1d: {  	[tilespmem:s29+$0x150] =	vst v0  }
0x1e: {  	[tilespmem:s29+$0x160] =	vst v0;
	s29 =	sshra.s32 s30, $0x2;
	s30 =	sadd.s32 $0x200, s30  }
0x1f: {  	[tilespmem:s29+$0x170] =	vst v0  }
0x20: {  	[tilespmem:s29+$0x100] =	vst v0  }
0x21: {  	[tilespmem:s29+$0x110] =	vst v0  }
0x22: {  	[tilespmem:s29+$0x120] =	vst v0  }
0x23: {  	[tilespmem:s29+$0x130] =	vst v0  }
0x24: {  	[tilespmem:s29+$0x140] =	vst v0  }
0x25: {  	[tilespmem:s29+$0x150] =	vst v0  }
0x26: {  	[tilespmem:s29+$0x160] =	vst v0  }
0x27: {  	[spmem:s5] =	stream.linear.scatter [tilespmem:s23], [sflag:$0x2], $0x4000, $0x38;
	[tilespmem:$0x17D00] =	vst v63  }
0x28: {  	_ =	swait.ge [sflag:s24], $0x4000  }
0x29: {  	[sflag:s24] =	ssyncset.done $0x0  }
0x2a: {  	[sflag:s24] =	ssyncadd.s32 $0xFFFFC000  }
0x2b: {  	[spmem:s6] =	stream.linear.scatter [tilespmem:s23], [sflag:$0x2], $0x4000, $0x38;
	[tilespmem:$0x17D00] =	vst v63  }
0x2c: {  	_ =	swait.ge [sflag:s24], $0x4000  }
0x2d: {  	[sflag:s24] =	ssyncset.done $0x0  }
0x2e: {  	[sflag:s24] =	ssyncadd.s32 $0xFFFFC000  }
0x2f: {  	[spmem:s7] =	stream.linear.scatter [tilespmem:s23], [sflag:$0x2], $0x4000, $0x38;
	[tilespmem:$0x17D00] =	vst v63  }
0x30: {  	_ =	swait.ge [sflag:s24], $0x4000  }
0x31: {  	[sflag:s24] =	ssyncset.done $0x0  }
0x32: {  	[sflag:s24] =	ssyncadd.s32 $0xFFFFC000  }
0x33: {  	[spmem:s8] =	stream.linear.scatter [tilespmem:s23], [sflag:$0x2], $0x4000, $0x38;
	[tilespmem:$0x17D00] =	vst v63  }
0x34: {  	_ =	swait.ge [sflag:s24], $0x4000  }
0x35: {  	[sflag:s24] =	ssyncset.done $0x0  }
0x36: {  	[sflag:s24] =	ssyncadd.s32 $0xFFFFC000  }
0x37: {  	[spmem:s9] =	stream.linear.scatter [tilespmem:s23], [sflag:$0x2], $0x3C00, $0x38;
	[tilespmem:$0x17D00] =	vst v63  }
0x38: {  	_ =	swait.ge [sflag:s24], $0x3C00  }
0x39: {  	[sflag:s24] =	ssyncset.done $0x0  }
0x3a: {  	[sflag:s24] =	ssyncadd.s32 $0xFFFFC400  }
0x3b: {  	s29 =	sadd.s32 $0x0, s22;
	[bflag:$0x0] =	sbarrier.arrive $0xFFFF  }
0x3c: {  	[tilespmem:s3], [sflag:$0x2] =	stream.linear.gather [hbm4b:s29+s3], $0x80, $0x38;
	[tilespmem:$0x17D00] =	vst v63  }
0x3d: {  	_ =	swait.ge [sflag:s24], $0x80  }
0x3e: {  	[sflag:s24] =	ssyncset.done $0x0  }
0x3f: {  	s29 =	sadd.s32 $0x0, s21;
	[sflag:s24] =	ssyncadd.s32 $0xFFFFFF80  }
0x40: {  	[tilespmem:s25], [sflag:$0x2] =	stream.linear.gather [hbm4b:s29+s3], $0x80, $0x38;
	[tilespmem:$0x17D00] =	vst v63  }
0x41: {  	_ =	swait.ge [sflag:s24], $0x80  }
0x42: {  	[sflag:s24] =	ssyncset.done $0x0  }
0x43: {  	[sflag:s24] =	ssyncadd.s32 $0xFFFFFF80  }
0x44: {  	[tilespmem:s23], [sflag:$0x1] =	stream.indirect.gather [hbm4b:s4+s25], $0x80, s3, s25, $0xb8;
	[tilespmem:$0x17D00] =	vst v63  }
0x45: {  	_ =	swait.ge [sflag:s26], $0x4000  }
0x46: {  	[sflag:s26] =	ssyncset.done $0x0  }
0x47: {  	[sflag:s26] =	ssyncadd.s32 $0xFFFFC000  }
0x48: {  	[spmem:s2] =	stream.indirect.scatter.add.f32 [tilespmem:s23], [sflag:$0x2], $0x80, s25, s25, $0xb8;
	[tilespmem:$0x17D00] =	vst v63  }
0x49: {  	_ =	swait.ge [sflag:s24], $0x4000  }
0x4a: {  	s30 =	simm.s32 $0x20;
	s29 =	simm.s32 $0x10;
	[sflag:s24] =	ssyncset.done $0x0  }
.LBB2_4:
0x4b: {  	s31 =	sadd.s32 s29, s22  }
0x4c: {  	[sflag:s24] =	ssyncadd.s32 $0xFFFFC000;
	s0 =	smov.u32 s30;
	s1 =	sadd.s32 $0x10, s30  }
0x4d: {  	[tilespmem:s3], [sflag:$0x2] =	stream.linear.gather [hbm4b:s31+s3], $0x80, $0x38;
	[tilespmem:$0x17D00] =	vst v63  }
0x4e: {  	p1 =	sne.s32 s30, $0x9C0;
	_ =	swait.ge [sflag:s24], $0x80  }
0x4f: {  	[sflag:s24] =	ssyncset.done $0x0  }
0x50: {  	s30 =	sadd.s32 s29, s21;
	s29 =	smov.u32 s0;
	[sflag:s24] =	ssyncadd.s32 $0xFFFFFF80  }
0x51: {  	[tilespmem:s25], [sflag:$0x2] =	stream.linear.gather [hbm4b:s30+s3], $0x80, $0x38;
	[tilespmem:$0x17D00] =	vst v63  }
0x52: {  	_ =	swait.ge [sflag:s24], $0x80  }
0x53: {  	[sflag:s24] =	ssyncset.done $0x0  }
0x54: {  	[sflag:s24] =	ssyncadd.s32 $0xFFFFFF80  }
0x55: {  	[tilespmem:s23], [sflag:$0x1] =	stream.indirect.gather [hbm4b:s4+s25], $0x80, s3, s25, $0xb8;
	[tilespmem:$0x17D00] =	vst v63  }
0x56: {  	_ =	swait.ge [sflag:s26], $0x4000  }
.Ltmp1:
0x57: {  	[sflag:s26] =	ssyncset.done $0x0;
	(pc) =	sbr.rel @p1 .LBB2_4-.Ltmp1, $4  }
0x58: {  	[sflag:s26] =	ssyncadd.s32 $0xFFFFC000  }
0x59: {  	[spmem:s2] =	stream.indirect.scatter.add.f32 [tilespmem:s23], [sflag:$0x2], $0x80, s25, s25, $0xb8;
	[tilespmem:$0x17D00] =	vst v63  }
0x5a: {  	_ =	swait.ge [sflag:s24], $0x4000  }
0x5b: {  	s30 =	smov.u32 s1;
	[sflag:s24] =	ssyncset.done $0x0  }
0x5c: {  	s0 =	sadd.s32 s29, s22;
	[sflag:s24] =	ssyncadd.s32 $0xFFFFC000  }
0x5d: {  	[tilespmem:s3], [sflag:$0x2] =	stream.linear.gather [hbm4b:s0+s3], $0x80, $0x38;
	[tilespmem:$0x17D00] =	vst v63  }
0x5e: {  	_ =	swait.ge [sflag:s24], $0x80  }
0x5f: {  	[sflag:s24] =	ssyncset.done $0x0  }
0x60: {  	s31 =	sadd.s32 s29, s21;
	[sflag:s24] =	ssyncadd.s32 $0xFFFFFF80  }
0x61: {  	[tilespmem:s25], [sflag:$0x2] =	stream.linear.gather [hbm4b:s31+s3], $0x80, $0x38;
	[tilespmem:$0x17D00] =	vst v63  }
0x62: {  	_ =	swait.ge [sflag:s24], $0x80  }
0x63: {  	[sflag:s24] =	ssyncset.done $0x0  }
0x64: {  	[sflag:s24] =	ssyncadd.s32 $0xFFFFFF80  }
0x65: {  	[tilespmem:s23], [sflag:$0x1] =	stream.indirect.gather [hbm4b:s4+s25], $0x80, s3, s25, $0xb8;
	[tilespmem:$0x17D00] =	vst v63  }
0x66: {  	_ =	swait.ge [sflag:s26], $0x4000  }
0x67: {  	[sflag:s26] =	ssyncset.done $0x0  }
0x68: {  	[sflag:s26] =	ssyncadd.s32 $0xFFFFC000  }
0x69: {  	[spmem:s2] =	stream.indirect.scatter.add.f32 [tilespmem:s23], [sflag:$0x2], $0x80, s25, s25, $0xb8;
	[tilespmem:$0x17D00] =	vst v63  }
0x6a: {  	_ =	swait.ge [sflag:s24], $0x4000  }
0x6b: {  	[sflag:s24] =	ssyncset.done $0x0  }
0x6c: {  	[sflag:s24] =	ssyncadd.s32 $0xFFFFC000  }
0x6d: {  	[bflag:$0x0] =	sbarrier.arrive $0xFFFF  }
0x6e: {  	[tilespmem:s23], [sflag:$0x2] =	stream.linear.gather [spmem:s10], $0x4000, $0x38;
	[tilespmem:$0x17D00] =	vst v63  }
0x6f: {  	_ =	swait.ge [sflag:s24], $0x4000  }
0x70: {  	[sflag:s24] =	ssyncset.done $0x0  }
0x71: {  	[sflag:s24] =	ssyncadd.s32 $0xFFFFC000  }
0x72: {  	[hbm4b:s11+s3] =	stream.linear.scatter [tilespmem:s23], [sflag:$0x2], $0x4000, $0x38;
	[tilespmem:$0x17D00] =	vst v63  }
0x73: {  	_ =	swait.ge [sflag:s24], $0x4000  }
0x74: {  	[sflag:s24] =	ssyncset.done $0x0  }
0x75: {  	[sflag:s24] =	ssyncadd.s32 $0xFFFFC000  }
0x76: {  	[tilespmem:s23], [sflag:$0x2] =	stream.linear.gather [spmem:s12], $0x4000, $0x38;
	[tilespmem:$0x17D00] =	vst v63  }
0x77: {  	_ =	swait.ge [sflag:s24], $0x4000  }
0x78: {  	[sflag:s24] =	ssyncset.done $0x0  }
0x79: {  	[sflag:s24] =	ssyncadd.s32 $0xFFFFC000  }
0x7a: {  	[hbm4b:s13+s3] =	stream.linear.scatter [tilespmem:s23], [sflag:$0x2], $0x4000, $0x38;
	[tilespmem:$0x17D00] =	vst v63  }
0x7b: {  	_ =	swait.ge [sflag:s24], $0x4000  }
0x7c: {  	[sflag:s24] =	ssyncset.done $0x0  }
0x7d: {  	[sflag:s24] =	ssyncadd.s32 $0xFFFFC000  }
0x7e: {  	[tilespmem:s23], [sflag:$0x2] =	stream.linear.gather [spmem:s14], $0x4000, $0x38;
	[tilespmem:$0x17D00] =	vst v63  }
0x7f: {  	_ =	swait.ge [sflag:s24], $0x4000  }
0x80: {  	[sflag:s24] =	ssyncset.done $0x0  }
0x81: {  	[sflag:s24] =	ssyncadd.s32 $0xFFFFC000  }
0x82: {  	[hbm4b:s15+s3] =	stream.linear.scatter [tilespmem:s23], [sflag:$0x2], $0x4000, $0x38;
	[tilespmem:$0x17D00] =	vst v63  }
0x83: {  	_ =	swait.ge [sflag:s24], $0x4000  }
0x84: {  	[sflag:s24] =	ssyncset.done $0x0  }
0x85: {  	[sflag:s24] =	ssyncadd.s32 $0xFFFFC000  }
0x86: {  	[tilespmem:s23], [sflag:$0x2] =	stream.linear.gather [spmem:s16], $0x4000, $0x38;
	[tilespmem:$0x17D00] =	vst v63  }
0x87: {  	_ =	swait.ge [sflag:s24], $0x4000  }
0x88: {  	[sflag:s24] =	ssyncset.done $0x0  }
0x89: {  	[sflag:s24] =	ssyncadd.s32 $0xFFFFC000  }
0x8a: {  	[hbm4b:s17+s3] =	stream.linear.scatter [tilespmem:s23], [sflag:$0x2], $0x4000, $0x38;
	[tilespmem:$0x17D00] =	vst v63  }
0x8b: {  	_ =	swait.ge [sflag:s24], $0x4000  }
0x8c: {  	[sflag:s24] =	ssyncset.done $0x0  }
0x8d: {  	s1 =	simm.s32 @!p0 $0x2;
	s0 =	simm.s32 @!p0 $0x100;
	[sflag:s24] =	ssyncadd.s32 $0xFFFFC000  }
0x8e: {  	[tilespmem:s0], [sflag:$0x2] =	stream.linear.gather @!p0 [spmem:s18], $0x4000, $0x38;
	[tilespmem:$0x17D00] =	vst v63  }
0x8f: {  	s28 =	sadd.s32 $0x1, s28;
	_ =	swait.ge @!p0 [sflag:s1], $0x4000  }
0x90: {  	p1 =	sne.s32 s28, s20;
	[sflag:s1] =	ssyncset.done @!p0 $0x0  }
.Ltmp2:
0x91: {  	s29 =	simm.s32 @!p0 $0x0;
	[sflag:s1] =	ssyncadd.s32 @!p0 $0xFFFFC000;
	(pc) =	sbr.rel @p1 .LBB2_1-.Ltmp2, $4  }
0x92: {  	[hbm4b:s19+s29] =	stream.linear.scatter @!p0 [tilespmem:s0], [sflag:$0x2], $0x4000, $0x38;
	[tilespmem:$0x17D00] =	vst v63  }
0x93: {  	_ =	swait.ge @!p0 [sflag:s1], $0x4000  }
0x94: {  	[sflag:s1] =	ssyncset.done @!p0 $0x0  }
0x95: {  	[sflag:s1] =	ssyncadd.s32 @!p0 $0xFFFFC000  }
0x96: {  	_ =	sfence.sel $0x180000  }
0x97: {  	[bflag:$0x0] =	sbarrier.arrive $0xFFFF  }
0x98: {  	_ =	strace $0x9000004A  }
0x99: {  	s0 =	stileid.u32;
	[bflag:$0x2] =	sbarrier.arrive $0xFFFF  }
0x9a: {  	p0 =	sne.s32 s0, $0x0;
	s0 =	rddreg [dreg:$0x3]  }
0x9b: {  	s0 =	sadd.s32 @!p0 $0x100000, s0  }
0x9c: {  	[sflag:s0] =	ssyncadd.tile.s32 @!p0 $0x1;
	_ =	shalt  }
.Lfunc_end2:
_tile_overlayer_lowered:
.L_overlay_start_2:
0x9d: {  	(tag) =	ssettag $0x2  }
0x9e: {  	s0 =	rddreg [dreg:$0x0];
	s2 =	stileid.u32  }
0x9f: {  	s1 =	rddreg [dreg:$0x1];
	p0 =	sne.s32 s2, $0x0  }
0xa0: {  	s3 =	rddreg [dreg:$0x2];
	[bflag:$0x3] =	sbarrier.arrive $0xFFFF;
	s2 =	simm.s32 @!p0 $0x1C02  }
0xa1: {  	[timem:s3], [sflag:s2] =	dma.local @!p0 [hbm:s0], s1  }
0xa2: {  	s0 =	simm.s32 @!p0 $0x2  }
0xa3: {  	_ =	swait.ge @!p0 [sflag:s0], s1  }
0xa4: {  	s1 =	ssub.s32 @!p0 $0x0, s1;
	[sflag:s0] =	ssyncset.done @!p0 $0x0  }
0xa5: {  	[sflag:s0] =	ssyncadd.s32 @!p0 s1  }
0xa6: {  	[bflag:$0x3] =	sbarrier.arrive $0xFFFF  }
0xa7: {  	_ =	shalt  }

// kernel: kernel.14.cloned.1.call-start
scs
__scs_entry_jumppad:
0x0: {  	(pc) =	sbr.rel $0x88, $3  }
0x1: {  	(tag) =	ssettag $0x0;
	lr =	simm.s32 $0x1  }
0x2: {  	[smem:$0x3F93] =	sst lr;
	_ =	strace $0xD0000000  }
0x3: {  	_ = 	snop  }
0x4: {  	_ = 	snop  }
0x5: {  	_ = 	snop  }
0x6: {  	_ = 	snop  }
0x7: {  	_ = 	snop  }
__scs_overlays_trampoline_lowered:
0x8: {  	[smem:$0x3FA2] =	sst s0  }
0x9: {  	[smem:$0x3FA3] =	sst s1  }
0xa: {  	[smem:$0x3FA4] =	sst s2  }
0xb: {  	[smem:$0x3FA5] =	sst s3  }
0xc: {  	[smem:$0x3FA6] =	sst s4  }
0xd: {  	[smem:$0x3FA7] =	sst s5  }
0xe: {  	[smem:$0x3FA8] =	sst s6  }
0xf: {  	[smem:$0x3FA9] =	sst s7  }
0x10: {  	[smem:$0x3FAA] =	sst s8  }
0x11: {  	[smem:$0x3FAB] =	sst s9;
	s0 =	simm.s32 @!p0 $0x0  }
0x12: {  	s1 =	sld [smem:$0x3F91];
	s0 =	simm.s32 @p0 $0x1  }
0x13: {  	[smem:$0x3FAC] =	sst s0;
	s0 =	simm.s32 @!p1 $0x0  }
0x14: {  	s2 =	sld [smem:$0x3F90];
	s0 =	simm.s32 @p1 $0x1  }
0x15: {  	[smem:$0x3FAD] =	sst s0;
	s0 =	simm.s32 @!p2 $0x0  }
0x16: {  	s3 =	sld [smem:$0x3FDB];
	s0 =	simm.s32 @p2 $0x1  }
0x17: {  	s4 =	simm.s32 $0x1BF5;
	[smem:$0x3FAF] =	sst s0  }
0x18: {  	s0 =	sld [smem:$0x3F92];
	_ =	swait.ge [sflag:s4], $0x0  }
0x19: {  	s7 =	sld [smem:$0x3F93]  }
0x1a: {  	s8 =	sadd.s32 $0xFFFFE003, lr  }
0x1b: {  	s9 =	sadd.s32 $0xFFFFFEF7, lr;
	s5 =	simm.s32 $0xFFFFFFFF;
	p2 =	slt.u32 s8, $0xFFFFF086  }
0x1c: {  	p1 =	slt.u32 s9, $0xF7A;
	s5 =	simm.s32 @!p2 $0x0  }
0x1d: {  	s5 =	simm.s32 @p1 $0x1;
	p0 =	seq.s32 s7, s2  }
0x1e: {  	s7 =	smul.u32 @!p0 $0xF7A, s2;
	p2 =	seq.s32 @!p0 s5, $0x0  }
0x1f: {  	s9 =	smul.u32 $0xF7A, s1;
	s8 =	simm.s32 @!p0 $0x1BF5;
	p2 =	por !p2, p0  }
0x20: {  	[sflag:s8] =	ssyncset.s32 @!p0 $0xFFFFF086;
	s6 =	sadd.s32 @!p0 s3, s7;
	s7 =	simm.s32 @!p0 $0x108  }
0x21: {  	s3 =	sadd.s32 s3, s9;
	s6 =	sadd.s32 @!p0 $0x88, s6;
	s7 =	simm.s32 @p2 $0x1082  }
0x22: {  	[simem:s7], [sflag:s8] =	dma.local @!p0 [hbm:s6], $0xF7A  }
0x23: {  	s9 =	sor.u32 $0xD0000000, s2;
	s6 =	simm.s32 $0x108;
	_ =	swait.ge @!p0 [sflag:s8], $0x0  }
0x24: {  	s3 =	sadd.s32 $0x88, s3;
	s6 =	simm.s32 @!p1 $0x1082;
	[sflag:s4] =	ssyncset.s32 $0xFFFFF086  }
0x25: {  	[simem:s6], [sflag:s4] =	dma.local [hbm:s3], $0xF7A  }
0x26: {  	[smem:$0x3F93] =	sst s1;
	(tag) =	ssettag s2;
	_ =	strace s9  }
0x27: {  	s1 =	sld [smem:$0x3FA3]  }
0x28: {  	s2 =	sld [smem:$0x3FA4]  }
0x29: {  	s4 =	sld [smem:$0x3FA6]  }
0x2a: {  	p0 =	seq.s32 s5, $0x0;
	s5 =	sld [smem:$0x3FA7]  }
0x2b: {  	s6 =	sld [smem:$0x3FA8]  }
0x2c: {  	s7 =	sld [smem:$0x3FA9]  }
0x2d: {  	s3 =	simm.s32 $0x108;
	s8 =	sld [smem:$0x3FAA]  }
0x2e: {  	s3 =	simm.s32 @!p0 $0x1082;
	s9 =	sld [smem:$0x3FAB]  }
0x2f: {  	lr =	sadd.s32 s0, s3;
	s0 =	sld [smem:$0x3FA2]  }
0x30: {  	s3 =	sld [smem:$0x3FA5]  }
0x31: {  	[smem:$0x3FAE] =	sst s10  }
0x32: {  	s10 =	sld [smem:$0x3FAC];
	_ =	sdelay $0x3  }
0x33: {  	p0 =	seq.s32 s10, $0x1;
	s10 =	sld [smem:$0x3FAE];
	_ =	sdelay $0x3  }
0x34: {  	[smem:$0x3FAE] =	sst s10  }
0x35: {  	s10 =	sld [smem:$0x3FAD];
	_ =	sdelay $0x3  }
0x36: {  	p1 =	seq.s32 s10, $0x1;
	s10 =	sld [smem:$0x3FAE];
	_ =	sdelay $0x3  }
0x37: {  	[smem:$0x3FAE] =	sst s10  }
0x38: {  	s10 =	sld [smem:$0x3FAF]  }
0x39: {  	_ = 	snop;
	(pc) =	sbr.ind lr, $3  }
0x3a: {  	_ = 	snop  }
0x3b: {  	_ = 	snop  }
0x3c: {  	p2 =	seq.s32 s10, $0x1;
	s10 =	sld [smem:$0x3FAE]  }
0x3d: {  	_ =	shalt  }
0x3e: {  	_ =	shalt  }
0x3f: {  	_ =	shalt  }
0x40: {  	_ =	shalt  }
0x41: {  	_ =	shalt  }
0x42: {  	_ =	shalt  }
0x43: {  	_ =	shalt  }
0x44: {  	_ =	shalt  }
0x45: {  	_ =	shalt  }
0x46: {  	_ =	shalt  }
0x47: {  	_ =	shalt  }
0x48: {  	_ =	shalt  }
0x49: {  	_ =	shalt  }
0x4a: {  	_ =	shalt  }
0x4b: {  	_ =	shalt  }
0x4c: {  	_ =	shalt  }
0x4d: {  	_ =	shalt  }
0x4e: {  	_ =	shalt  }
0x4f: {  	_ =	shalt  }
0x50: {  	_ =	shalt  }
0x51: {  	_ =	shalt  }
0x52: {  	_ =	shalt  }
0x53: {  	_ =	shalt  }
0x54: {  	_ =	shalt  }
0x55: {  	_ =	shalt  }
0x56: {  	_ =	shalt  }
0x57: {  	_ =	shalt  }
0x58: {  	_ =	shalt  }
0x59: {  	_ =	shalt  }
0x5a: {  	_ =	shalt  }
0x5b: {  	_ =	shalt  }
0x5c: {  	_ =	shalt  }
0x5d: {  	_ =	shalt  }
0x5e: {  	_ =	shalt  }
0x5f: {  	_ =	shalt  }
0x60: {  	_ =	shalt  }
0x61: {  	_ =	shalt  }
0x62: {  	_ =	shalt  }
0x63: {  	_ =	shalt  }
0x64: {  	_ =	shalt  }
0x65: {  	_ =	shalt  }
0x66: {  	_ =	shalt  }
0x67: {  	_ =	shalt  }
0x68: {  	_ =	shalt  }
0x69: {  	_ =	shalt  }
0x6a: {  	_ =	shalt  }
0x6b: {  	_ =	shalt  }
0x6c: {  	_ =	shalt  }
0x6d: {  	_ =	shalt  }
0x6e: {  	_ =	shalt  }
0x6f: {  	_ =	shalt  }
0x70: {  	_ =	shalt  }
0x71: {  	_ =	shalt  }
0x72: {  	_ =	shalt  }
0x73: {  	_ =	shalt  }
0x74: {  	_ =	shalt  }
0x75: {  	_ =	shalt  }
0x76: {  	_ =	shalt  }
0x77: {  	_ =	shalt  }
0x78: {  	_ =	shalt  }
0x79: {  	_ =	shalt  }
0x7a: {  	_ =	shalt  }
0x7b: {  	_ =	shalt  }
0x7c: {  	_ =	shalt  }
0x7d: {  	_ =	shalt  }
0x7e: {  	_ =	shalt  }
0x7f: {  	_ =	shalt  }
0x80: {  	_ =	shalt  }
0x81: {  	_ =	shalt  }
0x82: {  	_ =	shalt  }
0x83: {  	_ =	shalt  }
0x84: {  	_ =	shalt  }
0x85: {  	_ =	shalt  }
0x86: {  	_ =	shalt  }
0x87: {  	_ =	shalt  }
.Lfunc_end0:
.L_simem_size_0:
called_computation.2_lowered:
.L_overlay_start_0:
0x88: {  	s2 =	sld [smem:$0x3FD9]  }
0x89: {  	s3 =	sld [smem:$0x3FFE];
	_ =	sdelay $0x1  }
0x8a: {  	s1 =	srdreg.scid  }
0x8b: {  	s0 =	sand.u32 $0x1, s1  }
0x8c: {  	s17 =	sshll.u32 s0, $0xA;
	s2 =	sadd.s32 s3, s2  }
0x8d: {  	s2 =	sadd.s32 s2, s17  }
0x8e: {  	[smem:$0x3FBA] =	sst s2  }
0x8f: {  	_ = 	snop  }
0x90: {  	s2 =	sld [smem:$0x3FD0];
	(tm) =	ssettm $0x1  }
0x91: {  	s18 =	sld [smem:$0x3FFB];
	_ =	sdelay $0x3  }
0x92: {  	_ =	strace s18  }
0x93: {  	s3 =	sld [smem:$0x3FFC];
	_ =	sdelay $0x3  }
0x94: {  	_ =	strace s3  }
0x95: {  	s3 =	sld [smem:$0x3FFD];
	_ =	sdelay $0x3  }
0x96: {  	_ =	strace s3  }
0x97: {  	_ =	strace $0x8FFFFFFF  }
0x98: {  	s19 =	sld [smem:$0x3FDB];
	_ =	sdelay $0x1  }
0x99: {  	s4 =	simm.s32 $_scs_section_size  }
0x9a: {  	s5 =	simm.s32 $_size__tile_overlayer_lowered;
	s6 =	simm.s32 $_tile_overlayer_lowered  }
0x9b: {  	s22 =	simm.s32 $0x1BFF;
	s21 =	sshll.u32 s6, $0x1;
	s3 =	sadd.s32 s4, s19  }
0x9c: {  	s7 =	simm.s32 $0x0;
	s20 =	sshll.u32 s5, $0x1;
	s5 =	sadd.s32 s21, s3  }
0x9d: {  	[timem:s7], [sflag:s22] =	dma.local [hbm:s5], s20  }
0x9e: {  	_ =	swait.ge [sflag:s22], s20  }
0x9f: {  	s4 =	ssub.s32 $0x0, s20;
	[sflag:s22] =	ssyncset.done $0x0  }
0xa0: {  	[sflag:s22] =	ssyncadd.s32 s4;
	_ =	sdelay $0x1  }
0xa1: {  	s23 =	simm.s32 $0x1B8B  }
0xa2: {  	_ =	swait.ge [sflag:s23], $0x1  }
0xa3: {  	[sflag:s23] =	ssyncset.done $0x0  }
0xa4: {  	s25 =	simm.s32 $0x1B8E;
	s24 =	sld [smem:$0x3FFE];
	[sflag:s23] =	ssyncadd.s32 $0xFFFFFFFF  }
0xa5: {  	s26 =	simm.s32 $execute0_lowered;
	[smem:$0x3FD2] =	sst s25  }
0xa6: {  	s5 =	sshll.u32 s26, $0x1;
	_ =	strace $0x8000004C;
	[dreg:$0x1] =	wrdreg $0xFFFFFFFF  }
0xa7: {  	s28 =	simm.s32 $_size_execute0_lowered;
	s3 =	sadd.s32 s3, s5;
	[dreg:$0x0] =	wrdreg $0x0  }
0xa8: {  	s5 =	sshll.u32 s28, $0x1;
	[dreg:$0x2] =	wrdreg s3  }
0xa9: {  	[dreg:$0x3] =	wrdreg s5  }
0xaa: {  	[dreg:$0x4] =	wrdreg $0xC0  }
0xab: {  	_ =	task [dreg:s7], $0x5FFFF  }
0xac: {  	[dreg:$0x1] =	wrdreg $0xFFFFFFFF  }
0xad: {  	[dreg:$0x0] =	wrdreg $0x60  }
0xae: {  	[dreg:$0x2] =	wrdreg s24  }
0xaf: {  	[dreg:$0x3] =	wrdreg s2  }
0xb0: {  	[dreg:$0x4] =	wrdreg $0x41000  }
0xb1: {  	[dreg:$0x5] =	wrdreg $0x9  }
0xb2: {  	_ =	task.clear_ibuf [dreg:s7], $0x6FFFF;
	_ =	strace $0x9000004C  }
0xb3: {  	s29 =	simm.s32 $0x9;
	_ =	strace $0x8000004E  }
0xb4: {  	_ =	swait.ge [sflag:s29], $0x1  }
0xb5: {  	[sflag:s29] =	ssyncadd.s32 $0xFFFFFFFF  }
0xb6: {  	_ =	strace $0x9000004E  }
0xb7: {  	_ =	sfence  }
0xb8: {  	s30 =	sld [smem:$0x0];
	_ =	sdelay $0x2  }
0xb9: {  	s31 =	sshll.u32 s1, $0xD;
	s1 =	sshrl.u32 s1, $0x2  }
0xba: {  	s3 =	sand.u32 $0x4000, s31;
	s1 =	sadd.s32 s1, s30  }
0xbb: {  	s0 =	sor.u32 s3, s0;
	s1 =	sshll.u32 s1, $0x11  }
0xbc: {  	s0 =	sor.u32 s1, s0  }
0xbd: {  	s0 =	sadd.s32 $0x8F2B, s0  }
0xbe: {  	[sflag:s0] =	ssyncadd.remote.s32 $0x1  }
0xbf: {  	_ =	sfence.sel $0xFFFF  }
0xc0: {  	[dreg:$0x0] =	wrdreg $0xFFFFFFFF;
	(pc) =	sbr.abs _section_cstart, $3  }
0xc1: {  	[dreg:$0x1] =	wrdreg $0xFFFFFFFF  }
0xc2: {  	_ =	task.clear_ibuf [dreg:s7], $0x2FFFF;
	_ =	strace $0x9FFFFFFF  }
0xc3: {  	(tm) =	ssettm $0x7FFFFFFF  }
tec
execute0_lowered:
.L_overlay_start_1:
0x0: {  	(tag) =	ssettag $0x1  }
0x1: {  	s5 =	rddreg [dreg:$0x0]  }
0x2: {  	s19 =	rddreg [dreg:$0x1]  }
0x3: {  	s2 =	rddreg [dreg:$0x2];
	s3 =	simm.s32 $0x0;
	s4 =	srdreg.scid  }
0x4: {  	s0 =	stileid.u32;
	s25 =	simm.s32 $0x80;
	s28 =	simm.s32 $0x0  }
0x5: {  	[smem:$0x7FF] =	sst s3;
	s7 =	sand.u32 $0x1, s4;
	s6 =	smul.u32 $0x4F000, s0  }
0x6: {  	s4 =	sadd.s32 $0x3D600, s5;
	s17 =	sshll.u32 s0, $0xE;
	s24 =	smul.u32 $0x9D0, s0  }
0x7: {  	p0 =	seq.s32 s0, $0xF;
	_ =	strace $0x8000004D;
	s8 =	smul.u32 $0x9D00, s7  }
0x8: {  	s9 =	ssub.s32 $0x2, s7;
	s16 =	smul.u32 $0x13C000, s7;
	s12 =	sor.u32 $0x40000, s17  }
0x9: {  	s10 =	sadd.s32 s17, s2;
	s14 =	sor.u32 $0x80000, s17;
	s18 =	sor.u32 $0xC0000, s17  }
0xa: {  	s23 =	sor.u32 $0x100000, s17;
	s6 =	sshrl.u32 s6, $0x2;
	s26 =	sshrl.u32 s9, $0x1  }
0xb: {  	s20 =	sadd.s32 s8, s5;
	s5 =	sadd.s32 s6, s2;
	s21 =	ssub.s32 s9, s26  }
0xc: {  	s11 =	sadd.s32 s16, s17;
	s13 =	sadd.s32 s16, s12;
	s12 =	sadd.s32 s12, s2  }
0xd: {  	s15 =	sadd.s32 s16, s14;
	s14 =	sadd.s32 s14, s2;
	s22 =	sadd.s32 s16, s18  }
0xe: {  	s30 =	sadd.s32 s16, s23;
	s16 =	sadd.s32 s18, s2;
	s18 =	sadd.s32 s23, s2  }
0xf: {  	s23 =	simm.s32 $0x100;
	s26 =	simm.s32 $0x1;
	s6 =	sadd.s32 $0x4000, s5  }
0x10: {  	s7 =	sadd.s32 $0x8000, s5;
	s8 =	sadd.s32 $0xC000, s5;
	s9 =	sadd.s32 $0x10000, s5  }
0x11: {  	s11 =	sshrl.u32 s11, $0x3;
	s13 =	sshrl.u32 s13, $0x3;
	s15 =	sshrl.u32 s15, $0x3  }
0x12: {  	s29 =	sshrl.u32 s22, $0x3;
	s22 =	sshrl.u32 s30, $0x3;
	s31 =	sadd.s32 s24, s20  }
0x13: {  	s20 =	smax.u32 s21, $0x1;
	s24 =	simm.s32 $0x2;
	s11 =	sadd.s32 s19, s11  }
0x14: {  	s13 =	sadd.s32 s19, s13;
	s15 =	sadd.s32 s19, s15;
	s17 =	sadd.s32 s19, s29  }
0x15: {  	v0 =	vimm.f32 $0.0e+00;
	s19 =	sadd.s32 s19, s22;
	s21 =	sadd.s32 $0x16200, s31;
	s22 =	sadd.s32 $0x29C00, s31  }
.LBB2_1:
0x16: {  	s29 =	simm.s32 $0x0;
	s30 =	simm.s32 $0x200  }
.LBB2_2:
0x17: {  	p1 =	sne.s32 s30, $0xFE00;
	[tilespmem:s29+$0x170] =	vst v0  }
0x18: {  	[tilespmem:s29+$0x100] =	vst v0  }
0x19: {  	[tilespmem:s29+$0x110] =	vst v0  }
.Ltmp0:
0x1a: {  	[tilespmem:s29+$0x120] =	vst v0;
	(pc) =	sbr.rel @p1 .LBB2_2-.Ltmp0, $4  }
0x1b: {  	[tilespmem:s29+$0x130] =	vst v0  }
0x1c: {  	[tilespmem:s29+$0x140] =	vst v0  }
0x1d: {  	[tilespmem:s29+$0x150] =	vst v0  }
0x1e: {  	[tilespmem:s29+$0x160] =	vst v0;
	s29 =	sshra.s32 s30, $0x2;
	s30 =	sadd.s32 $0x200, s30  }
0x1f: {  	[tilespmem:s29+$0x170] =	vst v0  }
0x20: {  	[tilespmem:s29+$0x100] =	vst v0  }
0x21: {  	[tilespmem:s29+$0x110] =	vst v0  }
0x22: {  	[tilespmem:s29+$0x120] =	vst v0  }
0x23: {  	[tilespmem:s29+$0x130] =	vst v0  }
0x24: {  	[tilespmem:s29+$0x140] =	vst v0  }
0x25: {  	[tilespmem:s29+$0x150] =	vst v0  }
0x26: {  	[tilespmem:s29+$0x160] =	vst v0  }
0x27: {  	[spmem:s5] =	stream.linear.scatter [tilespmem:s23], [sflag:$0x2], $0x4000, $0x38;
	[tilespmem:$0x17D00] =	vst v63  }
0x28: {  	_ =	swait.ge [sflag:s24], $0x4000  }
0x29: {  	[sflag:s24] =	ssyncset.done $0x0  }
0x2a: {  	[sflag:s24] =	ssyncadd.s32 $0xFFFFC000  }
0x2b: {  	[spmem:s6] =	stream.linear.scatter [tilespmem:s23], [sflag:$0x2], $0x4000, $0x38;
	[tilespmem:$0x17D00] =	vst v63  }
0x2c: {  	_ =	swait.ge [sflag:s24], $0x4000  }
0x2d: {  	[sflag:s24] =	ssyncset.done $0x0  }
0x2e: {  	[sflag:s24] =	ssyncadd.s32 $0xFFFFC000  }
0x2f: {  	[spmem:s7] =	stream.linear.scatter [tilespmem:s23], [sflag:$0x2], $0x4000, $0x38;
	[tilespmem:$0x17D00] =	vst v63  }
0x30: {  	_ =	swait.ge [sflag:s24], $0x4000  }
0x31: {  	[sflag:s24] =	ssyncset.done $0x0  }
0x32: {  	[sflag:s24] =	ssyncadd.s32 $0xFFFFC000  }
0x33: {  	[spmem:s8] =	stream.linear.scatter [tilespmem:s23], [sflag:$0x2], $0x4000, $0x38;
	[tilespmem:$0x17D00] =	vst v63  }
0x34: {  	_ =	swait.ge [sflag:s24], $0x4000  }
0x35: {  	[sflag:s24] =	ssyncset.done $0x0  }
0x36: {  	[sflag:s24] =	ssyncadd.s32 $0xFFFFC000  }
0x37: {  	[spmem:s9] =	stream.linear.scatter [tilespmem:s23], [sflag:$0x2], $0x3C00, $0x38;
	[tilespmem:$0x17D00] =	vst v63  }
0x38: {  	_ =	swait.ge [sflag:s24], $0x3C00  }
0x39: {  	[sflag:s24] =	ssyncset.done $0x0  }
0x3a: {  	[sflag:s24] =	ssyncadd.s32 $0xFFFFC400  }
0x3b: {  	s29 =	sadd.s32 $0x0, s22;
	[bflag:$0x0] =	sbarrier.arrive $0xFFFF  }
0x3c: {  	[tilespmem:s3], [sflag:$0x2] =	stream.linear.gather [hbm4b:s29+s3], $0x80, $0x38;
	[tilespmem:$0x17D00] =	vst v63  }
0x3d: {  	_ =	swait.ge [sflag:s24], $0x80  }
0x3e: {  	[sflag:s24] =	ssyncset.done $0x0  }
0x3f: {  	s29 =	sadd.s32 $0x0, s21;
	[sflag:s24] =	ssyncadd.s32 $0xFFFFFF80  }
0x40: {  	[tilespmem:s25], [sflag:$0x2] =	stream.linear.gather [hbm4b:s29+s3], $0x80, $0x38;
	[tilespmem:$0x17D00] =	vst v63  }
0x41: {  	_ =	swait.ge [sflag:s24], $0x80  }
0x42: {  	[sflag:s24] =	ssyncset.done $0x0  }
0x43: {  	[sflag:s24] =	ssyncadd.s32 $0xFFFFFF80  }
0x44: {  	[tilespmem:s23], [sflag:$0x1] =	stream.indirect.gather [hbm4b:s4+s25], $0x80, s3, s25, $0xb8;
	[tilespmem:$0x17D00] =	vst v63  }
0x45: {  	_ =	swait.ge [sflag:s26], $0x4000  }
0x46: {  	[sflag:s26] =	ssyncset.done $0x0  }
0x47: {  	[sflag:s26] =	ssyncadd.s32 $0xFFFFC000  }
0x48: {  	[spmem:s2] =	stream.indirect.scatter.add.f32 [tilespmem:s23], [sflag:$0x2], $0x80, s25, s25, $0xb8;
	[tilespmem:$0x17D00] =	vst v63  }
0x49: {  	_ =	swait.ge [sflag:s24], $0x4000  }
0x4a: {  	s30 =	simm.s32 $0x20;
	s29 =	simm.s32 $0x10;
	[sflag:s24] =	ssyncset.done $0x0  }
.LBB2_4:
0x4b: {  	s31 =	sadd.s32 s29, s22  }
0x4c: {  	[sflag:s24] =	ssyncadd.s32 $0xFFFFC000;
	s0 =	smov.u32 s30;
	s1 =	sadd.s32 $0x10, s30  }
0x4d: {  	[tilespmem:s3], [sflag:$0x2] =	stream.linear.gather [hbm4b:s31+s3], $0x80, $0x38;
	[tilespmem:$0x17D00] =	vst v63  }
0x4e: {  	p1 =	sne.s32 s30, $0x9C0;
	_ =	swait.ge [sflag:s24], $0x80  }
0x4f: {  	[sflag:s24] =	ssyncset.done $0x0  }
0x50: {  	s30 =	sadd.s32 s29, s21;
	s29 =	smov.u32 s0;
	[sflag:s24] =	ssyncadd.s32 $0xFFFFFF80  }
0x51: {  	[tilespmem:s25], [sflag:$0x2] =	stream.linear.gather [hbm4b:s30+s3], $0x80, $0x38;
	[tilespmem:$0x17D00] =	vst v63  }
0x52: {  	_ =	swait.ge [sflag:s24], $0x80  }
0x53: {  	[sflag:s24] =	ssyncset.done $0x0  }
0x54: {  	[sflag:s24] =	ssyncadd.s32 $0xFFFFFF80  }
0x55: {  	[tilespmem:s23], [sflag:$0x1] =	stream.indirect.gather [hbm4b:s4+s25], $0x80, s3, s25, $0xb8;
	[tilespmem:$0x17D00] =	vst v63  }
0x56: {  	_ =	swait.ge [sflag:s26], $0x4000  }
.Ltmp1:
0x57: {  	[sflag:s26] =	ssyncset.done $0x0;
	(pc) =	sbr.rel @p1 .LBB2_4-.Ltmp1, $4  }
0x58: {  	[sflag:s26] =	ssyncadd.s32 $0xFFFFC000  }
0x59: {  	[spmem:s2] =	stream.indirect.scatter.add.f32 [tilespmem:s23], [sflag:$0x2], $0x80, s25, s25, $0xb8;
	[tilespmem:$0x17D00] =	vst v63  }
0x5a: {  	_ =	swait.ge [sflag:s24], $0x4000  }
0x5b: {  	s30 =	smov.u32 s1;
	[sflag:s24] =	ssyncset.done $0x0  }
0x5c: {  	s0 =	sadd.s32 s29, s22;
	[sflag:s24] =	ssyncadd.s32 $0xFFFFC000  }
0x5d: {  	[tilespmem:s3], [sflag:$0x2] =	stream.linear.gather [hbm4b:s0+s3], $0x80, $0x38;
	[tilespmem:$0x17D00] =	vst v63  }
0x5e: {  	_ =	swait.ge [sflag:s24], $0x80  }
0x5f: {  	[sflag:s24] =	ssyncset.done $0x0  }
0x60: {  	s31 =	sadd.s32 s29, s21;
	[sflag:s24] =	ssyncadd.s32 $0xFFFFFF80  }
0x61: {  	[tilespmem:s25], [sflag:$0x2] =	stream.linear.gather [hbm4b:s31+s3], $0x80, $0x38;
	[tilespmem:$0x17D00] =	vst v63  }
0x62: {  	_ =	swait.ge [sflag:s24], $0x80  }
0x63: {  	[sflag:s24] =	ssyncset.done $0x0  }
0x64: {  	[sflag:s24] =	ssyncadd.s32 $0xFFFFFF80  }
0x65: {  	[tilespmem:s23], [sflag:$0x1] =	stream.indirect.gather [hbm4b:s4+s25], $0x80, s3, s25, $0xb8;
	[tilespmem:$0x17D00] =	vst v63  }
0x66: {  	_ =	swait.ge [sflag:s26], $0x4000  }
0x67: {  	[sflag:s26] =	ssyncset.done $0x0  }
0x68: {  	[sflag:s26] =	ssyncadd.s32 $0xFFFFC000  }
0x69: {  	[spmem:s2] =	stream.indirect.scatter.add.f32 [tilespmem:s23], [sflag:$0x2], $0x80, s25, s25, $0xb8;
	[tilespmem:$0x17D00] =	vst v63  }
0x6a: {  	_ =	swait.ge [sflag:s24], $0x4000  }
0x6b: {  	[sflag:s24] =	ssyncset.done $0x0  }
0x6c: {  	[sflag:s24] =	ssyncadd.s32 $0xFFFFC000  }
0x6d: {  	[bflag:$0x0] =	sbarrier.arrive $0xFFFF  }
0x6e: {  	[tilespmem:s23], [sflag:$0x2] =	stream.linear.gather [spmem:s10], $0x4000, $0x38;
	[tilespmem:$0x17D00] =	vst v63  }
0x6f: {  	_ =	swait.ge [sflag:s24], $0x4000  }
0x70: {  	[sflag:s24] =	ssyncset.done $0x0  }
0x71: {  	[sflag:s24] =	ssyncadd.s32 $0xFFFFC000  }
0x72: {  	[hbm4b:s11+s3] =	stream.linear.scatter [tilespmem:s23], [sflag:$0x2], $0x4000, $0x38;
	[tilespmem:$0x17D00] =	vst v63  }
0x73: {  	_ =	swait.ge [sflag:s24], $0x4000  }
0x74: {  	[sflag:s24] =	ssyncset.done $0x0  }
0x75: {  	[sflag:s24] =	ssyncadd.s32 $0xFFFFC000  }
0x76: {  	[tilespmem:s23], [sflag:$0x2] =	stream.linear.gather [spmem:s12], $0x4000, $0x38;
	[tilespmem:$0x17D00] =	vst v63  }
0x77: {  	_ =	swait.ge [sflag:s24], $0x4000  }
0x78: {  	[sflag:s24] =	ssyncset.done $0x0  }
0x79: {  	[sflag:s24] =	ssyncadd.s32 $0xFFFFC000  }
0x7a: {  	[hbm4b:s13+s3] =	stream.linear.scatter [tilespmem:s23], [sflag:$0x2], $0x4000, $0x38;
	[tilespmem:$0x17D00] =	vst v63  }
0x7b: {  	_ =	swait.ge [sflag:s24], $0x4000  }
0x7c: {  	[sflag:s24] =	ssyncset.done $0x0  }
0x7d: {  	[sflag:s24] =	ssyncadd.s32 $0xFFFFC000  }
0x7e: {  	[tilespmem:s23], [sflag:$0x2] =	stream.linear.gather [spmem:s14], $0x4000, $0x38;
	[tilespmem:$0x17D00] =	vst v63  }
0x7f: {  	_ =	swait.ge [sflag:s24], $0x4000  }
0x80: {  	[sflag:s24] =	ssyncset.done $0x0  }
0x81: {  	[sflag:s24] =	ssyncadd.s32 $0xFFFFC000  }
0x82: {  	[hbm4b:s15+s3] =	stream.linear.scatter [tilespmem:s23], [sflag:$0x2], $0x4000, $0x38;
	[tilespmem:$0x17D00] =	vst v63  }
0x83: {  	_ =	swait.ge [sflag:s24], $0x4000  }
0x84: {  	[sflag:s24] =	ssyncset.done $0x0  }
0x85: {  	[sflag:s24] =	ssyncadd.s32 $0xFFFFC000  }
0x86: {  	[tilespmem:s23], [sflag:$0x2] =	stream.linear.gather [spmem:s16], $0x4000, $0x38;
	[tilespmem:$0x17D00] =	vst v63  }
0x87: {  	_ =	swait.ge [sflag:s24], $0x4000  }
0x88: {  	[sflag:s24] =	ssyncset.done $0x0  }
0x89: {  	[sflag:s24] =	ssyncadd.s32 $0xFFFFC000  }
0x8a: {  	[hbm4b:s17+s3] =	stream.linear.scatter [tilespmem:s23], [sflag:$0x2], $0x4000, $0x38;
	[tilespmem:$0x17D00] =	vst v63  }
0x8b: {  	_ =	swait.ge [sflag:s24], $0x4000  }
0x8c: {  	[sflag:s24] =	ssyncset.done $0x0  }
0x8d: {  	s1 =	simm.s32 @!p0 $0x2;
	s0 =	simm.s32 @!p0 $0x100;
	[sflag:s24] =	ssyncadd.s32 $0xFFFFC000  }
0x8e: {  	[tilespmem:s0], [sflag:$0x2] =	stream.linear.gather @!p0 [spmem:s18], $0x4000, $0x38;
	[tilespmem:$0x17D00] =	vst v63  }
0x8f: {  	s28 =	sadd.s32 $0x1, s28;
	_ =	swait.ge @!p0 [sflag:s1], $0x4000  }
0x90: {  	p1 =	sne.s32 s28, s20;
	[sflag:s1] =	ssyncset.done @!p0 $0x0  }
.Ltmp2:
0x91: {  	s29 =	simm.s32 @!p0 $0x0;
	[sflag:s1] =	ssyncadd.s32 @!p0 $0xFFFFC000;
	(pc) =	sbr.rel @p1 .LBB2_1-.Ltmp2, $4  }
0x92: {  	[hbm4b:s19+s29] =	stream.linear.scatter @!p0 [tilespmem:s0], [sflag:$0x2], $0x4000, $0x38;
	[tilespmem:$0x17D00] =	vst v63  }
0x93: {  	_ =	swait.ge @!p0 [sflag:s1], $0x4000  }
0x94: {  	[sflag:s1] =	ssyncset.done @!p0 $0x0  }
0x95: {  	[sflag:s1] =	ssyncadd.s32 @!p0 $0xFFFFC000  }
0x96: {  	_ =	sfence.sel $0x180000  }
0x97: {  	[bflag:$0x0] =	sbarrier.arrive $0xFFFF  }
0x98: {  	_ =	strace $0x9000004D  }
0x99: {  	s0 =	stileid.u32;
	[bflag:$0x2] =	sbarrier.arrive $0xFFFF  }
0x9a: {  	p0 =	sne.s32 s0, $0x0;
	s0 =	rddreg [dreg:$0x3]  }
0x9b: {  	s0 =	sadd.s32 @!p0 $0x100000, s0  }
0x9c: {  	[sflag:s0] =	ssyncadd.tile.s32 @!p0 $0x1;
	_ =	shalt  }
.Lfunc_end2:
_tile_overlayer_lowered:
.L_overlay_start_2:
0x9d: {  	(tag) =	ssettag $0x2  }
0x9e: {  	s0 =	rddreg [dreg:$0x0];
	s2 =	stileid.u32  }
0x9f: {  	s1 =	rddreg [dreg:$0x1];
	p0 =	sne.s32 s2, $0x0  }
0xa0: {  	s3 =	rddreg [dreg:$0x2];
	[bflag:$0x3] =	sbarrier.arrive $0xFFFF;
	s2 =	simm.s32 @!p0 $0x1C02  }
0xa1: {  	[timem:s3], [sflag:s2] =	dma.local @!p0 [hbm:s0], s1  }
0xa2: {  	s0 =	simm.s32 @!p0 $0x2  }
0xa3: {  	_ =	swait.ge @!p0 [sflag:s0], s1  }
0xa4: {  	s1 =	ssub.s32 @!p0 $0x0, s1;
	[sflag:s0] =	ssyncset.done @!p0 $0x0  }
0xa5: {  	[sflag:s0] =	ssyncadd.s32 @!p0 s1  }
0xa6: {  	[bflag:$0x3] =	sbarrier.arrive $0xFFFF  }
0xa7: {  	_ =	shalt  }

// kernel: kernel.8.cloned.1.call-start
scs
__scs_entry_jumppad:
0x0: {  	(pc) =	sbr.rel $0x88, $3  }
0x1: {  	(tag) =	ssettag $0x0;
	lr =	simm.s32 $0x1  }
0x2: {  	[smem:$0x3F93] =	sst lr;
	_ =	strace $0xD0000000  }
0x3: {  	_ = 	snop  }
0x4: {  	_ = 	snop  }
0x5: {  	_ = 	snop  }
0x6: {  	_ = 	snop  }
0x7: {  	_ = 	snop  }
__scs_overlays_trampoline_lowered:
0x8: {  	[smem:$0x3FA2] =	sst s0  }
0x9: {  	[smem:$0x3FA3] =	sst s1  }
0xa: {  	[smem:$0x3FA4] =	sst s2  }
0xb: {  	[smem:$0x3FA5] =	sst s3  }
0xc: {  	[smem:$0x3FA6] =	sst s4  }
0xd: {  	[smem:$0x3FA7] =	sst s5  }
0xe: {  	[smem:$0x3FA8] =	sst s6  }
0xf: {  	[smem:$0x3FA9] =	sst s7  }
0x10: {  	[smem:$0x3FAA] =	sst s8  }
0x11: {  	[smem:$0x3FAB] =	sst s9;
	s0 =	simm.s32 @!p0 $0x0  }
0x12: {  	s1 =	sld [smem:$0x3F91];
	s0 =	simm.s32 @p0 $0x1  }
0x13: {  	[smem:$0x3FAC] =	sst s0;
	s0 =	simm.s32 @!p1 $0x0  }
0x14: {  	s2 =	sld [smem:$0x3F90];
	s0 =	simm.s32 @p1 $0x1  }
0x15: {  	[smem:$0x3FAD] =	sst s0;
	s0 =	simm.s32 @!p2 $0x0  }
0x16: {  	s3 =	sld [smem:$0x3FDB];
	s0 =	simm.s32 @p2 $0x1  }
0x17: {  	s4 =	simm.s32 $0x1BF5;
	[smem:$0x3FAF] =	sst s0  }
0x18: {  	s0 =	sld [smem:$0x3F92];
	_ =	swait.ge [sflag:s4], $0x0  }
0x19: {  	s7 =	sld [smem:$0x3F93]  }
0x1a: {  	s8 =	sadd.s32 $0xFFFFE003, lr  }
0x1b: {  	s9 =	sadd.s32 $0xFFFFFEF7, lr;
	s5 =	simm.s32 $0xFFFFFFFF;
	p2 =	slt.u32 s8, $0xFFFFF086  }
0x1c: {  	p1 =	slt.u32 s9, $0xF7A;
	s5 =	simm.s32 @!p2 $0x0  }
0x1d: {  	s5 =	simm.s32 @p1 $0x1;
	p0 =	seq.s32 s7, s2  }
0x1e: {  	s7 =	smul.u32 @!p0 $0xF7A, s2;
	p2 =	seq.s32 @!p0 s5, $0x0  }
0x1f: {  	s9 =	smul.u32 $0xF7A, s1;
	s8 =	simm.s32 @!p0 $0x1BF5;
	p2 =	por !p2, p0  }
0x20: {  	[sflag:s8] =	ssyncset.s32 @!p0 $0xFFFFF086;
	s6 =	sadd.s32 @!p0 s3, s7;
	s7 =	simm.s32 @!p0 $0x108  }
0x21: {  	s3 =	sadd.s32 s3, s9;
	s6 =	sadd.s32 @!p0 $0x88, s6;
	s7 =	simm.s32 @p2 $0x1082  }
0x22: {  	[simem:s7], [sflag:s8] =	dma.local @!p0 [hbm:s6], $0xF7A  }
0x23: {  	s9 =	sor.u32 $0xD0000000, s2;
	s6 =	simm.s32 $0x108;
	_ =	swait.ge @!p0 [sflag:s8], $0x0  }
0x24: {  	s3 =	sadd.s32 $0x88, s3;
	s6 =	simm.s32 @!p1 $0x1082;
	[sflag:s4] =	ssyncset.s32 $0xFFFFF086  }
0x25: {  	[simem:s6], [sflag:s4] =	dma.local [hbm:s3], $0xF7A  }
0x26: {  	[smem:$0x3F93] =	sst s1;
	(tag) =	ssettag s2;
	_ =	strace s9  }
0x27: {  	s1 =	sld [smem:$0x3FA3]  }
0x28: {  	s2 =	sld [smem:$0x3FA4]  }
0x29: {  	s4 =	sld [smem:$0x3FA6]  }
0x2a: {  	p0 =	seq.s32 s5, $0x0;
	s5 =	sld [smem:$0x3FA7]  }
0x2b: {  	s6 =	sld [smem:$0x3FA8]  }
0x2c: {  	s7 =	sld [smem:$0x3FA9]  }
0x2d: {  	s3 =	simm.s32 $0x108;
	s8 =	sld [smem:$0x3FAA]  }
0x2e: {  	s3 =	simm.s32 @!p0 $0x1082;
	s9 =	sld [smem:$0x3FAB]  }
0x2f: {  	lr =	sadd.s32 s0, s3;
	s0 =	sld [smem:$0x3FA2]  }
0x30: {  	s3 =	sld [smem:$0x3FA5]  }
0x31: {  	[smem:$0x3FAE] =	sst s10  }
0x32: {  	s10 =	sld [smem:$0x3FAC];
	_ =	sdelay $0x3  }
0x33: {  	p0 =	seq.s32 s10, $0x1;
	s10 =	sld [smem:$0x3FAE];
	_ =	sdelay $0x3  }
0x34: {  	[smem:$0x3FAE] =	sst s10  }
0x35: {  	s10 =	sld [smem:$0x3FAD];
	_ =	sdelay $0x3  }
0x36: {  	p1 =	seq.s32 s10, $0x1;
	s10 =	sld [smem:$0x3FAE];
	_ =	sdelay $0x3  }
0x37: {  	[smem:$0x3FAE] =	sst s10  }
0x38: {  	s10 =	sld [smem:$0x3FAF]  }
0x39: {  	_ = 	snop;
	(pc) =	sbr.ind lr, $3  }
0x3a: {  	_ = 	snop  }
0x3b: {  	_ = 	snop  }
0x3c: {  	p2 =	seq.s32 s10, $0x1;
	s10 =	sld [smem:$0x3FAE]  }
0x3d: {  	_ =	shalt  }
0x3e: {  	_ =	shalt  }
0x3f: {  	_ =	shalt  }
0x40: {  	_ =	shalt  }
0x41: {  	_ =	shalt  }
0x42: {  	_ =	shalt  }
0x43: {  	_ =	shalt  }
0x44: {  	_ =	shalt  }
0x45: {  	_ =	shalt  }
0x46: {  	_ =	shalt  }
0x47: {  	_ =	shalt  }
0x48: {  	_ =	shalt  }
0x49: {  	_ =	shalt  }
0x4a: {  	_ =	shalt  }
0x4b: {  	_ =	shalt  }
0x4c: {  	_ =	shalt  }
0x4d: {  	_ =	shalt  }
0x4e: {  	_ =	shalt  }
0x4f: {  	_ =	shalt  }
0x50: {  	_ =	shalt  }
0x51: {  	_ =	shalt  }
0x52: {  	_ =	shalt  }
0x53: {  	_ =	shalt  }
0x54: {  	_ =	shalt  }
0x55: {  	_ =	shalt  }
0x56: {  	_ =	shalt  }
0x57: {  	_ =	shalt  }
0x58: {  	_ =	shalt  }
0x59: {  	_ =	shalt  }
0x5a: {  	_ =	shalt  }
0x5b: {  	_ =	shalt  }
0x5c: {  	_ =	shalt  }
0x5d: {  	_ =	shalt  }
0x5e: {  	_ =	shalt  }
0x5f: {  	_ =	shalt  }
0x60: {  	_ =	shalt  }
0x61: {  	_ =	shalt  }
0x62: {  	_ =	shalt  }
0x63: {  	_ =	shalt  }
0x64: {  	_ =	shalt  }
0x65: {  	_ =	shalt  }
0x66: {  	_ =	shalt  }
0x67: {  	_ =	shalt  }
0x68: {  	_ =	shalt  }
0x69: {  	_ =	shalt  }
0x6a: {  	_ =	shalt  }
0x6b: {  	_ =	shalt  }
0x6c: {  	_ =	shalt  }
0x6d: {  	_ =	shalt  }
0x6e: {  	_ =	shalt  }
0x6f: {  	_ =	shalt  }
0x70: {  	_ =	shalt  }
0x71: {  	_ =	shalt  }
0x72: {  	_ =	shalt  }
0x73: {  	_ =	shalt  }
0x74: {  	_ =	shalt  }
0x75: {  	_ =	shalt  }
0x76: {  	_ =	shalt  }
0x77: {  	_ =	shalt  }
0x78: {  	_ =	shalt  }
0x79: {  	_ =	shalt  }
0x7a: {  	_ =	shalt  }
0x7b: {  	_ =	shalt  }
0x7c: {  	_ =	shalt  }
0x7d: {  	_ =	shalt  }
0x7e: {  	_ =	shalt  }
0x7f: {  	_ =	shalt  }
0x80: {  	_ =	shalt  }
0x81: {  	_ =	shalt  }
0x82: {  	_ =	shalt  }
0x83: {  	_ =	shalt  }
0x84: {  	_ =	shalt  }
0x85: {  	_ =	shalt  }
0x86: {  	_ =	shalt  }
0x87: {  	_ =	shalt  }
.Lfunc_end0:
.L_simem_size_0:
called_computation_lowered:
.L_overlay_start_0:
0x88: {  	s2 =	sld [smem:$0x3FD9]  }
0x89: {  	s3 =	sld [smem:$0x3FFE];
	_ =	sdelay $0x1  }
0x8a: {  	s1 =	srdreg.scid  }
0x8b: {  	s0 =	sand.u32 $0x1, s1  }
0x8c: {  	s17 =	sshll.u32 s0, $0xA;
	s2 =	sadd.s32 s3, s2  }
0x8d: {  	s2 =	sadd.s32 s2, s17  }
0x8e: {  	[smem:$0x3FBA] =	sst s2  }
0x8f: {  	_ = 	snop  }
0x90: {  	s2 =	sld [smem:$0x3FC9]  }
0x91: {  	s18 =	sld [smem:$0x3FD0];
	(tm) =	ssettm $0x1  }
0x92: {  	s4 =	sld [smem:$0x3FFB];
	_ =	sdelay $0x3  }
0x93: {  	_ =	strace s4  }
0x94: {  	s4 =	sld [smem:$0x3FFC];
	_ =	sdelay $0x3  }
0x95: {  	_ =	strace s4  }
0x96: {  	s4 =	sld [smem:$0x3FFD];
	_ =	sdelay $0x3  }
0x97: {  	_ =	strace s4  }
0x98: {  	_ =	strace $0x8FFFFFFF  }
0x99: {  	s19 =	sld [smem:$0x3FDB];
	_ =	sdelay $0x1  }
0x9a: {  	s5 =	simm.s32 $_scs_section_size  }
0x9b: {  	s6 =	simm.s32 $_size__tile_overlayer_lowered;
	s7 =	simm.s32 $_tile_overlayer_lowered  }
0x9c: {  	s22 =	simm.s32 $0x1BFF;
	s21 =	sshll.u32 s7, $0x1;
	s4 =	sadd.s32 s5, s19  }
0x9d: {  	s8 =	simm.s32 $0x0;
	s20 =	sshll.u32 s6, $0x1;
	s6 =	sadd.s32 s21, s4  }
0x9e: {  	[timem:s8], [sflag:s22] =	dma.local [hbm:s6], s20  }
0x9f: {  	_ =	swait.ge [sflag:s22], s20  }
0xa0: {  	s5 =	ssub.s32 $0x0, s20;
	[sflag:s22] =	ssyncset.done $0x0  }
0xa1: {  	[sflag:s22] =	ssyncadd.s32 s5;
	_ =	sdelay $0x1  }
0xa2: {  	s23 =	simm.s32 $0x1B8B  }
0xa3: {  	_ =	swait.ge [sflag:s23], $0x1  }
0xa4: {  	[sflag:s23] =	ssyncset.done $0x0  }
0xa5: {  	s25 =	simm.s32 $0x1B8E;
	s24 =	sld [smem:$0x3FFE];
	[sflag:s23] =	ssyncadd.s32 $0xFFFFFFFF  }
0xa6: {  	s26 =	simm.s32 $execute0_lowered;
	[smem:$0x3FD2] =	sst s25  }
0xa7: {  	s6 =	sshll.u32 s26, $0x1;
	_ =	strace $0x80000046;
	[dreg:$0x1] =	wrdreg $0xFFFFFFFF  }
0xa8: {  	s28 =	simm.s32 $_size_execute0_lowered;
	s4 =	sadd.s32 s4, s6;
	[dreg:$0x0] =	wrdreg $0x0  }
0xa9: {  	s6 =	sshll.u32 s28, $0x1;
	[dreg:$0x2] =	wrdreg s4  }
0xaa: {  	[dreg:$0x3] =	wrdreg s6  }
0xab: {  	[dreg:$0x4] =	wrdreg $0xC0  }
0xac: {  	_ =	task [dreg:s8], $0x5FFFF  }
0xad: {  	[dreg:$0x1] =	wrdreg $0xFFFFFFFF  }
0xae: {  	[dreg:$0x0] =	wrdreg $0x60  }
0xaf: {  	[dreg:$0x2] =	wrdreg s2  }
0xb0: {  	[dreg:$0x3] =	wrdreg s24  }
0xb1: {  	[dreg:$0x4] =	wrdreg s18  }
0xb2: {  	[dreg:$0x5] =	wrdreg $0x41000  }
0xb3: {  	[dreg:$0x6] =	wrdreg $0x9  }
0xb4: {  	_ =	task.clear_ibuf [dreg:s8], $0x7FFFF;
	_ =	strace $0x90000046  }
0xb5: {  	s29 =	simm.s32 $0x9;
	_ =	strace $0x80000048  }
0xb6: {  	_ =	swait.ge [sflag:s29], $0x1  }
0xb7: {  	[sflag:s29] =	ssyncadd.s32 $0xFFFFFFFF  }
0xb8: {  	_ =	strace $0x90000048  }
0xb9: {  	_ =	sfence  }
0xba: {  	s30 =	sld [smem:$0x0];
	_ =	sdelay $0x2  }
0xbb: {  	s31 =	sshll.u32 s1, $0xD;
	s1 =	sshrl.u32 s1, $0x2  }
0xbc: {  	s3 =	sand.u32 $0x4000, s31;
	s1 =	sadd.s32 s1, s30  }
0xbd: {  	s0 =	sor.u32 s3, s0;
	s1 =	sshll.u32 s1, $0x11  }
0xbe: {  	s0 =	sor.u32 s1, s0  }
0xbf: {  	s0 =	sadd.s32 $0x8F2B, s0  }
0xc0: {  	[sflag:s0] =	ssyncadd.remote.s32 $0x1  }
0xc1: {  	_ =	sfence.sel $0xFFFF  }
0xc2: {  	[dreg:$0x0] =	wrdreg $0xFFFFFFFF;
	(pc) =	sbr.abs _section_cstart, $3  }
0xc3: {  	[dreg:$0x1] =	wrdreg $0xFFFFFFFF  }
0xc4: {  	_ =	task.clear_ibuf [dreg:s8], $0x2FFFF;
	_ =	strace $0x9FFFFFFF  }
0xc5: {  	(tm) =	ssettm $0x7FFFFFFF  }
tec
execute0_lowered:
.L_overlay_start_1:
0x0: {  	(tag) =	ssettag $0x1  }
0x1: {  	s1 =	rddreg [dreg:$0x0]  }
0x2: {  	s5 =	rddreg [dreg:$0x1]  }
0x3: {  	s19 =	rddreg [dreg:$0x2]  }
0x4: {  	s3 =	rddreg [dreg:$0x3];
	s6 =	srdreg.scid  }
0x5: {  	s0 =	stileid.u32;
	s4 =	simm.s32 $0x0;
	s28 =	simm.s32 $0x0  }
0x6: {  	s7 =	sand.u32 $0x1, s6;
	s25 =	smul.u32 $0x4F000, s0;
	[smem:$0x7FF] =	sst s4  }
0x7: {  	s17 =	sshll.u32 s0, $0xE;
	s24 =	smul.u32 $0x4F0, s0;
	p0 =	seq.s32 s0, $0xF  }
0x8: {  	s8 =	smul.u32 $0x4F00, s7;
	_ =	strace $0x80000047;
	s9 =	ssub.s32 $0x2, s7  }
0x9: {  	s16 =	smul.u32 $0x13C000, s7;
	s12 =	sor.u32 $0x40000, s17;
	s10 =	sadd.s32 s17, s3  }
0xa: {  	s14 =	sor.u32 $0x80000, s17;
	s18 =	sor.u32 $0xC0000, s17;
	s23 =	sor.u32 $0x100000, s17  }
0xb: {  	s6 =	sshrl.u32 s25, $0x2;
	s26 =	sshrl.u32 s9, $0x1;
	s25 =	simm.s32 $0x80  }
0xc: {  	s20 =	sadd.s32 s8, s5;
	s5 =	sadd.s32 s6, s3;
	s21 =	ssub.s32 s9, s26  }
0xd: {  	s11 =	sadd.s32 s16, s17;
	s13 =	sadd.s32 s16, s12;
	s12 =	sadd.s32 s12, s3  }
0xe: {  	s15 =	sadd.s32 s16, s14;
	s14 =	sadd.s32 s14, s3;
	s22 =	sadd.s32 s16, s18  }
0xf: {  	s30 =	sadd.s32 s16, s23;
	s16 =	sadd.s32 s18, s3;
	s18 =	sadd.s32 s23, s3  }
0x10: {  	s23 =	simm.s32 $0x100;
	s26 =	simm.s32 $0x1;
	s6 =	sadd.s32 $0x4000, s5  }
0x11: {  	s7 =	sadd.s32 $0x8000, s5;
	s8 =	sadd.s32 $0xC000, s5;
	s9 =	sadd.s32 $0x10000, s5  }
0x12: {  	s11 =	sshrl.u32 s11, $0x3;
	s13 =	sshrl.u32 s13, $0x3;
	s15 =	sshrl.u32 s15, $0x3  }
0x13: {  	s29 =	sshrl.u32 s22, $0x3;
	s22 =	sshrl.u32 s30, $0x3;
	s31 =	sadd.s32 s24, s20  }
0x14: {  	s20 =	smax.u32 s21, $0x1;
	s24 =	simm.s32 $0x2;
	s11 =	sadd.s32 s19, s11  }
0x15: {  	s13 =	sadd.s32 s19, s13;
	s15 =	sadd.s32 s19, s15;
	s17 =	sadd.s32 s19, s29  }
0x16: {  	v0 =	vimm.f32 $0.0e+00;
	s19 =	sadd.s32 s19, s22;
	s21 =	sadd.s32 $0x2600, s31;
	s22 =	sadd.s32 $0xC400, s31  }
.LBB2_1:
0x17: {  	s29 =	simm.s32 $0x0;
	s30 =	simm.s32 $0x200  }
.LBB2_2:
0x18: {  	p1 =	sne.s32 s30, $0xFE00;
	[tilespmem:s29+$0x170] =	vst v0  }
0x19: {  	[tilespmem:s29+$0x100] =	vst v0  }
0x1a: {  	[tilespmem:s29+$0x110] =	vst v0  }
.Ltmp0:
0x1b: {  	[tilespmem:s29+$0x120] =	vst v0;
	(pc) =	sbr.rel @p1 .LBB2_2-.Ltmp0, $4  }
0x1c: {  	[tilespmem:s29+$0x130] =	vst v0  }
0x1d: {  	[tilespmem:s29+$0x140] =	vst v0  }
0x1e: {  	[tilespmem:s29+$0x150] =	vst v0  }
0x1f: {  	[tilespmem:s29+$0x160] =	vst v0;
	s29 =	sshra.s32 s30, $0x2;
	s30 =	sadd.s32 $0x200, s30  }
0x20: {  	[tilespmem:s29+$0x170] =	vst v0  }
0x21: {  	[tilespmem:s29+$0x100] =	vst v0  }
0x22: {  	[tilespmem:s29+$0x110] =	vst v0  }
0x23: {  	[tilespmem:s29+$0x120] =	vst v0  }
0x24: {  	[tilespmem:s29+$0x130] =	vst v0  }
0x25: {  	[tilespmem:s29+$0x140] =	vst v0  }
0x26: {  	[tilespmem:s29+$0x150] =	vst v0  }
0x27: {  	[tilespmem:s29+$0x160] =	vst v0  }
0x28: {  	[spmem:s5] =	stream.linear.scatter [tilespmem:s23], [sflag:$0x2], $0x4000, $0x38;
	[tilespmem:$0x17D00] =	vst v63  }
0x29: {  	_ =	swait.ge [sflag:s24], $0x4000  }
0x2a: {  	[sflag:s24] =	ssyncset.done $0x0  }
0x2b: {  	[sflag:s24] =	ssyncadd.s32 $0xFFFFC000  }
0x2c: {  	[spmem:s6] =	stream.linear.scatter [tilespmem:s23], [sflag:$0x2], $0x4000, $0x38;
	[tilespmem:$0x17D00] =	vst v63  }
0x2d: {  	_ =	swait.ge [sflag:s24], $0x4000  }
0x2e: {  	[sflag:s24] =	ssyncset.done $0x0  }
0x2f: {  	[sflag:s24] =	ssyncadd.s32 $0xFFFFC000  }
0x30: {  	[spmem:s7] =	stream.linear.scatter [tilespmem:s23], [sflag:$0x2], $0x4000, $0x38;
	[tilespmem:$0x17D00] =	vst v63  }
0x31: {  	_ =	swait.ge [sflag:s24], $0x4000  }
0x32: {  	[sflag:s24] =	ssyncset.done $0x0  }
0x33: {  	[sflag:s24] =	ssyncadd.s32 $0xFFFFC000  }
0x34: {  	[spmem:s8] =	stream.linear.scatter [tilespmem:s23], [sflag:$0x2], $0x4000, $0x38;
	[tilespmem:$0x17D00] =	vst v63  }
0x35: {  	_ =	swait.ge [sflag:s24], $0x4000  }
0x36: {  	[sflag:s24] =	ssyncset.done $0x0  }
0x37: {  	[sflag:s24] =	ssyncadd.s32 $0xFFFFC000  }
0x38: {  	[spmem:s9] =	stream.linear.scatter [tilespmem:s23], [sflag:$0x2], $0x3C00, $0x38;
	[tilespmem:$0x17D00] =	vst v63  }
0x39: {  	_ =	swait.ge [sflag:s24], $0x3C00  }
0x3a: {  	[sflag:s24] =	ssyncset.done $0x0  }
0x3b: {  	[sflag:s24] =	ssyncadd.s32 $0xFFFFC400  }
0x3c: {  	s29 =	sadd.s32 $0x0, s22;
	[bflag:$0x0] =	sbarrier.arrive $0xFFFF  }
0x3d: {  	[tilespmem:s4], [sflag:$0x2] =	stream.linear.gather [hbm4b:s29+s4], $0x80, $0x38;
	[tilespmem:$0x17D00] =	vst v63  }
0x3e: {  	_ =	swait.ge [sflag:s24], $0x80  }
0x3f: {  	[sflag:s24] =	ssyncset.done $0x0  }
0x40: {  	s29 =	sadd.s32 $0x0, s21;
	[sflag:s24] =	ssyncadd.s32 $0xFFFFFF80  }
0x41: {  	[tilespmem:s25], [sflag:$0x2] =	stream.linear.gather [hbm4b:s29+s4], $0x80, $0x38;
	[tilespmem:$0x17D00] =	vst v63  }
0x42: {  	_ =	swait.ge [sflag:s24], $0x80  }
0x43: {  	[sflag:s24] =	ssyncset.done $0x0  }
0x44: {  	[sflag:s24] =	ssyncadd.s32 $0xFFFFFF80  }
0x45: {  	[tilespmem:s23], [sflag:$0x1] =	stream.indirect.gather [hbm4b:s1+s25], $0x80, s4, s25, $0xb8;
	[tilespmem:$0x17D00] =	vst v63  }
0x46: {  	_ =	swait.ge [sflag:s26], $0x4000  }
0x47: {  	[sflag:s26] =	ssyncset.done $0x0  }
0x48: {  	[sflag:s26] =	ssyncadd.s32 $0xFFFFC000  }
0x49: {  	[spmem:s3] =	stream.indirect.scatter.add.f32 [tilespmem:s23], [sflag:$0x2], $0x80, s25, s25, $0xb8;
	[tilespmem:$0x17D00] =	vst v63  }
0x4a: {  	_ =	swait.ge [sflag:s24], $0x4000  }
0x4b: {  	s30 =	simm.s32 $0x20;
	s29 =	simm.s32 $0x10;
	[sflag:s24] =	ssyncset.done $0x0  }
.LBB2_4:
0x4c: {  	s31 =	sadd.s32 s29, s22  }
0x4d: {  	[sflag:s24] =	ssyncadd.s32 $0xFFFFC000;
	s0 =	smov.u32 s30;
	s2 =	sadd.s32 $0x10, s30  }
0x4e: {  	[tilespmem:s4], [sflag:$0x2] =	stream.linear.gather [hbm4b:s31+s4], $0x80, $0x38;
	[tilespmem:$0x17D00] =	vst v63  }
0x4f: {  	p1 =	sne.s32 s30, $0x4E0;
	_ =	swait.ge [sflag:s24], $0x80  }
0x50: {  	[sflag:s24] =	ssyncset.done $0x0  }
0x51: {  	s30 =	sadd.s32 s29, s21;
	s29 =	smov.u32 s0;
	[sflag:s24] =	ssyncadd.s32 $0xFFFFFF80  }
0x52: {  	[tilespmem:s25], [sflag:$0x2] =	stream.linear.gather [hbm4b:s30+s4], $0x80, $0x38;
	[tilespmem:$0x17D00] =	vst v63  }
0x53: {  	_ =	swait.ge [sflag:s24], $0x80  }
0x54: {  	[sflag:s24] =	ssyncset.done $0x0  }
0x55: {  	[sflag:s24] =	ssyncadd.s32 $0xFFFFFF80  }
0x56: {  	[tilespmem:s23], [sflag:$0x1] =	stream.indirect.gather [hbm4b:s1+s25], $0x80, s4, s25, $0xb8;
	[tilespmem:$0x17D00] =	vst v63  }
0x57: {  	_ =	swait.ge [sflag:s26], $0x4000  }
.Ltmp1:
0x58: {  	[sflag:s26] =	ssyncset.done $0x0;
	(pc) =	sbr.rel @p1 .LBB2_4-.Ltmp1, $4  }
0x59: {  	[sflag:s26] =	ssyncadd.s32 $0xFFFFC000  }
0x5a: {  	[spmem:s3] =	stream.indirect.scatter.add.f32 [tilespmem:s23], [sflag:$0x2], $0x80, s25, s25, $0xb8;
	[tilespmem:$0x17D00] =	vst v63  }
0x5b: {  	_ =	swait.ge [sflag:s24], $0x4000  }
0x5c: {  	s30 =	smov.u32 s2;
	[sflag:s24] =	ssyncset.done $0x0  }
0x5d: {  	s0 =	sadd.s32 s29, s22;
	[sflag:s24] =	ssyncadd.s32 $0xFFFFC000  }
0x5e: {  	[tilespmem:s4], [sflag:$0x2] =	stream.linear.gather [hbm4b:s0+s4], $0x80, $0x38;
	[tilespmem:$0x17D00] =	vst v63  }
0x5f: {  	_ =	swait.ge [sflag:s24], $0x80  }
0x60: {  	[sflag:s24] =	ssyncset.done $0x0  }
0x61: {  	s31 =	sadd.s32 s29, s21;
	[sflag:s24] =	ssyncadd.s32 $0xFFFFFF80  }
0x62: {  	[tilespmem:s25], [sflag:$0x2] =	stream.linear.gather [hbm4b:s31+s4], $0x80, $0x38;
	[tilespmem:$0x17D00] =	vst v63  }
0x63: {  	_ =	swait.ge [sflag:s24], $0x80  }
0x64: {  	[sflag:s24] =	ssyncset.done $0x0  }
0x65: {  	[sflag:s24] =	ssyncadd.s32 $0xFFFFFF80  }
0x66: {  	[tilespmem:s23], [sflag:$0x1] =	stream.indirect.gather [hbm4b:s1+s25], $0x80, s4, s25, $0xb8;
	[tilespmem:$0x17D00] =	vst v63  }
0x67: {  	_ =	swait.ge [sflag:s26], $0x4000  }
0x68: {  	[sflag:s26] =	ssyncset.done $0x0  }
0x69: {  	[sflag:s26] =	ssyncadd.s32 $0xFFFFC000  }
0x6a: {  	[spmem:s3] =	stream.indirect.scatter.add.f32 [tilespmem:s23], [sflag:$0x2], $0x80, s25, s25, $0xb8;
	[tilespmem:$0x17D00] =	vst v63  }
0x6b: {  	_ =	swait.ge [sflag:s24], $0x4000  }
0x6c: {  	[sflag:s24] =	ssyncset.done $0x0  }
0x6d: {  	[sflag:s24] =	ssyncadd.s32 $0xFFFFC000  }
0x6e: {  	[bflag:$0x0] =	sbarrier.arrive $0xFFFF  }
0x6f: {  	[tilespmem:s23], [sflag:$0x2] =	stream.linear.gather [spmem:s10], $0x4000, $0x38;
	[tilespmem:$0x17D00] =	vst v63  }
0x70: {  	_ =	swait.ge [sflag:s24], $0x4000  }
0x71: {  	[sflag:s24] =	ssyncset.done $0x0  }
0x72: {  	[sflag:s24] =	ssyncadd.s32 $0xFFFFC000  }
0x73: {  	[hbm4b:s11+s4] =	stream.linear.scatter [tilespmem:s23], [sflag:$0x2], $0x4000, $0x38;
	[tilespmem:$0x17D00] =	vst v63  }
0x74: {  	_ =	swait.ge [sflag:s24], $0x4000  }
0x75: {  	[sflag:s24] =	ssyncset.done $0x0  }
0x76: {  	[sflag:s24] =	ssyncadd.s32 $0xFFFFC000  }
0x77: {  	[tilespmem:s23], [sflag:$0x2] =	stream.linear.gather [spmem:s12], $0x4000, $0x38;
	[tilespmem:$0x17D00] =	vst v63  }
0x78: {  	_ =	swait.ge [sflag:s24], $0x4000  }
0x79: {  	[sflag:s24] =	ssyncset.done $0x0  }
0x7a: {  	[sflag:s24] =	ssyncadd.s32 $0xFFFFC000  }
0x7b: {  	[hbm4b:s13+s4] =	stream.linear.scatter [tilespmem:s23], [sflag:$0x2], $0x4000, $0x38;
	[tilespmem:$0x17D00] =	vst v63  }
0x7c: {  	_ =	swait.ge [sflag:s24], $0x4000  }
0x7d: {  	[sflag:s24] =	ssyncset.done $0x0  }
0x7e: {  	[sflag:s24] =	ssyncadd.s32 $0xFFFFC000  }
0x7f: {  	[tilespmem:s23], [sflag:$0x2] =	stream.linear.gather [spmem:s14], $0x4000, $0x38;
	[tilespmem:$0x17D00] =	vst v63  }
0x80: {  	_ =	swait.ge [sflag:s24], $0x4000  }
0x81: {  	[sflag:s24] =	ssyncset.done $0x0  }
0x82: {  	[sflag:s24] =	ssyncadd.s32 $0xFFFFC000  }
0x83: {  	[hbm4b:s15+s4] =	stream.linear.scatter [tilespmem:s23], [sflag:$0x2], $0x4000, $0x38;
	[tilespmem:$0x17D00] =	vst v63  }
0x84: {  	_ =	swait.ge [sflag:s24], $0x4000  }
0x85: {  	[sflag:s24] =	ssyncset.done $0x0  }
0x86: {  	[sflag:s24] =	ssyncadd.s32 $0xFFFFC000  }
0x87: {  	[tilespmem:s23], [sflag:$0x2] =	stream.linear.gather [spmem:s16], $0x4000, $0x38;
	[tilespmem:$0x17D00] =	vst v63  }
0x88: {  	_ =	swait.ge [sflag:s24], $0x4000  }
0x89: {  	[sflag:s24] =	ssyncset.done $0x0  }
0x8a: {  	[sflag:s24] =	ssyncadd.s32 $0xFFFFC000  }
0x8b: {  	[hbm4b:s17+s4] =	stream.linear.scatter [tilespmem:s23], [sflag:$0x2], $0x4000, $0x38;
	[tilespmem:$0x17D00] =	vst v63  }
0x8c: {  	_ =	swait.ge [sflag:s24], $0x4000  }
0x8d: {  	[sflag:s24] =	ssyncset.done $0x0  }
0x8e: {  	s2 =	simm.s32 @!p0 $0x2;
	s0 =	simm.s32 @!p0 $0x100;
	[sflag:s24] =	ssyncadd.s32 $0xFFFFC000  }
0x8f: {  	[tilespmem:s0], [sflag:$0x2] =	stream.linear.gather @!p0 [spmem:s18], $0x4000, $0x38;
	[tilespmem:$0x17D00] =	vst v63  }
0x90: {  	s28 =	sadd.s32 $0x1, s28;
	_ =	swait.ge @!p0 [sflag:s2], $0x4000  }
0x91: {  	p1 =	sne.s32 s28, s20;
	[sflag:s2] =	ssyncset.done @!p0 $0x0  }
.Ltmp2:
0x92: {  	s29 =	simm.s32 @!p0 $0x0;
	[sflag:s2] =	ssyncadd.s32 @!p0 $0xFFFFC000;
	(pc) =	sbr.rel @p1 .LBB2_1-.Ltmp2, $4  }
0x93: {  	[hbm4b:s19+s29] =	stream.linear.scatter @!p0 [tilespmem:s0], [sflag:$0x2], $0x4000, $0x38;
	[tilespmem:$0x17D00] =	vst v63  }
0x94: {  	_ =	swait.ge @!p0 [sflag:s2], $0x4000  }
0x95: {  	[sflag:s2] =	ssyncset.done @!p0 $0x0  }
0x96: {  	[sflag:s2] =	ssyncadd.s32 @!p0 $0xFFFFC000  }
0x97: {  	_ =	sfence.sel $0x180000  }
0x98: {  	[bflag:$0x0] =	sbarrier.arrive $0xFFFF  }
0x99: {  	_ =	strace $0x90000047  }
0x9a: {  	s0 =	stileid.u32;
	[bflag:$0x2] =	sbarrier.arrive $0xFFFF  }
0x9b: {  	p0 =	sne.s32 s0, $0x0;
	s0 =	rddreg [dreg:$0x4]  }
0x9c: {  	s0 =	sadd.s32 @!p0 $0x100000, s0  }
0x9d: {  	[sflag:s0] =	ssyncadd.tile.s32 @!p0 $0x1;
	_ =	shalt  }
.Lfunc_end2:
_tile_overlayer_lowered:
.L_overlay_start_2:
0x9e: {  	(tag) =	ssettag $0x2  }
0x9f: {  	s0 =	rddreg [dreg:$0x0];
	s2 =	stileid.u32  }
0xa0: {  	s1 =	rddreg [dreg:$0x1];
	p0 =	sne.s32 s2, $0x0  }
0xa1: {  	s3 =	rddreg [dreg:$0x2];
	[bflag:$0x3] =	sbarrier.arrive $0xFFFF;
	s2 =	simm.s32 @!p0 $0x1C02  }
0xa2: {  	[timem:s3], [sflag:s2] =	dma.local @!p0 [hbm:s0], s1  }
0xa3: {  	s0 =	simm.s32 @!p0 $0x2  }
0xa4: {  	_ =	swait.ge @!p0 [sflag:s0], s1  }
0xa5: {  	s1 =	ssub.s32 @!p0 $0x0, s1;
	[sflag:s0] =	ssyncset.done @!p0 $0x0  }
0xa6: {  	[sflag:s0] =	ssyncadd.s32 @!p0 s1  }
0xa7: {  	[bflag:$0x3] =	sbarrier.arrive $0xFFFF  }
0xa8: {  	_ =	shalt  }

</sc_bundles>
